<compile_context>
chip_gen: v7x
topology: tpu7x:2x2x1
jax: 0.10.2.dev20260603
libtpu: 0.0.44.dev20260713+nightly
codegen_flags: <defaults>
</compile_context>

<pallas_src>
import functools

import jax
import jax.numpy as jnp
from jax import lax
from jax.experimental import pallas as pl
from jax.experimental.pallas import tpu as pltpu
from jax.experimental.pallas import tpu_sc as plsc

N_DOCS = 4096
D = 384
H = 256
KR = 50
K = 5
PAD = 64
NS = 16
SLICE = N_DOCS // NS
BIG = 1 << 30
NEG = float("-inf")


def _sims_kernel(q_ref, corpus_ref, out_ref):
    q = q_ref[...]
    qn = q * (1.0 / jnp.clip(jnp.sqrt(jnp.sum(q * q)), 1e-12))
    c = corpus_ref[...]
    ones = jnp.ones((1, D), jnp.float32)
    ssq = lax.dot_general(ones, c * c, (((1,), (1,)), ((), ())))
    inv = 1.0 / jnp.clip(jnp.sqrt(ssq), 1e-12)
    raw = lax.dot_general(qn, c, (((1,), (1,)), ((), ())))
    out_ref[...] = raw * inv


def _sort16(k, v):
    ks, vs = plsc.sort_key_val(k, v, descending=True)
    return ks, vs


def _bitonic_desc(blocks):
    if len(blocks) == 1:
        k, v = blocks[0]
        return [_sort16(k, v)]
    half = len(blocks) // 2
    hi, lo = [], []
    for i in range(half):
        ak, av = blocks[i]
        bk, bv = blocks[i + half]
        sel = ak >= bk
        hi.append((jnp.where(sel, ak, bk), jnp.where(sel, av, bv)))
        lo.append((jnp.where(sel, bk, ak), jnp.where(sel, bv, av)))
    return _bitonic_desc(hi) + _bitonic_desc(lo)


def _rev_list(blocks):
    return [(lax.rev(k, (0,)), lax.rev(v, (0,))) for k, v in reversed(blocks)]


def _merge_desc(a, b):
    return _bitonic_desc(a + _rev_list(b))


def _merge_top(a, b):
    br = _rev_list(b)
    top = []
    for i in range(len(a)):
        ak, av = a[i]
        bk, bv = br[i]
        sel = ak >= bk
        top.append((jnp.where(sel, ak, bk), jnp.where(sel, av, bv)))
    return _bitonic_desc(top)


def _sc_topk(sims_hbm, corpus_hbm, offs_hbm,
             ridx_hbm, rsc_hbm, isc_hbm, docs_hbm,
             svmem, topl_kv, part_kv, sh,
             simsall, ish_v, rsc_s, isc_s, offs_v, rows_v, ridx_s, sem):
    s = lax.axis_index("s")
    iota16 = lax.broadcasted_iota(jnp.int32, (16,), 0)

    pltpu.sync_copy(sims_hbm.at[pl.ds(s * SLICE, SLICE)], svmem)

    runs = []
    for j in range(16):
        kj = svmem[pl.ds(j * 16, 16)]
        vj = s * SLICE + j * 16 + iota16
        runs.append([_sort16(kj, vj)])
    while len(runs) > 1:
        nxt = []
        for a, b in zip(runs[0::2], runs[1::2]):
            if len(a) >= 4:
                nxt.append(_merge_top(a, b))
            else:
                nxt.append(_merge_desc(a, b))
        runs = nxt
    top = runs[0]

    def _store_top(t):
        for b in range(4):
            topl_kv[pl.ds(b * 16, 16)] = t[b][0]
            topl_kv[pl.ds(PAD + b * 16, 16)] = plsc.bitcast(
                t[b][1], jnp.float32)

    def _load_list(buf):
        return [(buf[pl.ds(b * 16, 16)],
                 plsc.bitcast(buf[pl.ds(PAD + b * 16, 16)], jnp.int32))
                for b in range(4)]

    _store_top(top)
    pltpu.sync_copy(topl_kv, sh.at[s, pl.ds(0, 2 * PAD)])
    plsc.subcore_barrier()

    for level in range(4):
        stride = 1 << level
        rbank = (level % 2) * 2 * PAD
        wbank = ((level + 1) % 2) * 2 * PAD
        pltpu.sync_copy(sh.at[s ^ stride, pl.ds(rbank, 2 * PAD)], part_kv)
        t = _merge_top(_load_list(topl_kv), _load_list(part_kv))
        _store_top(t)
        pltpu.sync_copy(topl_kv, sh.at[s, pl.ds(wbank, 2 * PAD)])
        plsc.subcore_barrier()

    @pl.when(s == 0)
    def _finish():
        pltpu.sync_copy(sims_hbm, simsall)
        pltpu.sync_copy(offs_hbm, offs_v)
        koff_v = offs_v[pl.ds(0, 16)]
        kroff_v = offs_v[pl.ds(16, 16)]
        for b in range(4):
            v = plsc.bitcast(topl_kv[pl.ds(PAD + b * 16, 16)], jnp.int32)
            ridx_s[pl.ds(b * 16, 16)] = v
            ishb = jnp.clip(v + kroff_v, 0, N_DOCS - 1)
            ish_v[pl.ds(b * 16, 16)] = ishb
            rsc_s[pl.ds(b * 16, 16)] = plsc.load_gather(simsall, [ishb])
        v0 = plsc.bitcast(topl_kv[pl.ds(PAD, 16)], jnp.int32)
        ish5 = jnp.clip(v0 + koff_v, 0, N_DOCS - 1)
        isc_s[...] = plsc.load_gather(simsall, [ish5])
        pltpu.sync_copy(ridx_s, ridx_hbm)
        pltpu.sync_copy(rsc_s, rsc_hbm)
        pltpu.sync_copy(isc_s, isc_hbm)
        pltpu.async_copy(corpus_hbm.at[ish_v], rows_v, sem).wait()
        pltpu.sync_copy(rows_v, docs_hbm)


_sc_call = functools.partial(
    pl.kernel,
    out_type=[
        jax.ShapeDtypeStruct((PAD,), jnp.int32),
        jax.ShapeDtypeStruct((PAD,), jnp.float32),
        jax.ShapeDtypeStruct((16,), jnp.float32),
        jax.ShapeDtypeStruct((PAD, D), jnp.float32),
    ],
    mesh=plsc.VectorSubcoreMesh(core_axis_name="c", subcore_axis_name="s"),
    compiler_params=pltpu.CompilerParams(needs_layout_passes=False),
    scratch_types=[
        pltpu.VMEM((SLICE,), jnp.float32),
        pltpu.VMEM((2 * PAD,), jnp.float32),
        pltpu.VMEM((2 * PAD,), jnp.float32),
        pltpu.VMEM_SHARED((NS, 4 * PAD), jnp.float32),
        pltpu.VMEM((N_DOCS,), jnp.float32),
        pltpu.VMEM((PAD,), jnp.int32),
        pltpu.VMEM((PAD,), jnp.float32),
        pltpu.VMEM((16,), jnp.float32),
        pltpu.VMEM((32,), jnp.int32),
        pltpu.VMEM((PAD, D), jnp.float32),
        pltpu.VMEM((PAD,), jnp.int32),
        pltpu.SemaphoreType.DMA,
    ],
)(_sc_topk)


def _rerank_kernel(q_ref, docs_ref, ridx_ref, rsc_ref, w1_ref, b1_ref,
                   w2_ref, b2_ref, kroff_ref, fidx_ref, fsc_ref):
    q = q_ref[...]
    qn = q * (1.0 / jnp.clip(jnp.sqrt(jnp.sum(q * q)), 1e-12))
    docs = docs_ref[...]
    dinv = 1.0 / jnp.clip(jnp.sqrt(jnp.sum(docs * docs, axis=1,
                                           keepdims=True)), 1e-12)
    docs_n = docs * dinv

    qh = jnp.dot(qn, w1_ref[:D, :]) + b1_ref[...]
    h = jnp.tanh(jnp.dot(docs_n, w1_ref[D:, :]) + qh)
    cross = jnp.dot(h, w2_ref[...]) + b2_ref[...]

    row_p = lax.broadcasted_iota(jnp.int32, (PAD, 1), 0)
    rer = cross + 0.1 * rsc_ref[...]
    rer = jnp.where(row_p < KR, rer, NEG)
    out_idx = ridx_ref[...] + kroff_ref[...]

    def final_body(i, carry):
        rmask, fidx, fsc = carry
        m = jnp.max(rmask)
        pos = jnp.min(jnp.where(rmask == m, row_p, BIG))
        g = jnp.sum(jnp.where(row_p == pos, out_idx, 0))
        fidx = jnp.where(row_p == i, g, fidx)
        fsc = jnp.where(row_p == i, m, fsc)
        rmask = jnp.where(row_p == pos, NEG, rmask)
        return rmask, fidx, fsc

    fidx0 = jnp.zeros((PAD, 1), jnp.int32)
    fsc0 = jnp.zeros((PAD, 1), jnp.float32)
    _, fidx, fsc = lax.fori_loop(0, K, final_body, (rer, fidx0, fsc0))
    fidx_ref[...] = fidx
    fsc_ref[...] = fsc


@jax.jit
def _run(query_embed, corpus_embeds, W1, b1, W2, b2, koff, kroff):
    sims = pl.pallas_call(
        _sims_kernel,
        out_shape=jax.ShapeDtypeStruct((1, N_DOCS), jnp.float32),
    )(query_embed, corpus_embeds)

    offs = jnp.concatenate([
        jnp.full((16,), koff, jnp.int32),
        jnp.full((16,), kroff, jnp.int32),
    ])
    ridx, rsc, isc, docs = _sc_call(sims.reshape(N_DOCS), corpus_embeds, offs)

    b1r = b1.reshape(1, H)
    b2r = b2.reshape(1, 1)
    kroff_v = jnp.full((PAD, 1), kroff, jnp.int32)
    fidx, fsc = pl.pallas_call(
        _rerank_kernel,
        out_shape=[
            jax.ShapeDtypeStruct((PAD, 1), jnp.int32),
            jax.ShapeDtypeStruct((PAD, 1), jnp.float32),
        ],
    )(query_embed, docs, ridx.reshape(PAD, 1), rsc.reshape(PAD, 1),
      W1, b1r, W2, b2r, kroff_v)

    final_idx = fidx[:K, 0][None, :]
    final_sc = fsc[:K, 0][None, :]
    init_idx = (ridx[:K] + koff)[None, :].astype(jnp.int32)
    init_sc = isc[:K][None, :]
    return final_idx, final_sc, init_idx, init_sc


def kernel(query_embed, corpus_embeds, W1, b1, W2, b2, k, k_retrieval):
    koff = jnp.asarray(k, jnp.int32) - K
    kroff = jnp.asarray(k_retrieval, jnp.int32) - KR
    return _run(query_embed, corpus_embeds, W1, b1, W2, b2, koff, kroff)

# --- scband reference (transcript-rebuilt; emitter-appended) ---
"""Pipeline reference for scband-ragmodel-83519934038685 (READ-ONLY COPY).

The authoritative reference and input builder live on the scoring server;
editing this copy changes nothing except your own understanding.
"""

import jax, jax.numpy as jnp
import numpy as np

N_DOCS = 4096
D = 384
H = 256

def setup_inputs(seed: int = 0) -> dict:
    key = jax.random.key(seed)
    ks = jax.random.split(key, 6)
    query_embed = jax.random.normal(ks[0], (1, D), dtype=jnp.float32)
    corpus_embeds = jax.random.normal(ks[1], (N_DOCS, D), dtype=jnp.float32)
    W1 = jax.random.normal(ks[2], (2 * D, H), dtype=jnp.float32) * 0.05
    b1 = jnp.zeros((H,), dtype=jnp.float32)
    W2 = jax.random.normal(ks[3], (H, 1), dtype=jnp.float32) * 0.05
    b2 = jnp.zeros((1,), dtype=jnp.float32)
    return {"query_embed": query_embed, "corpus_embeds": corpus_embeds,
            "W1": W1, "b1": b1, "W2": W2, "b2": b2, "k": 5, "k_retrieval": 50}

def _l2norm(x):
    return x / jnp.clip(jnp.linalg.norm(x, axis=-1, keepdims=True), 1e-12)

def reference(query_embed, corpus_embeds, W1, b1, W2, b2, k, k_retrieval):
    K_STATIC = 5
    KR_STATIC = 50
    k_off = k - K_STATIC
    kr_off = k_retrieval - KR_STATIC
    reg = 0.1  # regularization_strength -> temperature of soft rank
    q = _l2norm(query_embed)            # (1, D)
    c = _l2norm(corpus_embeds)          # (N, D)
    similarities = q @ c.T              # (1, N) cosine similarities
    s = similarities[0]
    # Differentiable soft_rank (DESCENDING): rank_i = 0.5 + sum_j sigmoid((s_j - s_i)/reg)
    diff = (s[None, :] - s[:, None]) / reg          # (N, N)
    soft_ranks = 0.5 + jnp.sum(jax.nn.sigmoid(diff), axis=1)  # (N,), ~1 = best
    soft_ranks = soft_ranks[None, :]
    # initial top-k (before reranking)
    order = jnp.argsort(soft_ranks[0])
    initial_top_k_indices = (order[:K_STATIC] + k_off)[None, :]      # (1, k)
    initial_top_k_scores = jnp.take_along_axis(similarities, initial_top_k_indices, axis=1)
    # first-stage retrieval set
    top_retrieval_indices = (order[:KR_STATIC] + kr_off)[None, :]    # (1, kr)
    top_retrieval_initial_scores = jnp.take_along_axis(similarities, top_retrieval_indices, axis=1)
    # cross-encoder reranker surrogate: MLP over [query ; doc] pairs
    doc_embeds = jnp.take(c, top_retrieval_indices[0], axis=0)       # (kr, D)
    q_rep = jnp.tile(q, (KR_STATIC, 1))                              # (kr, D)
    feats = jnp.concatenate([q_rep, doc_embeds], axis=-1)            # (kr, 2D)
    h = jnp.tanh(feats @ W1 + b1)
    cross_scores = (h @ W2 + b2)[:, 0][None, :]                      # (1, kr)
    reranked_scores = cross_scores + 0.1 * top_retrieval_initial_scores
    # final top-k after reranking
    top_k_in_retrieved = jnp.argsort(-reranked_scores[0])[:K_STATIC]
    final_top_k_indices = top_retrieval_indices[0][top_k_in_retrieved][None, :]
    final_top_k_scores = reranked_scores[0][top_k_in_retrieved][None, :]
    return (final_top_k_indices, final_top_k_scores, initial_top_k_indices, initial_top_k_scores)

if __name__ == "__main__":
    import jax
    _d = setup_inputs()
    print(jax.jit(kernel)(*tuple(_d.values())))

</pallas_src>

<mosaic_0001>
#map = affine_map<(d0, d1) -> (0)>
#map1 = affine_map<(d0, d1) -> (0, 0)>
module attributes {stable_mosaic.version = 14 : i64} {
  func.func @_sc_topk(%arg0: i32, %arg1: i32, %arg2: memref<4096xf32, #tpu.memory_space<hbm>>, %arg3: memref<4096x384xf32, #tpu.memory_space<hbm>>, %arg4: memref<32xi32, #tpu.memory_space<hbm>>, %arg5: memref<64xi32, #tpu.memory_space<hbm>>, %arg6: memref<64xf32, #tpu.memory_space<hbm>>, %arg7: memref<16xf32, #tpu.memory_space<hbm>>, %arg8: memref<64x384xf32, #tpu.memory_space<hbm>>, %arg9: memref<256xf32, #tpu.memory_space<vmem>>, %arg10: memref<128xf32, #tpu.memory_space<vmem>>, %arg11: memref<128xf32, #tpu.memory_space<vmem>>, %arg12: memref<16x256xf32, #tpu.memory_space<vmem_shared>>, %arg13: memref<4096xf32, #tpu.memory_space<vmem>>, %arg14: memref<64xi32, #tpu.memory_space<vmem>>, %arg15: memref<64xf32, #tpu.memory_space<vmem>>, %arg16: memref<16xf32, #tpu.memory_space<vmem>>, %arg17: memref<32xi32, #tpu.memory_space<vmem>>, %arg18: memref<64x384xf32, #tpu.memory_space<vmem>>, %arg19: memref<64xi32, #tpu.memory_space<vmem>>, %arg20: memref<!tpu.dma_semaphore, #tpu.memory_space<semaphore_mem>>) attributes {dimension_semantics = [#tpu.dimension_semantics<core_parallel>, #tpu.dimension_semantics<subcore_parallel>], iteration_bounds = array<i64: 2, 16>, scalar_prefetch = 0 : i64, scratch_operands = 12 : i64, tpu.core_type = #tpu.core_type<sc_vector_subcore>, window_params = [{transform_indices = #map}, {transform_indices = #map1}, {transform_indices = #map}, {transform_indices = #map}, {transform_indices = #map}, {transform_indices = #map}, {transform_indices = #map1}]} {
    %iota3A = tpu.iota {dimensions = array<i32: 0>} : vector<16xi32>
    %mul3A = arith.constant 256 : i32
    %mul3A_0 = arith.muli %arg1, %mul3A : i32
    "tpu.region"() ({
      %run_scoped3A = tpu.sem_alloc : memref<!tpu.dma_semaphore, #tpu.memory_space<semaphore_mem>>
      %dma_start3A = tpu.memref_slice %arg2[%mul3A_0] : memref<4096xf32, #tpu.memory_space<hbm>> -> memref<256xf32, #tpu.memory_space<hbm>>
      %dma_start3A_1482 = tpu.memref_slice %arg2[%mul3A_0] : memref<4096xf32, #tpu.memory_space<hbm>> -> memref<256xf32, #tpu.memory_space<hbm>>
      tpu.enqueue_dma source(%dma_start3A_1482 : memref<256xf32, #tpu.memory_space<hbm>>) target(%arg9 : memref<256xf32, #tpu.memory_space<vmem>>) target_semaphore(%run_scoped3A : memref<!tpu.dma_semaphore, #tpu.memory_space<semaphore_mem>>)
      %dma_wait3A = tpu.memref_slice %arg2[%mul3A_0] : memref<4096xf32, #tpu.memory_space<hbm>> -> memref<256xf32, #tpu.memory_space<hbm>>
      %dma_wait3A_1483 = tpu.memref_slice %arg2[%mul3A_0] : memref<4096xf32, #tpu.memory_space<hbm>> -> memref<256xf32, #tpu.memory_space<hbm>>
      tpu.wait_dma2 semaphore(%run_scoped3A : memref<!tpu.dma_semaphore, #tpu.memory_space<semaphore_mem>>) src(%dma_wait3A_1483 : memref<256xf32, #tpu.memory_space<hbm>>) dst(%arg9 : memref<256xf32, #tpu.memory_space<vmem>>)
      tpu.yield
    }) : () -> ()
    %get3A = arith.constant 0 : index
    %get3A_1 = tpu.vector_load %arg9[%get3A] {strides = array<i32>} : memref<256xf32, #tpu.memory_space<vmem>>, vector<16xf32>,
    %mul3A_2 = arith.constant 256 : i32
    %mul3A_3 = arith.muli %arg1, %mul3A_2 : i32
    %add3A = arith.constant 0 : i32
    %add3A_4 = arith.addi %mul3A_3, %add3A : i32
    %add3A_5 = vector.broadcast %add3A_4 : i32 to vector<16xi32>
    %add3A_6 = arith.addi %add3A_5, %iota3A : vector<16xi32>
    %masked_sort3A = arith.constant dense<true> : vector<16xi1>
    %masked_sort3A_7, %masked_sort3A_8, %masked_sort3A_9 = tpu.sort %get3A_1, %add3A_6 masked %masked_sort3A {descending = true} : (vector<16xf32>, vector<16xi32>, vector<16xi1>) -> (vector<16xi1>, vector<16xf32>, vector<16xi32>)
    %get3A_10 = arith.constant 16 : index
    %get3A_11 = tpu.vector_load %arg9[%get3A_10] {strides = array<i32>} : memref<256xf32, #tpu.memory_space<vmem>>, vector<16xf32>,
    %mul3A_12 = arith.constant 256 : i32
    %mul3A_13 = arith.muli %arg1, %mul3A_12 : i32
    %add3A_14 = arith.constant 16 : i32
    %add3A_15 = arith.addi %mul3A_13, %add3A_14 : i32
    %add3A_16 = vector.broadcast %add3A_15 : i32 to vector<16xi32>
    %add3A_17 = arith.addi %add3A_16, %iota3A : vector<16xi32>
    %masked_sort3A_18 = arith.constant dense<true> : vector<16xi1>
    %masked_sort3A_19, %masked_sort3A_20, %masked_sort3A_21 = tpu.sort %get3A_11, %add3A_17 masked %masked_sort3A_18 {descending = true} : (vector<16xf32>, vector<16xi32>, vector<16xi1>) -> (vector<16xi1>, vector<16xf32>, vector<16xi32>)
    %get3A_22 = arith.constant 32 : index
    %get3A_23 = tpu.vector_load %arg9[%get3A_22] {strides = array<i32>} : memref<256xf32, #tpu.memory_space<vmem>>, vector<16xf32>,
    %mul3A_24 = arith.constant 256 : i32
    %mul3A_25 = arith.muli %arg1, %mul3A_24 : i32
    %add3A_26 = arith.constant 32 : i32
    %add3A_27 = arith.addi %mul3A_25, %add3A_26 : i32
    %add3A_28 = vector.broadcast %add3A_27 : i32 to vector<16xi32>
    %add3A_29 = arith.addi %add3A_28, %iota3A : vector<16xi32>
    %masked_sort3A_30 = arith.constant dense<true> : vector<16xi1>
    %masked_sort3A_31, %masked_sort3A_32, %masked_sort3A_33 = tpu.sort %get3A_23, %add3A_29 masked %masked_sort3A_30 {descending = true} : (vector<16xf32>, vector<16xi32>, vector<16xi1>) -> (vector<16xi1>, vector<16xf32>, vector<16xi32>)
    %get3A_34 = arith.constant 48 : index
    %get3A_35 = tpu.vector_load %arg9[%get3A_34] {strides = array<i32>} : memref<256xf32, #tpu.memory_space<vmem>>, vector<16xf32>,
    %mul3A_36 = arith.constant 256 : i32
    %mul3A_37 = arith.muli %arg1, %mul3A_36 : i32
    %add3A_38 = arith.constant 48 : i32
    %add3A_39 = arith.addi %mul3A_37, %add3A_38 : i32
    %add3A_40 = vector.broadcast %add3A_39 : i32 to vector<16xi32>
    %add3A_41 = arith.addi %add3A_40, %iota3A : vector<16xi32>
    %masked_sort3A_42 = arith.constant dense<true> : vector<16xi1>
    %masked_sort3A_43, %masked_sort3A_44, %masked_sort3A_45 = tpu.sort %get3A_35, %add3A_41 masked %masked_sort3A_42 {descending = true} : (vector<16xf32>, vector<16xi32>, vector<16xi1>) -> (vector<16xi1>, vector<16xf32>, vector<16xi32>)
    %get3A_46 = arith.constant 64 : index
    %get3A_47 = tpu.vector_load %arg9[%get3A_46] {strides = array<i32>} : memref<256xf32, #tpu.memory_space<vmem>>, vector<16xf32>,
    %mul3A_48 = arith.constant 256 : i32
    %mul3A_49 = arith.muli %arg1, %mul3A_48 : i32
    %add3A_50 = arith.constant 64 : i32
    %add3A_51 = arith.addi %mul3A_49, %add3A_50 : i32
    %add3A_52 = vector.broadcast %add3A_51 : i32 to vector<16xi32>
    %add3A_53 = arith.addi %add3A_52, %iota3A : vector<16xi32>
    %masked_sort3A_54 = arith.constant dense<true> : vector<16xi1>
    %masked_sort3A_55, %masked_sort3A_56, %masked_sort3A_57 = tpu.sort %get3A_47, %add3A_53 masked %masked_sort3A_54 {descending = true} : (vector<16xf32>, vector<16xi32>, vector<16xi1>) -> (vector<16xi1>, vector<16xf32>, vector<16xi32>)
    %get3A_58 = arith.constant 80 : index
    %get3A_59 = tpu.vector_load %arg9[%get3A_58] {strides = array<i32>} : memref<256xf32, #tpu.memory_space<vmem>>, vector<16xf32>,
    %mul3A_60 = arith.constant 256 : i32
    %mul3A_61 = arith.muli %arg1, %mul3A_60 : i32
    %add3A_62 = arith.constant 80 : i32
    %add3A_63 = arith.addi %mul3A_61, %add3A_62 : i32
    %add3A_64 = vector.broadcast %add3A_63 : i32 to vector<16xi32>
    %add3A_65 = arith.addi %add3A_64, %iota3A : vector<16xi32>
    %masked_sort3A_66 = arith.constant dense<true> : vector<16xi1>
    %masked_sort3A_67, %masked_sort3A_68, %masked_sort3A_69 = tpu.sort %get3A_59, %add3A_65 masked %masked_sort3A_66 {descending = true} : (vector<16xf32>, vector<16xi32>, vector<16xi1>) -> (vector<16xi1>, vector<16xf32>, vector<16xi32>)
    %get3A_70 = arith.constant 96 : index
    %get3A_71 = tpu.vector_load %arg9[%get3A_70] {strides = array<i32>} : memref<256xf32, #tpu.memory_space<vmem>>, vector<16xf32>,
    %mul3A_72 = arith.constant 256 : i32
    %mul3A_73 = arith.muli %arg1, %mul3A_72 : i32
    %add3A_74 = arith.constant 96 : i32
    %add3A_75 = arith.addi %mul3A_73, %add3A_74 : i32
    %add3A_76 = vector.broadcast %add3A_75 : i32 to vector<16xi32>
    %add3A_77 = arith.addi %add3A_76, %iota3A : vector<16xi32>
    %masked_sort3A_78 = arith.constant dense<true> : vector<16xi1>
    %masked_sort3A_79, %masked_sort3A_80, %masked_sort3A_81 = tpu.sort %get3A_71, %add3A_77 masked %masked_sort3A_78 {descending = true} : (vector<16xf32>, vector<16xi32>, vector<16xi1>) -> (vector<16xi1>, vector<16xf32>, vector<16xi32>)
    %get3A_82 = arith.constant 112 : index
    %get3A_83 = tpu.vector_load %arg9[%get3A_82] {strides = array<i32>} : memref<256xf32, #tpu.memory_space<vmem>>, vector<16xf32>,
    %mul3A_84 = arith.constant 256 : i32
    %mul3A_85 = arith.muli %arg1, %mul3A_84 : i32
    %add3A_86 = arith.constant 112 : i32
    %add3A_87 = arith.addi %mul3A_85, %add3A_86 : i32
    %add3A_88 = vector.broadcast %add3A_87 : i32 to vector<16xi32>
    %add3A_89 = arith.addi %add3A_88, %iota3A : vector<16xi32>
    %masked_sort3A_90 = arith.constant dense<true> : vector<16xi1>
    %masked_sort3A_91, %masked_sort3A_92, %masked_sort3A_93 = tpu.sort %get3A_83, %add3A_89 masked %masked_sort3A_90 {descending = true} : (vector<16xf32>, vector<16xi32>, vector<16xi1>) -> (vector<16xi1>, vector<16xf32>, vector<16xi32>)
    %get3A_94 = arith.constant 128 : index
    %get3A_95 = tpu.vector_load %arg9[%get3A_94] {strides = array<i32>} : memref<256xf32, #tpu.memory_space<vmem>>, vector<16xf32>,
    %mul3A_96 = arith.constant 256 : i32
    %mul3A_97 = arith.muli %arg1, %mul3A_96 : i32
    %add3A_98 = arith.constant 128 : i32
    %add3A_99 = arith.addi %mul3A_97, %add3A_98 : i32
    %add3A_100 = vector.broadcast %add3A_99 : i32 to vector<16xi32>
    %add3A_101 = arith.addi %add3A_100, %iota3A : vector<16xi32>
    %masked_sort3A_102 = arith.constant dense<true> : vector<16xi1>
    %masked_sort3A_103, %masked_sort3A_104, %masked_sort3A_105 = tpu.sort %get3A_95, %add3A_101 masked %masked_sort3A_102 {descending = true} : (vector<16xf32>, vector<16xi32>, vector<16xi1>) -> (vector<16xi1>, vector<16xf32>, vector<16xi32>)
    %get3A_106 = arith.constant 144 : index
    %get3A_107 = tpu.vector_load %arg9[%get3A_106] {strides = array<i32>} : memref<256xf32, #tpu.memory_space<vmem>>, vector<16xf32>,
    %mul3A_108 = arith.constant 256 : i32
    %mul3A_109 = arith.muli %arg1, %mul3A_108 : i32
    %add3A_110 = arith.constant 144 : i32
    %add3A_111 = arith.addi %mul3A_109, %add3A_110 : i32
    %add3A_112 = vector.broadcast %add3A_111 : i32 to vector<16xi32>
    %add3A_113 = arith.addi %add3A_112, %iota3A : vector<16xi32>
    %masked_sort3A_114 = arith.constant dense<true> : vector<16xi1>
    %masked_sort3A_115, %masked_sort3A_116, %masked_sort3A_117 = tpu.sort %get3A_107, %add3A_113 masked %masked_sort3A_114 {descending = true} : (vector<16xf32>, vector<16xi32>, vector<16xi1>) -> (vector<16xi1>, vector<16xf32>, vector<16xi32>)
    %get3A_118 = arith.constant 160 : index
    %get3A_119 = tpu.vector_load %arg9[%get3A_118] {strides = array<i32>} : memref<256xf32, #tpu.memory_space<vmem>>, vector<16xf32>,
    %mul3A_120 = arith.constant 256 : i32
    %mul3A_121 = arith.muli %arg1, %mul3A_120 : i32
    %add3A_122 = arith.constant 160 : i32
    %add3A_123 = arith.addi %mul3A_121, %add3A_122 : i32
    %add3A_124 = vector.broadcast %add3A_123 : i32 to vector<16xi32>
    %add3A_125 = arith.addi %add3A_124, %iota3A : vector<16xi32>
    %masked_sort3A_126 = arith.constant dense<true> : vector<16xi1>
    %masked_sort3A_127, %masked_sort3A_128, %masked_sort3A_129 = tpu.sort %get3A_119, %add3A_125 masked %masked_sort3A_126 {descending = true} : (vector<16xf32>, vector<16xi32>, vector<16xi1>) -> (vector<16xi1>, vector<16xf32>, vector<16xi32>)
    %get3A_130 = arith.constant 176 : index
    %get3A_131 = tpu.vector_load %arg9[%get3A_130] {strides = array<i32>} : memref<256xf32, #tpu.memory_space<vmem>>, vector<16xf32>,
    %mul3A_132 = arith.constant 256 : i32
    %mul3A_133 = arith.muli %arg1, %mul3A_132 : i32
    %add3A_134 = arith.constant 176 : i32
    %add3A_135 = arith.addi %mul3A_133, %add3A_134 : i32
    %add3A_136 = vector.broadcast %add3A_135 : i32 to vector<16xi32>
    %add3A_137 = arith.addi %add3A_136, %iota3A : vector<16xi32>
    %masked_sort3A_138 = arith.constant dense<true> : vector<16xi1>
    %masked_sort3A_139, %masked_sort3A_140, %masked_sort3A_141 = tpu.sort %get3A_131, %add3A_137 masked %masked_sort3A_138 {descending = true} : (vector<16xf32>, vector<16xi32>, vector<16xi1>) -> (vector<16xi1>, vector<16xf32>, vector<16xi32>)
    %get3A_142 = arith.constant 192 : index
    %get3A_143 = tpu.vector_load %arg9[%get3A_142] {strides = array<i32>} : memref<256xf32, #tpu.memory_space<vmem>>, vector<16xf32>,
    %mul3A_144 = arith.constant 256 : i32
    %mul3A_145 = arith.muli %arg1, %mul3A_144 : i32
    %add3A_146 = arith.constant 192 : i32
    %add3A_147 = arith.addi %mul3A_145, %add3A_146 : i32
    %add3A_148 = vector.broadcast %add3A_147 : i32 to vector<16xi32>
    %add3A_149 = arith.addi %add3A_148, %iota3A : vector<16xi32>
    %masked_sort3A_150 = arith.constant dense<true> : vector<16xi1>
    %masked_sort3A_151, %masked_sort3A_152, %masked_sort3A_153 = tpu.sort %get3A_143, %add3A_149 masked %masked_sort3A_150 {descending = true} : (vector<16xf32>, vector<16xi32>, vector<16xi1>) -> (vector<16xi1>, vector<16xf32>, vector<16xi32>)
    %get3A_154 = arith.constant 208 : index
    %get3A_155 = tpu.vector_load %arg9[%get3A_154] {strides = array<i32>} : memref<256xf32, #tpu.memory_space<vmem>>, vector<16xf32>,
    %mul3A_156 = arith.constant 256 : i32
    %mul3A_157 = arith.muli %arg1, %mul3A_156 : i32
    %add3A_158 = arith.constant 208 : i32
    %add3A_159 = arith.addi %mul3A_157, %add3A_158 : i32
    %add3A_160 = vector.broadcast %add3A_159 : i32 to vector<16xi32>
    %add3A_161 = arith.addi %add3A_160, %iota3A : vector<16xi32>
    %masked_sort3A_162 = arith.constant dense<true> : vector<16xi1>
    %masked_sort3A_163, %masked_sort3A_164, %masked_sort3A_165 = tpu.sort %get3A_155, %add3A_161 masked %masked_sort3A_162 {descending = true} : (vector<16xf32>, vector<16xi32>, vector<16xi1>) -> (vector<16xi1>, vector<16xf32>, vector<16xi32>)
    %get3A_166 = arith.constant 224 : index
    %get3A_167 = tpu.vector_load %arg9[%get3A_166] {strides = array<i32>} : memref<256xf32, #tpu.memory_space<vmem>>, vector<16xf32>,
    %mul3A_168 = arith.constant 256 : i32
    %mul3A_169 = arith.muli %arg1, %mul3A_168 : i32
    %add3A_170 = arith.constant 224 : i32
    %add3A_171 = arith.addi %mul3A_169, %add3A_170 : i32
    %add3A_172 = vector.broadcast %add3A_171 : i32 to vector<16xi32>
    %add3A_173 = arith.addi %add3A_172, %iota3A : vector<16xi32>
    %masked_sort3A_174 = arith.constant dense<true> : vector<16xi1>
    %masked_sort3A_175, %masked_sort3A_176, %masked_sort3A_177 = tpu.sort %get3A_167, %add3A_173 masked %masked_sort3A_174 {descending = true} : (vector<16xf32>, vector<16xi32>, vector<16xi1>) -> (vector<16xi1>, vector<16xf32>, vector<16xi32>)
    %get3A_178 = arith.constant 240 : index
    %get3A_179 = tpu.vector_load %arg9[%get3A_178] {strides = array<i32>} : memref<256xf32, #tpu.memory_space<vmem>>, vector<16xf32>,
    %mul3A_180 = arith.constant 256 : i32
    %mul3A_181 = arith.muli %arg1, %mul3A_180 : i32
    %add3A_182 = arith.constant 240 : i32
    %add3A_183 = arith.addi %mul3A_181, %add3A_182 : i32
    %add3A_184 = vector.broadcast %add3A_183 : i32 to vector<16xi32>
    %add3A_185 = arith.addi %add3A_184, %iota3A : vector<16xi32>
    %masked_sort3A_186 = arith.constant dense<true> : vector<16xi1>
    %masked_sort3A_187, %masked_sort3A_188, %masked_sort3A_189 = tpu.sort %get3A_179, %add3A_185 masked %masked_sort3A_186 {descending = true} : (vector<16xf32>, vector<16xi32>, vector<16xi1>) -> (vector<16xi1>, vector<16xf32>, vector<16xi32>)
    %rev3A = arith.constant 15 : i32
    %rev3A_190 = vector.broadcast %rev3A : i32 to vector<16xi32>
    %rev3A_191 = tpu.iota {dimensions = array<i32: 0>} : vector<16xi32>
    %rev3A_192 = arith.subi %rev3A_190, %rev3A_191 : vector<16xi32>
    %rev3A_193 = tpu.dynamic_gather %masked_sort3A_20[%rev3A_192] in [0] : vector<16xf32>, vector<16xi32> -> vector<16xf32>
    %rev3A_194 = arith.constant 15 : i32
    %rev3A_195 = vector.broadcast %rev3A_194 : i32 to vector<16xi32>
    %rev3A_196 = tpu.iota {dimensions = array<i32: 0>} : vector<16xi32>
    %rev3A_197 = arith.subi %rev3A_195, %rev3A_196 : vector<16xi32>
    %rev3A_198 = tpu.dynamic_gather %masked_sort3A_21[%rev3A_197] in [0] : vector<16xi32>, vector<16xi32> -> vector<16xi32>
    %ge3A = arith.cmpf oge, %masked_sort3A_8, %rev3A_193 : vector<16xf32>
    %select_n3A = arith.select %ge3A, %masked_sort3A_8, %rev3A_193 : vector<16xi1>, vector<16xf32>
    %select_n3A_199 = arith.select %ge3A, %masked_sort3A_9, %rev3A_198 : vector<16xi1>, vector<16xi32>
    %select_n3A_200 = arith.select %ge3A, %rev3A_193, %masked_sort3A_8 : vector<16xi1>, vector<16xf32>
    %select_n3A_201 = arith.select %ge3A, %rev3A_198, %masked_sort3A_9 : vector<16xi1>, vector<16xi32>
    %masked_sort3A_202 = arith.constant dense<true> : vector<16xi1>
    %masked_sort3A_203, %masked_sort3A_204, %masked_sort3A_205 = tpu.sort %select_n3A, %select_n3A_199 masked %masked_sort3A_202 {descending = true} : (vector<16xf32>, vector<16xi32>, vector<16xi1>) -> (vector<16xi1>, vector<16xf32>, vector<16xi32>)
    %masked_sort3A_206 = arith.constant dense<true> : vector<16xi1>
    %masked_sort3A_207, %masked_sort3A_208, %masked_sort3A_209 = tpu.sort %select_n3A_200, %select_n3A_201 masked %masked_sort3A_206 {descending = true} : (vector<16xf32>, vector<16xi32>, vector<16xi1>) -> (vector<16xi1>, vector<16xf32>, vector<16xi32>)
    %rev3A_210 = arith.constant 15 : i32
    %rev3A_211 = vector.broadcast %rev3A_210 : i32 to vector<16xi32>
    %rev3A_212 = tpu.iota {dimensions = array<i32: 0>} : vector<16xi32>
    %rev3A_213 = arith.subi %rev3A_211, %rev3A_212 : vector<16xi32>
    %rev3A_214 = tpu.dynamic_gather %masked_sort3A_44[%rev3A_213] in [0] : vector<16xf32>, vector<16xi32> -> vector<16xf32>
    %rev3A_215 = arith.constant 15 : i32
    %rev3A_216 = vector.broadcast %rev3A_215 : i32 to vector<16xi32>
    %rev3A_217 = tpu.iota {dimensions = array<i32: 0>} : vector<16xi32>
    %rev3A_218 = arith.subi %rev3A_216, %rev3A_217 : vector<16xi32>
    %rev3A_219 = tpu.dynamic_gather %masked_sort3A_45[%rev3A_218] in [0] : vector<16xi32>, vector<16xi32> -> vector<16xi32>
    %ge3A_220 = arith.cmpf oge, %masked_sort3A_32, %rev3A_214 : vector<16xf32>
    %select_n3A_221 = arith.select %ge3A_220, %masked_sort3A_32, %rev3A_214 : vector<16xi1>, vector<16xf32>
    %select_n3A_222 = arith.select %ge3A_220, %masked_sort3A_33, %rev3A_219 : vector<16xi1>, vector<16xi32>
    %select_n3A_223 = arith.select %ge3A_220, %rev3A_214, %masked_sort3A_32 : vector<16xi1>, vector<16xf32>
    %select_n3A_224 = arith.select %ge3A_220, %rev3A_219, %masked_sort3A_33 : vector<16xi1>, vector<16xi32>
    %masked_sort3A_225 = arith.constant dense<true> : vector<16xi1>
    %masked_sort3A_226, %masked_sort3A_227, %masked_sort3A_228 = tpu.sort %select_n3A_221, %select_n3A_222 masked %masked_sort3A_225 {descending = true} : (vector<16xf32>, vector<16xi32>, vector<16xi1>) -> (vector<16xi1>, vector<16xf32>, vector<16xi32>)
    %masked_sort3A_229 = arith.constant dense<true> : vector<16xi1>
    %masked_sort3A_230, %masked_sort3A_231, %masked_sort3A_232 = tpu.sort %select_n3A_223, %select_n3A_224 masked %masked_sort3A_229 {descending = true} : (vector<16xf32>, vector<16xi32>, vector<16xi1>) -> (vector<16xi1>, vector<16xf32>, vector<16xi32>)
    %rev3A_233 = arith.constant 15 : i32
    %rev3A_234 = vector.broadcast %rev3A_233 : i32 to vector<16xi32>
    %rev3A_235 = tpu.iota {dimensions = array<i32: 0>} : vector<16xi32>
    %rev3A_236 = arith.subi %rev3A_234, %rev3A_235 : vector<16xi32>
    %rev3A_237 = tpu.dynamic_gather %masked_sort3A_68[%rev3A_236] in [0] : vector<16xf32>, vector<16xi32> -> vector<16xf32>
    %rev3A_238 = arith.constant 15 : i32
    %rev3A_239 = vector.broadcast %rev3A_238 : i32 to vector<16xi32>
    %rev3A_240 = tpu.iota {dimensions = array<i32: 0>} : vector<16xi32>
    %rev3A_241 = arith.subi %rev3A_239, %rev3A_240 : vector<16xi32>
    %rev3A_242 = tpu.dynamic_gather %masked_sort3A_69[%rev3A_241] in [0] : vector<16xi32>, vector<16xi32> -> vector<16xi32>
    %ge3A_243 = arith.cmpf oge, %masked_sort3A_56, %rev3A_237 : vector<16xf32>
    %select_n3A_244 = arith.select %ge3A_243, %masked_sort3A_56, %rev3A_237 : vector<16xi1>, vector<16xf32>
    %select_n3A_245 = arith.select %ge3A_243, %masked_sort3A_57, %rev3A_242 : vector<16xi1>, vector<16xi32>
    %select_n3A_246 = arith.select %ge3A_243, %rev3A_237, %masked_sort3A_56 : vector<16xi1>, vector<16xf32>
    %select_n3A_247 = arith.select %ge3A_243, %rev3A_242, %masked_sort3A_57 : vector<16xi1>, vector<16xi32>
    %masked_sort3A_248 = arith.constant dense<true> : vector<16xi1>
    %masked_sort3A_249, %masked_sort3A_250, %masked_sort3A_251 = tpu.sort %select_n3A_244, %select_n3A_245 masked %masked_sort3A_248 {descending = true} : (vector<16xf32>, vector<16xi32>, vector<16xi1>) -> (vector<16xi1>, vector<16xf32>, vector<16xi32>)
    %masked_sort3A_252 = arith.constant dense<true> : vector<16xi1>
    %masked_sort3A_253, %masked_sort3A_254, %masked_sort3A_255 = tpu.sort %select_n3A_246, %select_n3A_247 masked %masked_sort3A_252 {descending = true} : (vector<16xf32>, vector<16xi32>, vector<16xi1>) -> (vector<16xi1>, vector<16xf32>, vector<16xi32>)
    %rev3A_256 = arith.constant 15 : i32
    %rev3A_257 = vector.broadcast %rev3A_256 : i32 to vector<16xi32>
    %rev3A_258 = tpu.iota {dimensions = array<i32: 0>} : vector<16xi32>
    %rev3A_259 = arith.subi %rev3A_257, %rev3A_258 : vector<16xi32>
    %rev3A_260 = tpu.dynamic_gather %masked_sort3A_92[%rev3A_259] in [0] : vector<16xf32>, vector<16xi32> -> vector<16xf32>
    %rev3A_261 = arith.constant 15 : i32
    %rev3A_262 = vector.broadcast %rev3A_261 : i32 to vector<16xi32>
    %rev3A_263 = tpu.iota {dimensions = array<i32: 0>} : vector<16xi32>
    %rev3A_264 = arith.subi %rev3A_262, %rev3A_263 : vector<16xi32>
    %rev3A_265 = tpu.dynamic_gather %masked_sort3A_93[%rev3A_264] in [0] : vector<16xi32>, vector<16xi32> -> vector<16xi32>
    %ge3A_266 = arith.cmpf oge, %masked_sort3A_80, %rev3A_260 : vector<16xf32>
    %select_n3A_267 = arith.select %ge3A_266, %masked_sort3A_80, %rev3A_260 : vector<16xi1>, vector<16xf32>
    %select_n3A_268 = arith.select %ge3A_266, %masked_sort3A_81, %rev3A_265 : vector<16xi1>, vector<16xi32>
    %select_n3A_269 = arith.select %ge3A_266, %rev3A_260, %masked_sort3A_80 : vector<16xi1>, vector<16xf32>
    %select_n3A_270 = arith.select %ge3A_266, %rev3A_265, %masked_sort3A_81 : vector<16xi1>, vector<16xi32>
    %masked_sort3A_271 = arith.constant dense<true> : vector<16xi1>
    %masked_sort3A_272, %masked_sort3A_273, %masked_sort3A_274 = tpu.sort %select_n3A_267, %select_n3A_268 masked %masked_sort3A_271 {descending = true} : (vector<16xf32>, vector<16xi32>, vector<16xi1>) -> (vector<16xi1>, vector<16xf32>, vector<16xi32>)
    %masked_sort3A_275 = arith.constant dense<true> : vector<16xi1>
    %masked_sort3A_276, %masked_sort3A_277, %masked_sort3A_278 = tpu.sort %select_n3A_269, %select_n3A_270 masked %masked_sort3A_275 {descending = true} : (vector<16xf32>, vector<16xi32>, vector<16xi1>) -> (vector<16xi1>, vector<16xf32>, vector<16xi32>)
    %rev3A_279 = arith.constant 15 : i32
    %rev3A_280 = vector.broadcast %rev3A_279 : i32 to vector<16xi32>
    %rev3A_281 = tpu.iota {dimensions = array<i32: 0>} : vector<16xi32>
    %rev3A_282 = arith.subi %rev3A_280, %rev3A_281 : vector<16xi32>
    %rev3A_283 = tpu.dynamic_gather %masked_sort3A_116[%rev3A_282] in [0] : vector<16xf32>, vector<16xi32> -> vector<16xf32>
    %rev3A_284 = arith.constant 15 : i32
    %rev3A_285 = vector.broadcast %rev3A_284 : i32 to vector<16xi32>
    %rev3A_286 = tpu.iota {dimensions = array<i32: 0>} : vector<16xi32>
    %rev3A_287 = arith.subi %rev3A_285, %rev3A_286 : vector<16xi32>
    %rev3A_288 = tpu.dynamic_gather %masked_sort3A_117[%rev3A_287] in [0] : vector<16xi32>, vector<16xi32> -> vector<16xi32>
    %ge3A_289 = arith.cmpf oge, %masked_sort3A_104, %rev3A_283 : vector<16xf32>
    %select_n3A_290 = arith.select %ge3A_289, %masked_sort3A_104, %rev3A_283 : vector<16xi1>, vector<16xf32>
    %select_n3A_291 = arith.select %ge3A_289, %masked_sort3A_105, %rev3A_288 : vector<16xi1>, vector<16xi32>
    %select_n3A_292 = arith.select %ge3A_289, %rev3A_283, %masked_sort3A_104 : vector<16xi1>, vector<16xf32>
    %select_n3A_293 = arith.select %ge3A_289, %rev3A_288, %masked_sort3A_105 : vector<16xi1>, vector<16xi32>
    %masked_sort3A_294 = arith.constant dense<true> : vector<16xi1>
    %masked_sort3A_295, %masked_sort3A_296, %masked_sort3A_297 = tpu.sort %select_n3A_290, %select_n3A_291 masked %masked_sort3A_294 {descending = true} : (vector<16xf32>, vector<16xi32>, vector<16xi1>) -> (vector<16xi1>, vector<16xf32>, vector<16xi32>)
    %masked_sort3A_298 = arith.constant dense<true> : vector<16xi1>
    %masked_sort3A_299, %masked_sort3A_300, %masked_sort3A_301 = tpu.sort %select_n3A_292, %select_n3A_293 masked %masked_sort3A_298 {descending = true} : (vector<16xf32>, vector<16xi32>, vector<16xi1>) -> (vector<16xi1>, vector<16xf32>, vector<16xi32>)
    %rev3A_302 = arith.constant 15 : i32
    %rev3A_303 = vector.broadcast %rev3A_302 : i32 to vector<16xi32>
    %rev3A_304 = tpu.iota {dimensions = array<i32: 0>} : vector<16xi32>
    %rev3A_305 = arith.subi %rev3A_303, %rev3A_304 : vector<16xi32>
    %rev3A_306 = tpu.dynamic_gather %masked_sort3A_140[%rev3A_305] in [0] : vector<16xf32>, vector<16xi32> -> vector<16xf32>
    %rev3A_307 = arith.constant 15 : i32
    %rev3A_308 = vector.broadcast %rev3A_307 : i32 to vector<16xi32>
    %rev3A_309 = tpu.iota {dimensions = array<i32: 0>} : vector<16xi32>
    %rev3A_310 = arith.subi %rev3A_308, %rev3A_309 : vector<16xi32>
    %rev3A_311 = tpu.dynamic_gather %masked_sort3A_141[%rev3A_310] in [0] : vector<16xi32>, vector<16xi32> -> vector<16xi32>
    %ge3A_312 = arith.cmpf oge, %masked_sort3A_128, %rev3A_306 : vector<16xf32>
    %select_n3A_313 = arith.select %ge3A_312, %masked_sort3A_128, %rev3A_306 : vector<16xi1>, vector<16xf32>
    %select_n3A_314 = arith.select %ge3A_312, %masked_sort3A_129, %rev3A_311 : vector<16xi1>, vector<16xi32>
    %select_n3A_315 = arith.select %ge3A_312, %rev3A_306, %masked_sort3A_128 : vector<16xi1>, vector<16xf32>
    %select_n3A_316 = arith.select %ge3A_312, %rev3A_311, %masked_sort3A_129 : vector<16xi1>, vector<16xi32>
    %masked_sort3A_317 = arith.constant dense<true> : vector<16xi1>
    %masked_sort3A_318, %masked_sort3A_319, %masked_sort3A_320 = tpu.sort %select_n3A_313, %select_n3A_314 masked %masked_sort3A_317 {descending = true} : (vector<16xf32>, vector<16xi32>, vector<16xi1>) -> (vector<16xi1>, vector<16xf32>, vector<16xi32>)
    %masked_sort3A_321 = arith.constant dense<true> : vector<16xi1>
    %masked_sort3A_322, %masked_sort3A_323, %masked_sort3A_324 = tpu.sort %select_n3A_315, %select_n3A_316 masked %masked_sort3A_321 {descending = true} : (vector<16xf32>, vector<16xi32>, vector<16xi1>) -> (vector<16xi1>, vector<16xf32>, vector<16xi32>)
    %rev3A_325 = arith.constant 15 : i32
    %rev3A_326 = vector.broadcast %rev3A_325 : i32 to vector<16xi32>
    %rev3A_327 = tpu.iota {dimensions = array<i32: 0>} : vector<16xi32>
    %rev3A_328 = arith.subi %rev3A_326, %rev3A_327 : vector<16xi32>
    %rev3A_329 = tpu.dynamic_gather %masked_sort3A_164[%rev3A_328] in [0] : vector<16xf32>, vector<16xi32> -> vector<16xf32>
    %rev3A_330 = arith.constant 15 : i32
    %rev3A_331 = vector.broadcast %rev3A_330 : i32 to vector<16xi32>
    %rev3A_332 = tpu.iota {dimensions = array<i32: 0>} : vector<16xi32>
    %rev3A_333 = arith.subi %rev3A_331, %rev3A_332 : vector<16xi32>
    %rev3A_334 = tpu.dynamic_gather %masked_sort3A_165[%rev3A_333] in [0] : vector<16xi32>, vector<16xi32> -> vector<16xi32>
    %ge3A_335 = arith.cmpf oge, %masked_sort3A_152, %rev3A_329 : vector<16xf32>
    %select_n3A_336 = arith.select %ge3A_335, %masked_sort3A_152, %rev3A_329 : vector<16xi1>, vector<16xf32>
    %select_n3A_337 = arith.select %ge3A_335, %masked_sort3A_153, %rev3A_334 : vector<16xi1>, vector<16xi32>
    %select_n3A_338 = arith.select %ge3A_335, %rev3A_329, %masked_sort3A_152 : vector<16xi1>, vector<16xf32>
    %select_n3A_339 = arith.select %ge3A_335, %rev3A_334, %masked_sort3A_153 : vector<16xi1>, vector<16xi32>
    %masked_sort3A_340 = arith.constant dense<true> : vector<16xi1>
    %masked_sort3A_341, %masked_sort3A_342, %masked_sort3A_343 = tpu.sort %select_n3A_336, %select_n3A_337 masked %masked_sort3A_340 {descending = true} : (vector<16xf32>, vector<16xi32>, vector<16xi1>) -> (vector<16xi1>, vector<16xf32>, vector<16xi32>)
    %masked_sort3A_344 = arith.constant dense<true> : vector<16xi1>
    %masked_sort3A_345, %masked_sort3A_346, %masked_sort3A_347 = tpu.sort %select_n3A_338, %select_n3A_339 masked %masked_sort3A_344 {descending = true} : (vector<16xf32>, vector<16xi32>, vector<16xi1>) -> (vector<16xi1>, vector<16xf32>, vector<16xi32>)
    %rev3A_348 = arith.constant 15 : i32
    %rev3A_349 = vector.broadcast %rev3A_348 : i32 to vector<16xi32>
    %rev3A_350 = tpu.iota {dimensions = array<i32: 0>} : vector<16xi32>
    %rev3A_351 = arith.subi %rev3A_349, %rev3A_350 : vector<16xi32>
    %rev3A_352 = tpu.dynamic_gather %masked_sort3A_188[%rev3A_351] in [0] : vector<16xf32>, vector<16xi32> -> vector<16xf32>
    %rev3A_353 = arith.constant 15 : i32
    %rev3A_354 = vector.broadcast %rev3A_353 : i32 to vector<16xi32>
    %rev3A_355 = tpu.iota {dimensions = array<i32: 0>} : vector<16xi32>
    %rev3A_356 = arith.subi %rev3A_354, %rev3A_355 : vector<16xi32>
    %rev3A_357 = tpu.dynamic_gather %masked_sort3A_189[%rev3A_356] in [0] : vector<16xi32>, vector<16xi32> -> vector<16xi32>
    %ge3A_358 = arith.cmpf oge, %masked_sort3A_176, %rev3A_352 : vector<16xf32>
    %select_n3A_359 = arith.select %ge3A_358, %masked_sort3A_176, %rev3A_352 : vector<16xi1>, vector<16xf32>
    %select_n3A_360 = arith.select %ge3A_358, %masked_sort3A_177, %rev3A_357 : vector<16xi1>, vector<16xi32>
    %select_n3A_361 = arith.select %ge3A_358, %rev3A_352, %masked_sort3A_176 : vector<16xi1>, vector<16xf32>
    %select_n3A_362 = arith.select %ge3A_358, %rev3A_357, %masked_sort3A_177 : vector<16xi1>, vector<16xi32>
    %masked_sort3A_363 = arith.constant dense<true> : vector<16xi1>
    %masked_sort3A_364, %masked_sort3A_365, %masked_sort3A_366 = tpu.sort %select_n3A_359, %select_n3A_360 masked %masked_sort3A_363 {descending = true} : (vector<16xf32>, vector<16xi32>, vector<16xi1>) -> (vector<16xi1>, vector<16xf32>, vector<16xi32>)
    %masked_sort3A_367 = arith.constant dense<true> : vector<16xi1>
    %masked_sort3A_368, %masked_sort3A_369, %masked_sort3A_370 = tpu.sort %select_n3A_361, %select_n3A_362 masked %masked_sort3A_367 {descending = true} : (vector<16xf32>, vector<16xi32>, vector<16xi1>) -> (vector<16xi1>, vector<16xf32>, vector<16xi32>)
    %rev3A_371 = arith.constant 15 : i32
    %rev3A_372 = vector.broadcast %rev3A_371 : i32 to vector<16xi32>
    %rev3A_373 = tpu.iota {dimensions = array<i32: 0>} : vector<16xi32>
    %rev3A_374 = arith.subi %rev3A_372, %rev3A_373 : vector<16xi32>
    %rev3A_375 = tpu.dynamic_gather %masked_sort3A_231[%rev3A_374] in [0] : vector<16xf32>, vector<16xi32> -> vector<16xf32>
    %rev3A_376 = arith.constant 15 : i32
    %rev3A_377 = vector.broadcast %rev3A_376 : i32 to vector<16xi32>
    %rev3A_378 = tpu.iota {dimensions = array<i32: 0>} : vector<16xi32>
    %rev3A_379 = arith.subi %rev3A_377, %rev3A_378 : vector<16xi32>
    %rev3A_380 = tpu.dynamic_gather %masked_sort3A_232[%rev3A_379] in [0] : vector<16xi32>, vector<16xi32> -> vector<16xi32>
    %rev3A_381 = arith.constant 15 : i32
    %rev3A_382 = vector.broadcast %rev3A_381 : i32 to vector<16xi32>
    %rev3A_383 = tpu.iota {dimensions = array<i32: 0>} : vector<16xi32>
    %rev3A_384 = arith.subi %rev3A_382, %rev3A_383 : vector<16xi32>
    %rev3A_385 = tpu.dynamic_gather %masked_sort3A_227[%rev3A_384] in [0] : vector<16xf32>, vector<16xi32> -> vector<16xf32>
    %rev3A_386 = arith.constant 15 : i32
    %rev3A_387 = vector.broadcast %rev3A_386 : i32 to vector<16xi32>
    %rev3A_388 = tpu.iota {dimensions = array<i32: 0>} : vector<16xi32>
    %rev3A_389 = arith.subi %rev3A_387, %rev3A_388 : vector<16xi32>
    %rev3A_390 = tpu.dynamic_gather %masked_sort3A_228[%rev3A_389] in [0] : vector<16xi32>, vector<16xi32> -> vector<16xi32>
    %ge3A_391 = arith.cmpf oge, %masked_sort3A_204, %rev3A_375 : vector<16xf32>
    %select_n3A_392 = arith.select %ge3A_391, %masked_sort3A_204, %rev3A_375 : vector<16xi1>, vector<16xf32>
    %select_n3A_393 = arith.select %ge3A_391, %masked_sort3A_205, %rev3A_380 : vector<16xi1>, vector<16xi32>
    %select_n3A_394 = arith.select %ge3A_391, %rev3A_375, %masked_sort3A_204 : vector<16xi1>, vector<16xf32>
    %select_n3A_395 = arith.select %ge3A_391, %rev3A_380, %masked_sort3A_205 : vector<16xi1>, vector<16xi32>
    %ge3A_396 = arith.cmpf oge, %masked_sort3A_208, %rev3A_385 : vector<16xf32>
    %select_n3A_397 = arith.select %ge3A_396, %masked_sort3A_208, %rev3A_385 : vector<16xi1>, vector<16xf32>
    %select_n3A_398 = arith.select %ge3A_396, %masked_sort3A_209, %rev3A_390 : vector<16xi1>, vector<16xi32>
    %select_n3A_399 = arith.select %ge3A_396, %rev3A_385, %masked_sort3A_208 : vector<16xi1>, vector<16xf32>
    %select_n3A_400 = arith.select %ge3A_396, %rev3A_390, %masked_sort3A_209 : vector<16xi1>, vector<16xi32>
    %ge3A_401 = arith.cmpf oge, %select_n3A_392, %select_n3A_397 : vector<16xf32>
    %select_n3A_402 = arith.select %ge3A_401, %select_n3A_392, %select_n3A_397 : vector<16xi1>, vector<16xf32>
    %select_n3A_403 = arith.select %ge3A_401, %select_n3A_393, %select_n3A_398 : vector<16xi1>, vector<16xi32>
    %select_n3A_404 = arith.select %ge3A_401, %select_n3A_397, %select_n3A_392 : vector<16xi1>, vector<16xf32>
    %select_n3A_405 = arith.select %ge3A_401, %select_n3A_398, %select_n3A_393 : vector<16xi1>, vector<16xi32>
    %masked_sort3A_406 = arith.constant dense<true> : vector<16xi1>
    %masked_sort3A_407, %masked_sort3A_408, %masked_sort3A_409 = tpu.sort %select_n3A_402, %select_n3A_403 masked %masked_sort3A_406 {descending = true} : (vector<16xf32>, vector<16xi32>, vector<16xi1>) -> (vector<16xi1>, vector<16xf32>, vector<16xi32>)
    %masked_sort3A_410 = arith.constant dense<true> : vector<16xi1>
    %masked_sort3A_411, %masked_sort3A_412, %masked_sort3A_413 = tpu.sort %select_n3A_404, %select_n3A_405 masked %masked_sort3A_410 {descending = true} : (vector<16xf32>, vector<16xi32>, vector<16xi1>) -> (vector<16xi1>, vector<16xf32>, vector<16xi32>)
    %ge3A_414 = arith.cmpf oge, %select_n3A_394, %select_n3A_399 : vector<16xf32>
    %select_n3A_415 = arith.select %ge3A_414, %select_n3A_394, %select_n3A_399 : vector<16xi1>, vector<16xf32>
    %select_n3A_416 = arith.select %ge3A_414, %select_n3A_395, %select_n3A_400 : vector<16xi1>, vector<16xi32>
    %select_n3A_417 = arith.select %ge3A_414, %select_n3A_399, %select_n3A_394 : vector<16xi1>, vector<16xf32>
    %select_n3A_418 = arith.select %ge3A_414, %select_n3A_400, %select_n3A_395 : vector<16xi1>, vector<16xi32>
    %masked_sort3A_419 = arith.constant dense<true> : vector<16xi1>
    %masked_sort3A_420, %masked_sort3A_421, %masked_sort3A_422 = tpu.sort %select_n3A_415, %select_n3A_416 masked %masked_sort3A_419 {descending = true} : (vector<16xf32>, vector<16xi32>, vector<16xi1>) -> (vector<16xi1>, vector<16xf32>, vector<16xi32>)
    %masked_sort3A_423 = arith.constant dense<true> : vector<16xi1>
    %masked_sort3A_424, %masked_sort3A_425, %masked_sort3A_426 = tpu.sort %select_n3A_417, %select_n3A_418 masked %masked_sort3A_423 {descending = true} : (vector<16xf32>, vector<16xi32>, vector<16xi1>) -> (vector<16xi1>, vector<16xf32>, vector<16xi32>)
    %rev3A_427 = arith.constant 15 : i32
    %rev3A_428 = vector.broadcast %rev3A_427 : i32 to vector<16xi32>
    %rev3A_429 = tpu.iota {dimensions = array<i32: 0>} : vector<16xi32>
    %rev3A_430 = arith.subi %rev3A_428, %rev3A_429 : vector<16xi32>
    %rev3A_431 = tpu.dynamic_gather %masked_sort3A_277[%rev3A_430] in [0] : vector<16xf32>, vector<16xi32> -> vector<16xf32>
    %rev3A_432 = arith.constant 15 : i32
    %rev3A_433 = vector.broadcast %rev3A_432 : i32 to vector<16xi32>
    %rev3A_434 = tpu.iota {dimensions = array<i32: 0>} : vector<16xi32>
    %rev3A_435 = arith.subi %rev3A_433, %rev3A_434 : vector<16xi32>
    %rev3A_436 = tpu.dynamic_gather %masked_sort3A_278[%rev3A_435] in [0] : vector<16xi32>, vector<16xi32> -> vector<16xi32>
    %rev3A_437 = arith.constant 15 : i32
    %rev3A_438 = vector.broadcast %rev3A_437 : i32 to vector<16xi32>
    %rev3A_439 = tpu.iota {dimensions = array<i32: 0>} : vector<16xi32>
    %rev3A_440 = arith.subi %rev3A_438, %rev3A_439 : vector<16xi32>
    %rev3A_441 = tpu.dynamic_gather %masked_sort3A_273[%rev3A_440] in [0] : vector<16xf32>, vector<16xi32> -> vector<16xf32>
    %rev3A_442 = arith.constant 15 : i32
    %rev3A_443 = vector.broadcast %rev3A_442 : i32 to vector<16xi32>
    %rev3A_444 = tpu.iota {dimensions = array<i32: 0>} : vector<16xi32>
    %rev3A_445 = arith.subi %rev3A_443, %rev3A_444 : vector<16xi32>
    %rev3A_446 = tpu.dynamic_gather %masked_sort3A_274[%rev3A_445] in [0] : vector<16xi32>, vector<16xi32> -> vector<16xi32>
    %ge3A_447 = arith.cmpf oge, %masked_sort3A_250, %rev3A_431 : vector<16xf32>
    %select_n3A_448 = arith.select %ge3A_447, %masked_sort3A_250, %rev3A_431 : vector<16xi1>, vector<16xf32>
    %select_n3A_449 = arith.select %ge3A_447, %masked_sort3A_251, %rev3A_436 : vector<16xi1>, vector<16xi32>
    %select_n3A_450 = arith.select %ge3A_447, %rev3A_431, %masked_sort3A_250 : vector<16xi1>, vector<16xf32>
    %select_n3A_451 = arith.select %ge3A_447, %rev3A_436, %masked_sort3A_251 : vector<16xi1>, vector<16xi32>
    %ge3A_452 = arith.cmpf oge, %masked_sort3A_254, %rev3A_441 : vector<16xf32>
    %select_n3A_453 = arith.select %ge3A_452, %masked_sort3A_254, %rev3A_441 : vector<16xi1>, vector<16xf32>
    %select_n3A_454 = arith.select %ge3A_452, %masked_sort3A_255, %rev3A_446 : vector<16xi1>, vector<16xi32>
    %select_n3A_455 = arith.select %ge3A_452, %rev3A_441, %masked_sort3A_254 : vector<16xi1>, vector<16xf32>
    %select_n3A_456 = arith.select %ge3A_452, %rev3A_446, %masked_sort3A_255 : vector<16xi1>, vector<16xi32>
    %ge3A_457 = arith.cmpf oge, %select_n3A_448, %select_n3A_453 : vector<16xf32>
    %select_n3A_458 = arith.select %ge3A_457, %select_n3A_448, %select_n3A_453 : vector<16xi1>, vector<16xf32>
    %select_n3A_459 = arith.select %ge3A_457, %select_n3A_449, %select_n3A_454 : vector<16xi1>, vector<16xi32>
    %select_n3A_460 = arith.select %ge3A_457, %select_n3A_453, %select_n3A_448 : vector<16xi1>, vector<16xf32>
    %select_n3A_461 = arith.select %ge3A_457, %select_n3A_454, %select_n3A_449 : vector<16xi1>, vector<16xi32>
    %masked_sort3A_462 = arith.constant dense<true> : vector<16xi1>
    %masked_sort3A_463, %masked_sort3A_464, %masked_sort3A_465 = tpu.sort %select_n3A_458, %select_n3A_459 masked %masked_sort3A_462 {descending = true} : (vector<16xf32>, vector<16xi32>, vector<16xi1>) -> (vector<16xi1>, vector<16xf32>, vector<16xi32>)
    %masked_sort3A_466 = arith.constant dense<true> : vector<16xi1>
    %masked_sort3A_467, %masked_sort3A_468, %masked_sort3A_469 = tpu.sort %select_n3A_460, %select_n3A_461 masked %masked_sort3A_466 {descending = true} : (vector<16xf32>, vector<16xi32>, vector<16xi1>) -> (vector<16xi1>, vector<16xf32>, vector<16xi32>)
    %ge3A_470 = arith.cmpf oge, %select_n3A_450, %select_n3A_455 : vector<16xf32>
    %select_n3A_471 = arith.select %ge3A_470, %select_n3A_450, %select_n3A_455 : vector<16xi1>, vector<16xf32>
    %select_n3A_472 = arith.select %ge3A_470, %select_n3A_451, %select_n3A_456 : vector<16xi1>, vector<16xi32>
    %select_n3A_473 = arith.select %ge3A_470, %select_n3A_455, %select_n3A_450 : vector<16xi1>, vector<16xf32>
    %select_n3A_474 = arith.select %ge3A_470, %select_n3A_456, %select_n3A_451 : vector<16xi1>, vector<16xi32>
    %masked_sort3A_475 = arith.constant dense<true> : vector<16xi1>
    %masked_sort3A_476, %masked_sort3A_477, %masked_sort3A_478 = tpu.sort %select_n3A_471, %select_n3A_472 masked %masked_sort3A_475 {descending = true} : (vector<16xf32>, vector<16xi32>, vector<16xi1>) -> (vector<16xi1>, vector<16xf32>, vector<16xi32>)
    %masked_sort3A_479 = arith.constant dense<true> : vector<16xi1>
    %masked_sort3A_480, %masked_sort3A_481, %masked_sort3A_482 = tpu.sort %select_n3A_473, %select_n3A_474 masked %masked_sort3A_479 {descending = true} : (vector<16xf32>, vector<16xi32>, vector<16xi1>) -> (vector<16xi1>, vector<16xf32>, vector<16xi32>)
    %rev3A_483 = arith.constant 15 : i32
    %rev3A_484 = vector.broadcast %rev3A_483 : i32 to vector<16xi32>
    %rev3A_485 = tpu.iota {dimensions = array<i32: 0>} : vector<16xi32>
    %rev3A_486 = arith.subi %rev3A_484, %rev3A_485 : vector<16xi32>
    %rev3A_487 = tpu.dynamic_gather %masked_sort3A_323[%rev3A_486] in [0] : vector<16xf32>, vector<16xi32> -> vector<16xf32>
    %rev3A_488 = arith.constant 15 : i32
    %rev3A_489 = vector.broadcast %rev3A_488 : i32 to vector<16xi32>
    %rev3A_490 = tpu.iota {dimensions = array<i32: 0>} : vector<16xi32>
    %rev3A_491 = arith.subi %rev3A_489, %rev3A_490 : vector<16xi32>
    %rev3A_492 = tpu.dynamic_gather %masked_sort3A_324[%rev3A_491] in [0] : vector<16xi32>, vector<16xi32> -> vector<16xi32>
    %rev3A_493 = arith.constant 15 : i32
    %rev3A_494 = vector.broadcast %rev3A_493 : i32 to vector<16xi32>
    %rev3A_495 = tpu.iota {dimensions = array<i32: 0>} : vector<16xi32>
    %rev3A_496 = arith.subi %rev3A_494, %rev3A_495 : vector<16xi32>
    %rev3A_497 = tpu.dynamic_gather %masked_sort3A_319[%rev3A_496] in [0] : vector<16xf32>, vector<16xi32> -> vector<16xf32>
    %rev3A_498 = arith.constant 15 : i32
    %rev3A_499 = vector.broadcast %rev3A_498 : i32 to vector<16xi32>
    %rev3A_500 = tpu.iota {dimensions = array<i32: 0>} : vector<16xi32>
    %rev3A_501 = arith.subi %rev3A_499, %rev3A_500 : vector<16xi32>
    %rev3A_502 = tpu.dynamic_gather %masked_sort3A_320[%rev3A_501] in [0] : vector<16xi32>, vector<16xi32> -> vector<16xi32>
    %ge3A_503 = arith.cmpf oge, %masked_sort3A_296, %rev3A_487 : vector<16xf32>
    %select_n3A_504 = arith.select %ge3A_503, %masked_sort3A_296, %rev3A_487 : vector<16xi1>, vector<16xf32>
    %select_n3A_505 = arith.select %ge3A_503, %masked_sort3A_297, %rev3A_492 : vector<16xi1>, vector<16xi32>
    %select_n3A_506 = arith.select %ge3A_503, %rev3A_487, %masked_sort3A_296 : vector<16xi1>, vector<16xf32>
    %select_n3A_507 = arith.select %ge3A_503, %rev3A_492, %masked_sort3A_297 : vector<16xi1>, vector<16xi32>
    %ge3A_508 = arith.cmpf oge, %masked_sort3A_300, %rev3A_497 : vector<16xf32>
    %select_n3A_509 = arith.select %ge3A_508, %masked_sort3A_300, %rev3A_497 : vector<16xi1>, vector<16xf32>
    %select_n3A_510 = arith.select %ge3A_508, %masked_sort3A_301, %rev3A_502 : vector<16xi1>, vector<16xi32>
    %select_n3A_511 = arith.select %ge3A_508, %rev3A_497, %masked_sort3A_300 : vector<16xi1>, vector<16xf32>
    %select_n3A_512 = arith.select %ge3A_508, %rev3A_502, %masked_sort3A_301 : vector<16xi1>, vector<16xi32>
    %ge3A_513 = arith.cmpf oge, %select_n3A_504, %select_n3A_509 : vector<16xf32>
    %select_n3A_514 = arith.select %ge3A_513, %select_n3A_504, %select_n3A_509 : vector<16xi1>, vector<16xf32>
    %select_n3A_515 = arith.select %ge3A_513, %select_n3A_505, %select_n3A_510 : vector<16xi1>, vector<16xi32>
    %select_n3A_516 = arith.select %ge3A_513, %select_n3A_509, %select_n3A_504 : vector<16xi1>, vector<16xf32>
    %select_n3A_517 = arith.select %ge3A_513, %select_n3A_510, %select_n3A_505 : vector<16xi1>, vector<16xi32>
    %masked_sort3A_518 = arith.constant dense<true> : vector<16xi1>
    %masked_sort3A_519, %masked_sort3A_520, %masked_sort3A_521 = tpu.sort %select_n3A_514, %select_n3A_515 masked %masked_sort3A_518 {descending = true} : (vector<16xf32>, vector<16xi32>, vector<16xi1>) -> (vector<16xi1>, vector<16xf32>, vector<16xi32>)
    %masked_sort3A_522 = arith.constant dense<true> : vector<16xi1>
    %masked_sort3A_523, %masked_sort3A_524, %masked_sort3A_525 = tpu.sort %select_n3A_516, %select_n3A_517 masked %masked_sort3A_522 {descending = true} : (vector<16xf32>, vector<16xi32>, vector<16xi1>) -> (vector<16xi1>, vector<16xf32>, vector<16xi32>)
    %ge3A_526 = arith.cmpf oge, %select_n3A_506, %select_n3A_511 : vector<16xf32>
    %select_n3A_527 = arith.select %ge3A_526, %select_n3A_506, %select_n3A_511 : vector<16xi1>, vector<16xf32>
    %select_n3A_528 = arith.select %ge3A_526, %select_n3A_507, %select_n3A_512 : vector<16xi1>, vector<16xi32>
    %select_n3A_529 = arith.select %ge3A_526, %select_n3A_511, %select_n3A_506 : vector<16xi1>, vector<16xf32>
    %select_n3A_530 = arith.select %ge3A_526, %select_n3A_512, %select_n3A_507 : vector<16xi1>, vector<16xi32>
    %masked_sort3A_531 = arith.constant dense<true> : vector<16xi1>
    %masked_sort3A_532, %masked_sort3A_533, %masked_sort3A_534 = tpu.sort %select_n3A_527, %select_n3A_528 masked %masked_sort3A_531 {descending = true} : (vector<16xf32>, vector<16xi32>, vector<16xi1>) -> (vector<16xi1>, vector<16xf32>, vector<16xi32>)
    %masked_sort3A_535 = arith.constant dense<true> : vector<16xi1>
    %masked_sort3A_536, %masked_sort3A_537, %masked_sort3A_538 = tpu.sort %select_n3A_529, %select_n3A_530 masked %masked_sort3A_535 {descending = true} : (vector<16xf32>, vector<16xi32>, vector<16xi1>) -> (vector<16xi1>, vector<16xf32>, vector<16xi32>)
    %rev3A_539 = arith.constant 15 : i32
    %rev3A_540 = vector.broadcast %rev3A_539 : i32 to vector<16xi32>
    %rev3A_541 = tpu.iota {dimensions = array<i32: 0>} : vector<16xi32>
    %rev3A_542 = arith.subi %rev3A_540, %rev3A_541 : vector<16xi32>
    %rev3A_543 = tpu.dynamic_gather %masked_sort3A_369[%rev3A_542] in [0] : vector<16xf32>, vector<16xi32> -> vector<16xf32>
    %rev3A_544 = arith.constant 15 : i32
    %rev3A_545 = vector.broadcast %rev3A_544 : i32 to vector<16xi32>
    %rev3A_546 = tpu.iota {dimensions = array<i32: 0>} : vector<16xi32>
    %rev3A_547 = arith.subi %rev3A_545, %rev3A_546 : vector<16xi32>
    %rev3A_548 = tpu.dynamic_gather %masked_sort3A_370[%rev3A_547] in [0] : vector<16xi32>, vector<16xi32> -> vector<16xi32>
    %rev3A_549 = arith.constant 15 : i32
    %rev3A_550 = vector.broadcast %rev3A_549 : i32 to vector<16xi32>
    %rev3A_551 = tpu.iota {dimensions = array<i32: 0>} : vector<16xi32>
    %rev3A_552 = arith.subi %rev3A_550, %rev3A_551 : vector<16xi32>
    %rev3A_553 = tpu.dynamic_gather %masked_sort3A_365[%rev3A_552] in [0] : vector<16xf32>, vector<16xi32> -> vector<16xf32>
    %rev3A_554 = arith.constant 15 : i32
    %rev3A_555 = vector.broadcast %rev3A_554 : i32 to vector<16xi32>
    %rev3A_556 = tpu.iota {dimensions = array<i32: 0>} : vector<16xi32>
    %rev3A_557 = arith.subi %rev3A_555, %rev3A_556 : vector<16xi32>
    %rev3A_558 = tpu.dynamic_gather %masked_sort3A_366[%rev3A_557] in [0] : vector<16xi32>, vector<16xi32> -> vector<16xi32>
    %ge3A_559 = arith.cmpf oge, %masked_sort3A_342, %rev3A_543 : vector<16xf32>
    %select_n3A_560 = arith.select %ge3A_559, %masked_sort3A_342, %rev3A_543 : vector<16xi1>, vector<16xf32>
    %select_n3A_561 = arith.select %ge3A_559, %masked_sort3A_343, %rev3A_548 : vector<16xi1>, vector<16xi32>
    %select_n3A_562 = arith.select %ge3A_559, %rev3A_543, %masked_sort3A_342 : vector<16xi1>, vector<16xf32>
    %select_n3A_563 = arith.select %ge3A_559, %rev3A_548, %masked_sort3A_343 : vector<16xi1>, vector<16xi32>
    %ge3A_564 = arith.cmpf oge, %masked_sort3A_346, %rev3A_553 : vector<16xf32>
    %select_n3A_565 = arith.select %ge3A_564, %masked_sort3A_346, %rev3A_553 : vector<16xi1>, vector<16xf32>
    %select_n3A_566 = arith.select %ge3A_564, %masked_sort3A_347, %rev3A_558 : vector<16xi1>, vector<16xi32>
    %select_n3A_567 = arith.select %ge3A_564, %rev3A_553, %masked_sort3A_346 : vector<16xi1>, vector<16xf32>
    %select_n3A_568 = arith.select %ge3A_564, %rev3A_558, %masked_sort3A_347 : vector<16xi1>, vector<16xi32>
    %ge3A_569 = arith.cmpf oge, %select_n3A_560, %select_n3A_565 : vector<16xf32>
    %select_n3A_570 = arith.select %ge3A_569, %select_n3A_560, %select_n3A_565 : vector<16xi1>, vector<16xf32>
    %select_n3A_571 = arith.select %ge3A_569, %select_n3A_561, %select_n3A_566 : vector<16xi1>, vector<16xi32>
    %select_n3A_572 = arith.select %ge3A_569, %select_n3A_565, %select_n3A_560 : vector<16xi1>, vector<16xf32>
    %select_n3A_573 = arith.select %ge3A_569, %select_n3A_566, %select_n3A_561 : vector<16xi1>, vector<16xi32>
    %masked_sort3A_574 = arith.constant dense<true> : vector<16xi1>
    %masked_sort3A_575, %masked_sort3A_576, %masked_sort3A_577 = tpu.sort %select_n3A_570, %select_n3A_571 masked %masked_sort3A_574 {descending = true} : (vector<16xf32>, vector<16xi32>, vector<16xi1>) -> (vector<16xi1>, vector<16xf32>, vector<16xi32>)
    %masked_sort3A_578 = arith.constant dense<true> : vector<16xi1>
    %masked_sort3A_579, %masked_sort3A_580, %masked_sort3A_581 = tpu.sort %select_n3A_572, %select_n3A_573 masked %masked_sort3A_578 {descending = true} : (vector<16xf32>, vector<16xi32>, vector<16xi1>) -> (vector<16xi1>, vector<16xf32>, vector<16xi32>)
    %ge3A_582 = arith.cmpf oge, %select_n3A_562, %select_n3A_567 : vector<16xf32>
    %select_n3A_583 = arith.select %ge3A_582, %select_n3A_562, %select_n3A_567 : vector<16xi1>, vector<16xf32>
    %select_n3A_584 = arith.select %ge3A_582, %select_n3A_563, %select_n3A_568 : vector<16xi1>, vector<16xi32>
    %select_n3A_585 = arith.select %ge3A_582, %select_n3A_567, %select_n3A_562 : vector<16xi1>, vector<16xf32>
    %select_n3A_586 = arith.select %ge3A_582, %select_n3A_568, %select_n3A_563 : vector<16xi1>, vector<16xi32>
    %masked_sort3A_587 = arith.constant dense<true> : vector<16xi1>
    %masked_sort3A_588, %masked_sort3A_589, %masked_sort3A_590 = tpu.sort %select_n3A_583, %select_n3A_584 masked %masked_sort3A_587 {descending = true} : (vector<16xf32>, vector<16xi32>, vector<16xi1>) -> (vector<16xi1>, vector<16xf32>, vector<16xi32>)
    %masked_sort3A_591 = arith.constant dense<true> : vector<16xi1>
    %masked_sort3A_592, %masked_sort3A_593, %masked_sort3A_594 = tpu.sort %select_n3A_585, %select_n3A_586 masked %masked_sort3A_591 {descending = true} : (vector<16xf32>, vector<16xi32>, vector<16xi1>) -> (vector<16xi1>, vector<16xf32>, vector<16xi32>)
    %rev3A_595 = arith.constant 15 : i32
    %rev3A_596 = vector.broadcast %rev3A_595 : i32 to vector<16xi32>
    %rev3A_597 = tpu.iota {dimensions = array<i32: 0>} : vector<16xi32>
    %rev3A_598 = arith.subi %rev3A_596, %rev3A_597 : vector<16xi32>
    %rev3A_599 = tpu.dynamic_gather %masked_sort3A_481[%rev3A_598] in [0] : vector<16xf32>, vector<16xi32> -> vector<16xf32>
    %rev3A_600 = arith.constant 15 : i32
    %rev3A_601 = vector.broadcast %rev3A_600 : i32 to vector<16xi32>
    %rev3A_602 = tpu.iota {dimensions = array<i32: 0>} : vector<16xi32>
    %rev3A_603 = arith.subi %rev3A_601, %rev3A_602 : vector<16xi32>
    %rev3A_604 = tpu.dynamic_gather %masked_sort3A_482[%rev3A_603] in [0] : vector<16xi32>, vector<16xi32> -> vector<16xi32>
    %rev3A_605 = arith.constant 15 : i32
    %rev3A_606 = vector.broadcast %rev3A_605 : i32 to vector<16xi32>
    %rev3A_607 = tpu.iota {dimensions = array<i32: 0>} : vector<16xi32>
    %rev3A_608 = arith.subi %rev3A_606, %rev3A_607 : vector<16xi32>
    %rev3A_609 = tpu.dynamic_gather %masked_sort3A_477[%rev3A_608] in [0] : vector<16xf32>, vector<16xi32> -> vector<16xf32>
    %rev3A_610 = arith.constant 15 : i32
    %rev3A_611 = vector.broadcast %rev3A_610 : i32 to vector<16xi32>
    %rev3A_612 = tpu.iota {dimensions = array<i32: 0>} : vector<16xi32>
    %rev3A_613 = arith.subi %rev3A_611, %rev3A_612 : vector<16xi32>
    %rev3A_614 = tpu.dynamic_gather %masked_sort3A_478[%rev3A_613] in [0] : vector<16xi32>, vector<16xi32> -> vector<16xi32>
    %rev3A_615 = arith.constant 15 : i32
    %rev3A_616 = vector.broadcast %rev3A_615 : i32 to vector<16xi32>
    %rev3A_617 = tpu.iota {dimensions = array<i32: 0>} : vector<16xi32>
    %rev3A_618 = arith.subi %rev3A_616, %rev3A_617 : vector<16xi32>
    %rev3A_619 = tpu.dynamic_gather %masked_sort3A_468[%rev3A_618] in [0] : vector<16xf32>, vector<16xi32> -> vector<16xf32>
    %rev3A_620 = arith.constant 15 : i32
    %rev3A_621 = vector.broadcast %rev3A_620 : i32 to vector<16xi32>
    %rev3A_622 = tpu.iota {dimensions = array<i32: 0>} : vector<16xi32>
    %rev3A_623 = arith.subi %rev3A_621, %rev3A_622 : vector<16xi32>
    %rev3A_624 = tpu.dynamic_gather %masked_sort3A_469[%rev3A_623] in [0] : vector<16xi32>, vector<16xi32> -> vector<16xi32>
    %rev3A_625 = arith.constant 15 : i32
    %rev3A_626 = vector.broadcast %rev3A_625 : i32 to vector<16xi32>
    %rev3A_627 = tpu.iota {dimensions = array<i32: 0>} : vector<16xi32>
    %rev3A_628 = arith.subi %rev3A_626, %rev3A_627 : vector<16xi32>
    %rev3A_629 = tpu.dynamic_gather %masked_sort3A_464[%rev3A_628] in [0] : vector<16xf32>, vector<16xi32> -> vector<16xf32>
    %rev3A_630 = arith.constant 15 : i32
    %rev3A_631 = vector.broadcast %rev3A_630 : i32 to vector<16xi32>
    %rev3A_632 = tpu.iota {dimensions = array<i32: 0>} : vector<16xi32>
    %rev3A_633 = arith.subi %rev3A_631, %rev3A_632 : vector<16xi32>
    %rev3A_634 = tpu.dynamic_gather %masked_sort3A_465[%rev3A_633] in [0] : vector<16xi32>, vector<16xi32> -> vector<16xi32>
    %ge3A_635 = arith.cmpf oge, %masked_sort3A_408, %rev3A_599 : vector<16xf32>
    %select_n3A_636 = arith.select %ge3A_635, %masked_sort3A_408, %rev3A_599 : vector<16xi1>, vector<16xf32>
    %select_n3A_637 = arith.select %ge3A_635, %masked_sort3A_409, %rev3A_604 : vector<16xi1>, vector<16xi32>
    %ge3A_638 = arith.cmpf oge, %masked_sort3A_412, %rev3A_609 : vector<16xf32>
    %select_n3A_639 = arith.select %ge3A_638, %masked_sort3A_412, %rev3A_609 : vector<16xi1>, vector<16xf32>
    %select_n3A_640 = arith.select %ge3A_638, %masked_sort3A_413, %rev3A_614 : vector<16xi1>, vector<16xi32>
    %ge3A_641 = arith.cmpf oge, %masked_sort3A_421, %rev3A_619 : vector<16xf32>
    %select_n3A_642 = arith.select %ge3A_641, %masked_sort3A_421, %rev3A_619 : vector<16xi1>, vector<16xf32>
    %select_n3A_643 = arith.select %ge3A_641, %masked_sort3A_422, %rev3A_624 : vector<16xi1>, vector<16xi32>
    %ge3A_644 = arith.cmpf oge, %masked_sort3A_425, %rev3A_629 : vector<16xf32>
    %select_n3A_645 = arith.select %ge3A_644, %masked_sort3A_425, %rev3A_629 : vector<16xi1>, vector<16xf32>
    %select_n3A_646 = arith.select %ge3A_644, %masked_sort3A_426, %rev3A_634 : vector<16xi1>, vector<16xi32>
    %ge3A_647 = arith.cmpf oge, %select_n3A_636, %select_n3A_642 : vector<16xf32>
    %select_n3A_648 = arith.select %ge3A_647, %select_n3A_636, %select_n3A_642 : vector<16xi1>, vector<16xf32>
    %select_n3A_649 = arith.select %ge3A_647, %select_n3A_637, %select_n3A_643 : vector<16xi1>, vector<16xi32>
    %select_n3A_650 = arith.select %ge3A_647, %select_n3A_642, %select_n3A_636 : vector<16xi1>, vector<16xf32>
    %select_n3A_651 = arith.select %ge3A_647, %select_n3A_643, %select_n3A_637 : vector<16xi1>, vector<16xi32>
    %ge3A_652 = arith.cmpf oge, %select_n3A_639, %select_n3A_645 : vector<16xf32>
    %select_n3A_653 = arith.select %ge3A_652, %select_n3A_639, %select_n3A_645 : vector<16xi1>, vector<16xf32>
    %select_n3A_654 = arith.select %ge3A_652, %select_n3A_640, %select_n3A_646 : vector<16xi1>, vector<16xi32>
    %select_n3A_655 = arith.select %ge3A_652, %select_n3A_645, %select_n3A_639 : vector<16xi1>, vector<16xf32>
    %select_n3A_656 = arith.select %ge3A_652, %select_n3A_646, %select_n3A_640 : vector<16xi1>, vector<16xi32>
    %ge3A_657 = arith.cmpf oge, %select_n3A_648, %select_n3A_653 : vector<16xf32>
    %select_n3A_658 = arith.select %ge3A_657, %select_n3A_648, %select_n3A_653 : vector<16xi1>, vector<16xf32>
    %select_n3A_659 = arith.select %ge3A_657, %select_n3A_649, %select_n3A_654 : vector<16xi1>, vector<16xi32>
    %select_n3A_660 = arith.select %ge3A_657, %select_n3A_653, %select_n3A_648 : vector<16xi1>, vector<16xf32>
    %select_n3A_661 = arith.select %ge3A_657, %select_n3A_654, %select_n3A_649 : vector<16xi1>, vector<16xi32>
    %masked_sort3A_662 = arith.constant dense<true> : vector<16xi1>
    %masked_sort3A_663, %masked_sort3A_664, %masked_sort3A_665 = tpu.sort %select_n3A_658, %select_n3A_659 masked %masked_sort3A_662 {descending = true} : (vector<16xf32>, vector<16xi32>, vector<16xi1>) -> (vector<16xi1>, vector<16xf32>, vector<16xi32>)
    %masked_sort3A_666 = arith.constant dense<true> : vector<16xi1>
    %masked_sort3A_667, %masked_sort3A_668, %masked_sort3A_669 = tpu.sort %select_n3A_660, %select_n3A_661 masked %masked_sort3A_666 {descending = true} : (vector<16xf32>, vector<16xi32>, vector<16xi1>) -> (vector<16xi1>, vector<16xf32>, vector<16xi32>)
    %ge3A_670 = arith.cmpf oge, %select_n3A_650, %select_n3A_655 : vector<16xf32>
    %select_n3A_671 = arith.select %ge3A_670, %select_n3A_650, %select_n3A_655 : vector<16xi1>, vector<16xf32>
    %select_n3A_672 = arith.select %ge3A_670, %select_n3A_651, %select_n3A_656 : vector<16xi1>, vector<16xi32>
    %select_n3A_673 = arith.select %ge3A_670, %select_n3A_655, %select_n3A_650 : vector<16xi1>, vector<16xf32>
    %select_n3A_674 = arith.select %ge3A_670, %select_n3A_656, %select_n3A_651 : vector<16xi1>, vector<16xi32>
    %masked_sort3A_675 = arith.constant dense<true> : vector<16xi1>
    %masked_sort3A_676, %masked_sort3A_677, %masked_sort3A_678 = tpu.sort %select_n3A_671, %select_n3A_672 masked %masked_sort3A_675 {descending = true} : (vector<16xf32>, vector<16xi32>, vector<16xi1>) -> (vector<16xi1>, vector<16xf32>, vector<16xi32>)
    %masked_sort3A_679 = arith.constant dense<true> : vector<16xi1>
    %masked_sort3A_680, %masked_sort3A_681, %masked_sort3A_682 = tpu.sort %select_n3A_673, %select_n3A_674 masked %masked_sort3A_679 {descending = true} : (vector<16xf32>, vector<16xi32>, vector<16xi1>) -> (vector<16xi1>, vector<16xf32>, vector<16xi32>)
    %rev3A_683 = arith.constant 15 : i32
    %rev3A_684 = vector.broadcast %rev3A_683 : i32 to vector<16xi32>
    %rev3A_685 = tpu.iota {dimensions = array<i32: 0>} : vector<16xi32>
    %rev3A_686 = arith.subi %rev3A_684, %rev3A_685 : vector<16xi32>
    %rev3A_687 = tpu.dynamic_gather %masked_sort3A_593[%rev3A_686] in [0] : vector<16xf32>, vector<16xi32> -> vector<16xf32>
    %rev3A_688 = arith.constant 15 : i32
    %rev3A_689 = vector.broadcast %rev3A_688 : i32 to vector<16xi32>
    %rev3A_690 = tpu.iota {dimensions = array<i32: 0>} : vector<16xi32>
    %rev3A_691 = arith.subi %rev3A_689, %rev3A_690 : vector<16xi32>
    %rev3A_692 = tpu.dynamic_gather %masked_sort3A_594[%rev3A_691] in [0] : vector<16xi32>, vector<16xi32> -> vector<16xi32>
    %rev3A_693 = arith.constant 15 : i32
    %rev3A_694 = vector.broadcast %rev3A_693 : i32 to vector<16xi32>
    %rev3A_695 = tpu.iota {dimensions = array<i32: 0>} : vector<16xi32>
    %rev3A_696 = arith.subi %rev3A_694, %rev3A_695 : vector<16xi32>
    %rev3A_697 = tpu.dynamic_gather %masked_sort3A_589[%rev3A_696] in [0] : vector<16xf32>, vector<16xi32> -> vector<16xf32>
    %rev3A_698 = arith.constant 15 : i32
    %rev3A_699 = vector.broadcast %rev3A_698 : i32 to vector<16xi32>
    %rev3A_700 = tpu.iota {dimensions = array<i32: 0>} : vector<16xi32>
    %rev3A_701 = arith.subi %rev3A_699, %rev3A_700 : vector<16xi32>
    %rev3A_702 = tpu.dynamic_gather %masked_sort3A_590[%rev3A_701] in [0] : vector<16xi32>, vector<16xi32> -> vector<16xi32>
    %rev3A_703 = arith.constant 15 : i32
    %rev3A_704 = vector.broadcast %rev3A_703 : i32 to vector<16xi32>
    %rev3A_705 = tpu.iota {dimensions = array<i32: 0>} : vector<16xi32>
    %rev3A_706 = arith.subi %rev3A_704, %rev3A_705 : vector<16xi32>
    %rev3A_707 = tpu.dynamic_gather %masked_sort3A_580[%rev3A_706] in [0] : vector<16xf32>, vector<16xi32> -> vector<16xf32>
    %rev3A_708 = arith.constant 15 : i32
    %rev3A_709 = vector.broadcast %rev3A_708 : i32 to vector<16xi32>
    %rev3A_710 = tpu.iota {dimensions = array<i32: 0>} : vector<16xi32>
    %rev3A_711 = arith.subi %rev3A_709, %rev3A_710 : vector<16xi32>
    %rev3A_712 = tpu.dynamic_gather %masked_sort3A_581[%rev3A_711] in [0] : vector<16xi32>, vector<16xi32> -> vector<16xi32>
    %rev3A_713 = arith.constant 15 : i32
    %rev3A_714 = vector.broadcast %rev3A_713 : i32 to vector<16xi32>
    %rev3A_715 = tpu.iota {dimensions = array<i32: 0>} : vector<16xi32>
    %rev3A_716 = arith.subi %rev3A_714, %rev3A_715 : vector<16xi32>
    %rev3A_717 = tpu.dynamic_gather %masked_sort3A_576[%rev3A_716] in [0] : vector<16xf32>, vector<16xi32> -> vector<16xf32>
    %rev3A_718 = arith.constant 15 : i32
    %rev3A_719 = vector.broadcast %rev3A_718 : i32 to vector<16xi32>
    %rev3A_720 = tpu.iota {dimensions = array<i32: 0>} : vector<16xi32>
    %rev3A_721 = arith.subi %rev3A_719, %rev3A_720 : vector<16xi32>
    %rev3A_722 = tpu.dynamic_gather %masked_sort3A_577[%rev3A_721] in [0] : vector<16xi32>, vector<16xi32> -> vector<16xi32>
    %ge3A_723 = arith.cmpf oge, %masked_sort3A_520, %rev3A_687 : vector<16xf32>
    %select_n3A_724 = arith.select %ge3A_723, %masked_sort3A_520, %rev3A_687 : vector<16xi1>, vector<16xf32>
    %select_n3A_725 = arith.select %ge3A_723, %masked_sort3A_521, %rev3A_692 : vector<16xi1>, vector<16xi32>
    %ge3A_726 = arith.cmpf oge, %masked_sort3A_524, %rev3A_697 : vector<16xf32>
    %select_n3A_727 = arith.select %ge3A_726, %masked_sort3A_524, %rev3A_697 : vector<16xi1>, vector<16xf32>
    %select_n3A_728 = arith.select %ge3A_726, %masked_sort3A_525, %rev3A_702 : vector<16xi1>, vector<16xi32>
    %ge3A_729 = arith.cmpf oge, %masked_sort3A_533, %rev3A_707 : vector<16xf32>
    %select_n3A_730 = arith.select %ge3A_729, %masked_sort3A_533, %rev3A_707 : vector<16xi1>, vector<16xf32>
    %select_n3A_731 = arith.select %ge3A_729, %masked_sort3A_534, %rev3A_712 : vector<16xi1>, vector<16xi32>
    %ge3A_732 = arith.cmpf oge, %masked_sort3A_537, %rev3A_717 : vector<16xf32>
    %select_n3A_733 = arith.select %ge3A_732, %masked_sort3A_537, %rev3A_717 : vector<16xi1>, vector<16xf32>
    %select_n3A_734 = arith.select %ge3A_732, %masked_sort3A_538, %rev3A_722 : vector<16xi1>, vector<16xi32>
    %ge3A_735 = arith.cmpf oge, %select_n3A_724, %select_n3A_730 : vector<16xf32>
    %select_n3A_736 = arith.select %ge3A_735, %select_n3A_724, %select_n3A_730 : vector<16xi1>, vector<16xf32>
    %select_n3A_737 = arith.select %ge3A_735, %select_n3A_725, %select_n3A_731 : vector<16xi1>, vector<16xi32>
    %select_n3A_738 = arith.select %ge3A_735, %select_n3A_730, %select_n3A_724 : vector<16xi1>, vector<16xf32>
    %select_n3A_739 = arith.select %ge3A_735, %select_n3A_731, %select_n3A_725 : vector<16xi1>, vector<16xi32>
    %ge3A_740 = arith.cmpf oge, %select_n3A_727, %select_n3A_733 : vector<16xf32>
    %select_n3A_741 = arith.select %ge3A_740, %select_n3A_727, %select_n3A_733 : vector<16xi1>, vector<16xf32>
    %select_n3A_742 = arith.select %ge3A_740, %select_n3A_728, %select_n3A_734 : vector<16xi1>, vector<16xi32>
    %select_n3A_743 = arith.select %ge3A_740, %select_n3A_733, %select_n3A_727 : vector<16xi1>, vector<16xf32>
    %select_n3A_744 = arith.select %ge3A_740, %select_n3A_734, %select_n3A_728 : vector<16xi1>, vector<16xi32>
    %ge3A_745 = arith.cmpf oge, %select_n3A_736, %select_n3A_741 : vector<16xf32>
    %select_n3A_746 = arith.select %ge3A_745, %select_n3A_736, %select_n3A_741 : vector<16xi1>, vector<16xf32>
    %select_n3A_747 = arith.select %ge3A_745, %select_n3A_737, %select_n3A_742 : vector<16xi1>, vector<16xi32>
    %select_n3A_748 = arith.select %ge3A_745, %select_n3A_741, %select_n3A_736 : vector<16xi1>, vector<16xf32>
    %select_n3A_749 = arith.select %ge3A_745, %select_n3A_742, %select_n3A_737 : vector<16xi1>, vector<16xi32>
    %masked_sort3A_750 = arith.constant dense<true> : vector<16xi1>
    %masked_sort3A_751, %masked_sort3A_752, %masked_sort3A_753 = tpu.sort %select_n3A_746, %select_n3A_747 masked %masked_sort3A_750 {descending = true} : (vector<16xf32>, vector<16xi32>, vector<16xi1>) -> (vector<16xi1>, vector<16xf32>, vector<16xi32>)
    %masked_sort3A_754 = arith.constant dense<true> : vector<16xi1>
    %masked_sort3A_755, %masked_sort3A_756, %masked_sort3A_757 = tpu.sort %select_n3A_748, %select_n3A_749 masked %masked_sort3A_754 {descending = true} : (vector<16xf32>, vector<16xi32>, vector<16xi1>) -> (vector<16xi1>, vector<16xf32>, vector<16xi32>)
    %ge3A_758 = arith.cmpf oge, %select_n3A_738, %select_n3A_743 : vector<16xf32>
    %select_n3A_759 = arith.select %ge3A_758, %select_n3A_738, %select_n3A_743 : vector<16xi1>, vector<16xf32>
    %select_n3A_760 = arith.select %ge3A_758, %select_n3A_739, %select_n3A_744 : vector<16xi1>, vector<16xi32>
    %select_n3A_761 = arith.select %ge3A_758, %select_n3A_743, %select_n3A_738 : vector<16xi1>, vector<16xf32>
    %select_n3A_762 = arith.select %ge3A_758, %select_n3A_744, %select_n3A_739 : vector<16xi1>, vector<16xi32>
    %masked_sort3A_763 = arith.constant dense<true> : vector<16xi1>
    %masked_sort3A_764, %masked_sort3A_765, %masked_sort3A_766 = tpu.sort %select_n3A_759, %select_n3A_760 masked %masked_sort3A_763 {descending = true} : (vector<16xf32>, vector<16xi32>, vector<16xi1>) -> (vector<16xi1>, vector<16xf32>, vector<16xi32>)
    %masked_sort3A_767 = arith.constant dense<true> : vector<16xi1>
    %masked_sort3A_768, %masked_sort3A_769, %masked_sort3A_770 = tpu.sort %select_n3A_761, %select_n3A_762 masked %masked_sort3A_767 {descending = true} : (vector<16xf32>, vector<16xi32>, vector<16xi1>) -> (vector<16xi1>, vector<16xf32>, vector<16xi32>)
    %rev3A_771 = arith.constant 15 : i32
    %rev3A_772 = vector.broadcast %rev3A_771 : i32 to vector<16xi32>
    %rev3A_773 = tpu.iota {dimensions = array<i32: 0>} : vector<16xi32>
    %rev3A_774 = arith.subi %rev3A_772, %rev3A_773 : vector<16xi32>
    %rev3A_775 = tpu.dynamic_gather %masked_sort3A_769[%rev3A_774] in [0] : vector<16xf32>, vector<16xi32> -> vector<16xf32>
    %rev3A_776 = arith.constant 15 : i32
    %rev3A_777 = vector.broadcast %rev3A_776 : i32 to vector<16xi32>
    %rev3A_778 = tpu.iota {dimensions = array<i32: 0>} : vector<16xi32>
    %rev3A_779 = arith.subi %rev3A_777, %rev3A_778 : vector<16xi32>
    %rev3A_780 = tpu.dynamic_gather %masked_sort3A_770[%rev3A_779] in [0] : vector<16xi32>, vector<16xi32> -> vector<16xi32>
    %rev3A_781 = arith.constant 15 : i32
    %rev3A_782 = vector.broadcast %rev3A_781 : i32 to vector<16xi32>
    %rev3A_783 = tpu.iota {dimensions = array<i32: 0>} : vector<16xi32>
    %rev3A_784 = arith.subi %rev3A_782, %rev3A_783 : vector<16xi32>
    %rev3A_785 = tpu.dynamic_gather %masked_sort3A_765[%rev3A_784] in [0] : vector<16xf32>, vector<16xi32> -> vector<16xf32>
    %rev3A_786 = arith.constant 15 : i32
    %rev3A_787 = vector.broadcast %rev3A_786 : i32 to vector<16xi32>
    %rev3A_788 = tpu.iota {dimensions = array<i32: 0>} : vector<16xi32>
    %rev3A_789 = arith.subi %rev3A_787, %rev3A_788 : vector<16xi32>
    %rev3A_790 = tpu.dynamic_gather %masked_sort3A_766[%rev3A_789] in [0] : vector<16xi32>, vector<16xi32> -> vector<16xi32>
    %rev3A_791 = arith.constant 15 : i32
    %rev3A_792 = vector.broadcast %rev3A_791 : i32 to vector<16xi32>
    %rev3A_793 = tpu.iota {dimensions = array<i32: 0>} : vector<16xi32>
    %rev3A_794 = arith.subi %rev3A_792, %rev3A_793 : vector<16xi32>
    %rev3A_795 = tpu.dynamic_gather %masked_sort3A_756[%rev3A_794] in [0] : vector<16xf32>, vector<16xi32> -> vector<16xf32>
    %rev3A_796 = arith.constant 15 : i32
    %rev3A_797 = vector.broadcast %rev3A_796 : i32 to vector<16xi32>
    %rev3A_798 = tpu.iota {dimensions = array<i32: 0>} : vector<16xi32>
    %rev3A_799 = arith.subi %rev3A_797, %rev3A_798 : vector<16xi32>
    %rev3A_800 = tpu.dynamic_gather %masked_sort3A_757[%rev3A_799] in [0] : vector<16xi32>, vector<16xi32> -> vector<16xi32>
    %rev3A_801 = arith.constant 15 : i32
    %rev3A_802 = vector.broadcast %rev3A_801 : i32 to vector<16xi32>
    %rev3A_803 = tpu.iota {dimensions = array<i32: 0>} : vector<16xi32>
    %rev3A_804 = arith.subi %rev3A_802, %rev3A_803 : vector<16xi32>
    %rev3A_805 = tpu.dynamic_gather %masked_sort3A_752[%rev3A_804] in [0] : vector<16xf32>, vector<16xi32> -> vector<16xf32>
    %rev3A_806 = arith.constant 15 : i32
    %rev3A_807 = vector.broadcast %rev3A_806 : i32 to vector<16xi32>
    %rev3A_808 = tpu.iota {dimensions = array<i32: 0>} : vector<16xi32>
    %rev3A_809 = arith.subi %rev3A_807, %rev3A_808 : vector<16xi32>
    %rev3A_810 = tpu.dynamic_gather %masked_sort3A_753[%rev3A_809] in [0] : vector<16xi32>, vector<16xi32> -> vector<16xi32>
    %ge3A_811 = arith.cmpf oge, %masked_sort3A_664, %rev3A_775 : vector<16xf32>
    %select_n3A_812 = arith.select %ge3A_811, %masked_sort3A_664, %rev3A_775 : vector<16xi1>, vector<16xf32>
    %select_n3A_813 = arith.select %ge3A_811, %masked_sort3A_665, %rev3A_780 : vector<16xi1>, vector<16xi32>
    %ge3A_814 = arith.cmpf oge, %masked_sort3A_668, %rev3A_785 : vector<16xf32>
    %select_n3A_815 = arith.select %ge3A_814, %masked_sort3A_668, %rev3A_785 : vector<16xi1>, vector<16xf32>
    %select_n3A_816 = arith.select %ge3A_814, %masked_sort3A_669, %rev3A_790 : vector<16xi1>, vector<16xi32>
    %ge3A_817 = arith.cmpf oge, %masked_sort3A_677, %rev3A_795 : vector<16xf32>
    %select_n3A_818 = arith.select %ge3A_817, %masked_sort3A_677, %rev3A_795 : vector<16xi1>, vector<16xf32>
    %select_n3A_819 = arith.select %ge3A_817, %masked_sort3A_678, %rev3A_800 : vector<16xi1>, vector<16xi32>
    %ge3A_820 = arith.cmpf oge, %masked_sort3A_681, %rev3A_805 : vector<16xf32>
    %select_n3A_821 = arith.select %ge3A_820, %masked_sort3A_681, %rev3A_805 : vector<16xi1>, vector<16xf32>
    %select_n3A_822 = arith.select %ge3A_820, %masked_sort3A_682, %rev3A_810 : vector<16xi1>, vector<16xi32>
    %ge3A_823 = arith.cmpf oge, %select_n3A_812, %select_n3A_818 : vector<16xf32>
    %select_n3A_824 = arith.select %ge3A_823, %select_n3A_812, %select_n3A_818 : vector<16xi1>, vector<16xf32>
    %select_n3A_825 = arith.select %ge3A_823, %select_n3A_813, %select_n3A_819 : vector<16xi1>, vector<16xi32>
    %select_n3A_826 = arith.select %ge3A_823, %select_n3A_818, %select_n3A_812 : vector<16xi1>, vector<16xf32>
    %select_n3A_827 = arith.select %ge3A_823, %select_n3A_819, %select_n3A_813 : vector<16xi1>, vector<16xi32>
    %ge3A_828 = arith.cmpf oge, %select_n3A_815, %select_n3A_821 : vector<16xf32>
    %select_n3A_829 = arith.select %ge3A_828, %select_n3A_815, %select_n3A_821 : vector<16xi1>, vector<16xf32>
    %select_n3A_830 = arith.select %ge3A_828, %select_n3A_816, %select_n3A_822 : vector<16xi1>, vector<16xi32>
    %select_n3A_831 = arith.select %ge3A_828, %select_n3A_821, %select_n3A_815 : vector<16xi1>, vector<16xf32>
    %select_n3A_832 = arith.select %ge3A_828, %select_n3A_822, %select_n3A_816 : vector<16xi1>, vector<16xi32>
    %ge3A_833 = arith.cmpf oge, %select_n3A_824, %select_n3A_829 : vector<16xf32>
    %select_n3A_834 = arith.select %ge3A_833, %select_n3A_824, %select_n3A_829 : vector<16xi1>, vector<16xf32>
    %select_n3A_835 = arith.select %ge3A_833, %select_n3A_825, %select_n3A_830 : vector<16xi1>, vector<16xi32>
    %select_n3A_836 = arith.select %ge3A_833, %select_n3A_829, %select_n3A_824 : vector<16xi1>, vector<16xf32>
    %select_n3A_837 = arith.select %ge3A_833, %select_n3A_830, %select_n3A_825 : vector<16xi1>, vector<16xi32>
    %masked_sort3A_838 = arith.constant dense<true> : vector<16xi1>
    %masked_sort3A_839, %masked_sort3A_840, %masked_sort3A_841 = tpu.sort %select_n3A_834, %select_n3A_835 masked %masked_sort3A_838 {descending = true} : (vector<16xf32>, vector<16xi32>, vector<16xi1>) -> (vector<16xi1>, vector<16xf32>, vector<16xi32>)
    %masked_sort3A_842 = arith.constant dense<true> : vector<16xi1>
    %masked_sort3A_843, %masked_sort3A_844, %masked_sort3A_845 = tpu.sort %select_n3A_836, %select_n3A_837 masked %masked_sort3A_842 {descending = true} : (vector<16xf32>, vector<16xi32>, vector<16xi1>) -> (vector<16xi1>, vector<16xf32>, vector<16xi32>)
    %ge3A_846 = arith.cmpf oge, %select_n3A_826, %select_n3A_831 : vector<16xf32>
    %select_n3A_847 = arith.select %ge3A_846, %select_n3A_826, %select_n3A_831 : vector<16xi1>, vector<16xf32>
    %select_n3A_848 = arith.select %ge3A_846, %select_n3A_827, %select_n3A_832 : vector<16xi1>, vector<16xi32>
    %select_n3A_849 = arith.select %ge3A_846, %select_n3A_831, %select_n3A_826 : vector<16xi1>, vector<16xf32>
    %select_n3A_850 = arith.select %ge3A_846, %select_n3A_832, %select_n3A_827 : vector<16xi1>, vector<16xi32>
    %masked_sort3A_851 = arith.constant dense<true> : vector<16xi1>
    %masked_sort3A_852, %masked_sort3A_853, %masked_sort3A_854 = tpu.sort %select_n3A_847, %select_n3A_848 masked %masked_sort3A_851 {descending = true} : (vector<16xf32>, vector<16xi32>, vector<16xi1>) -> (vector<16xi1>, vector<16xf32>, vector<16xi32>)
    %masked_sort3A_855 = arith.constant dense<true> : vector<16xi1>
    %masked_sort3A_856, %masked_sort3A_857, %masked_sort3A_858 = tpu.sort %select_n3A_849, %select_n3A_850 masked %masked_sort3A_855 {descending = true} : (vector<16xf32>, vector<16xi32>, vector<16xi1>) -> (vector<16xi1>, vector<16xf32>, vector<16xi32>)
    %swap3A = arith.constant 0 : index
    %swap3A_859 = tpu.vector_load %arg10[%swap3A] {strides = array<i32>} : memref<128xf32, #tpu.memory_space<vmem>>, vector<16xf32>,
    tpu.vector_store %arg10[%swap3A], %masked_sort3A_840 {strides = array<i32>} : memref<128xf32, #tpu.memory_space<vmem>>, vector<16xf32>,
    %bitcast3A = vector.bitcast %masked_sort3A_841 : vector<16xi32> to vector<16xf32>
    %swap3A_860 = arith.constant 64 : index
    %swap3A_861 = tpu.vector_load %arg10[%swap3A_860] {strides = array<i32>} : memref<128xf32, #tpu.memory_space<vmem>>, vector<16xf32>,
    tpu.vector_store %arg10[%swap3A_860], %bitcast3A {strides = array<i32>} : memref<128xf32, #tpu.memory_space<vmem>>, vector<16xf32>,
    %swap3A_862 = arith.constant 16 : index
    %swap3A_863 = tpu.vector_load %arg10[%swap3A_862] {strides = array<i32>} : memref<128xf32, #tpu.memory_space<vmem>>, vector<16xf32>,
    tpu.vector_store %arg10[%swap3A_862], %masked_sort3A_844 {strides = array<i32>} : memref<128xf32, #tpu.memory_space<vmem>>, vector<16xf32>,
    %bitcast3A_864 = vector.bitcast %masked_sort3A_845 : vector<16xi32> to vector<16xf32>
    %swap3A_865 = arith.constant 80 : index
    %swap3A_866 = tpu.vector_load %arg10[%swap3A_865] {strides = array<i32>} : memref<128xf32, #tpu.memory_space<vmem>>, vector<16xf32>,
    tpu.vector_store %arg10[%swap3A_865], %bitcast3A_864 {strides = array<i32>} : memref<128xf32, #tpu.memory_space<vmem>>, vector<16xf32>,
    %swap3A_867 = arith.constant 32 : index
    %swap3A_868 = tpu.vector_load %arg10[%swap3A_867] {strides = array<i32>} : memref<128xf32, #tpu.memory_space<vmem>>, vector<16xf32>,
    tpu.vector_store %arg10[%swap3A_867], %masked_sort3A_853 {strides = array<i32>} : memref<128xf32, #tpu.memory_space<vmem>>, vector<16xf32>,
    %bitcast3A_869 = vector.bitcast %masked_sort3A_854 : vector<16xi32> to vector<16xf32>
    %swap3A_870 = arith.constant 96 : index
    %swap3A_871 = tpu.vector_load %arg10[%swap3A_870] {strides = array<i32>} : memref<128xf32, #tpu.memory_space<vmem>>, vector<16xf32>,
    tpu.vector_store %arg10[%swap3A_870], %bitcast3A_869 {strides = array<i32>} : memref<128xf32, #tpu.memory_space<vmem>>, vector<16xf32>,
    %swap3A_872 = arith.constant 48 : index
    %swap3A_873 = tpu.vector_load %arg10[%swap3A_872] {strides = array<i32>} : memref<128xf32, #tpu.memory_space<vmem>>, vector<16xf32>,
    tpu.vector_store %arg10[%swap3A_872], %masked_sort3A_857 {strides = array<i32>} : memref<128xf32, #tpu.memory_space<vmem>>, vector<16xf32>,
    %bitcast3A_874 = vector.bitcast %masked_sort3A_858 : vector<16xi32> to vector<16xf32>
    %swap3A_875 = arith.constant 112 : index
    %swap3A_876 = tpu.vector_load %arg10[%swap3A_875] {strides = array<i32>} : memref<128xf32, #tpu.memory_space<vmem>>, vector<16xf32>,
    tpu.vector_store %arg10[%swap3A_875], %bitcast3A_874 {strides = array<i32>} : memref<128xf32, #tpu.memory_space<vmem>>, vector<16xf32>,
    "tpu.region"() ({
      %run_scoped3A = tpu.sem_alloc : memref<!tpu.dma_semaphore, #tpu.memory_space<semaphore_mem>>
      %dma_start3A = arith.constant 0 : i32
      %dma_start3A_1482 = tpu.memref_slice %arg12[%arg1, %dma_start3A] : memref<16x256xf32, #tpu.memory_space<vmem_shared>> -> memref<1x128xf32, #tpu.memory_space<vmem_shared>>
      %dma_start3A_1483 = tpu.memref_squeeze %dma_start3A_1482 : memref<1x128xf32, #tpu.memory_space<vmem_shared>> -> memref<128xf32, #tpu.memory_space<vmem_shared>>
      %dma_start3A_1484 = arith.constant 0 : i32
      %dma_start3A_1485 = tpu.memref_slice %arg12[%arg1, %dma_start3A_1484] : memref<16x256xf32, #tpu.memory_space<vmem_shared>> -> memref<1x128xf32, #tpu.memory_space<vmem_shared>>
      %dma_start3A_1486 = tpu.memref_squeeze %dma_start3A_1485 : memref<1x128xf32, #tpu.memory_space<vmem_shared>> -> memref<128xf32, #tpu.memory_space<vmem_shared>>
      tpu.enqueue_dma source(%arg10 : memref<128xf32, #tpu.memory_space<vmem>>) target(%dma_start3A_1486 : memref<128xf32, #tpu.memory_space<vmem_shared>>) target_semaphore(%run_scoped3A : memref<!tpu.dma_semaphore, #tpu.memory_space<semaphore_mem>>)
      %dma_wait3A = arith.constant 0 : i32
      %dma_wait3A_1487 = tpu.memref_slice %arg12[%arg1, %dma_wait3A] : memref<16x256xf32, #tpu.memory_space<vmem_shared>> -> memref<1x128xf32, #tpu.memory_space<vmem_shared>>
      %dma_wait3A_1488 = tpu.memref_squeeze %dma_wait3A_1487 : memref<1x128xf32, #tpu.memory_space<vmem_shared>> -> memref<128xf32, #tpu.memory_space<vmem_shared>>
      %dma_wait3A_1489 = arith.constant 0 : i32
      %dma_wait3A_1490 = tpu.memref_slice %arg12[%arg1, %dma_wait3A_1489] : memref<16x256xf32, #tpu.memory_space<vmem_shared>> -> memref<1x128xf32, #tpu.memory_space<vmem_shared>>
      %dma_wait3A_1491 = tpu.memref_squeeze %dma_wait3A_1490 : memref<1x128xf32, #tpu.memory_space<vmem_shared>> -> memref<128xf32, #tpu.memory_space<vmem_shared>>
      tpu.wait_dma2 semaphore(%run_scoped3A : memref<!tpu.dma_semaphore, #tpu.memory_space<semaphore_mem>>) src(%arg10 : memref<128xf32, #tpu.memory_space<vmem>>) dst(%dma_wait3A_1491 : memref<128xf32, #tpu.memory_space<vmem_shared>>)
      tpu.yield
    }) : () -> ()
    %barrier3A = arith.constant 0 : index
    tpu.barrier barrier_id(%barrier3A)
    %xor3A = arith.constant 1 : i32
    %xor3A_877 = arith.xori %arg1, %xor3A : i32
    "tpu.region"() ({
      %run_scoped3A = tpu.sem_alloc : memref<!tpu.dma_semaphore, #tpu.memory_space<semaphore_mem>>
      %dma_start3A = arith.constant 0 : i32
      %dma_start3A_1482 = tpu.memref_slice %arg12[%xor3A_877, %dma_start3A] : memref<16x256xf32, #tpu.memory_space<vmem_shared>> -> memref<1x128xf32, #tpu.memory_space<vmem_shared>>
      %dma_start3A_1483 = tpu.memref_squeeze %dma_start3A_1482 : memref<1x128xf32, #tpu.memory_space<vmem_shared>> -> memref<128xf32, #tpu.memory_space<vmem_shared>>
      %dma_start3A_1484 = arith.constant 0 : i32
      %dma_start3A_1485 = tpu.memref_slice %arg12[%xor3A_877, %dma_start3A_1484] : memref<16x256xf32, #tpu.memory_space<vmem_shared>> -> memref<1x128xf32, #tpu.memory_space<vmem_shared>>
      %dma_start3A_1486 = tpu.memref_squeeze %dma_start3A_1485 : memref<1x128xf32, #tpu.memory_space<vmem_shared>> -> memref<128xf32, #tpu.memory_space<vmem_shared>>
      tpu.enqueue_dma source(%dma_start3A_1486 : memref<128xf32, #tpu.memory_space<vmem_shared>>) target(%arg11 : memref<128xf32, #tpu.memory_space<vmem>>) target_semaphore(%run_scoped3A : memref<!tpu.dma_semaphore, #tpu.memory_space<semaphore_mem>>)
      %dma_wait3A = arith.constant 0 : i32
      %dma_wait3A_1487 = tpu.memref_slice %arg12[%xor3A_877, %dma_wait3A] : memref<16x256xf32, #tpu.memory_space<vmem_shared>> -> memref<1x128xf32, #tpu.memory_space<vmem_shared>>
      %dma_wait3A_1488 = tpu.memref_squeeze %dma_wait3A_1487 : memref<1x128xf32, #tpu.memory_space<vmem_shared>> -> memref<128xf32, #tpu.memory_space<vmem_shared>>
      %dma_wait3A_1489 = arith.constant 0 : i32
      %dma_wait3A_1490 = tpu.memref_slice %arg12[%xor3A_877, %dma_wait3A_1489] : memref<16x256xf32, #tpu.memory_space<vmem_shared>> -> memref<1x128xf32, #tpu.memory_space<vmem_shared>>
      %dma_wait3A_1491 = tpu.memref_squeeze %dma_wait3A_1490 : memref<1x128xf32, #tpu.memory_space<vmem_shared>> -> memref<128xf32, #tpu.memory_space<vmem_shared>>
      tpu.wait_dma2 semaphore(%run_scoped3A : memref<!tpu.dma_semaphore, #tpu.memory_space<semaphore_mem>>) src(%dma_wait3A_1491 : memref<128xf32, #tpu.memory_space<vmem_shared>>) dst(%arg11 : memref<128xf32, #tpu.memory_space<vmem>>)
      tpu.yield
    }) : () -> ()
    %get3A_878 = arith.constant 0 : index
    %get3A_879 = tpu.vector_load %arg10[%get3A_878] {strides = array<i32>} : memref<128xf32, #tpu.memory_space<vmem>>, vector<16xf32>,
    %get3A_880 = arith.constant 64 : index
    %get3A_881 = tpu.vector_load %arg10[%get3A_880] {strides = array<i32>} : memref<128xf32, #tpu.memory_space<vmem>>, vector<16xf32>,
    %bitcast3A_882 = vector.bitcast %get3A_881 : vector<16xf32> to vector<16xi32>
    %get3A_883 = arith.constant 16 : index
    %get3A_884 = tpu.vector_load %arg10[%get3A_883] {strides = array<i32>} : memref<128xf32, #tpu.memory_space<vmem>>, vector<16xf32>,
    %get3A_885 = arith.constant 80 : index
    %get3A_886 = tpu.vector_load %arg10[%get3A_885] {strides = array<i32>} : memref<128xf32, #tpu.memory_space<vmem>>, vector<16xf32>,
    %bitcast3A_887 = vector.bitcast %get3A_886 : vector<16xf32> to vector<16xi32>
    %get3A_888 = arith.constant 32 : index
    %get3A_889 = tpu.vector_load %arg10[%get3A_888] {strides = array<i32>} : memref<128xf32, #tpu.memory_space<vmem>>, vector<16xf32>,
    %get3A_890 = arith.constant 96 : index
    %get3A_891 = tpu.vector_load %arg10[%get3A_890] {strides = array<i32>} : memref<128xf32, #tpu.memory_space<vmem>>, vector<16xf32>,
    %bitcast3A_892 = vector.bitcast %get3A_891 : vector<16xf32> to vector<16xi32>
    %get3A_893 = arith.constant 48 : index
    %get3A_894 = tpu.vector_load %arg10[%get3A_893] {strides = array<i32>} : memref<128xf32, #tpu.memory_space<vmem>>, vector<16xf32>,
    %get3A_895 = arith.constant 112 : index
    %get3A_896 = tpu.vector_load %arg10[%get3A_895] {strides = array<i32>} : memref<128xf32, #tpu.memory_space<vmem>>, vector<16xf32>,
    %bitcast3A_897 = vector.bitcast %get3A_896 : vector<16xf32> to vector<16xi32>
    %get3A_898 = arith.constant 0 : index
    %get3A_899 = tpu.vector_load %arg11[%get3A_898] {strides = array<i32>} : memref<128xf32, #tpu.memory_space<vmem>>, vector<16xf32>,
    %get3A_900 = arith.constant 64 : index
    %get3A_901 = tpu.vector_load %arg11[%get3A_900] {strides = array<i32>} : memref<128xf32, #tpu.memory_space<vmem>>, vector<16xf32>,
    %bitcast3A_902 = vector.bitcast %get3A_901 : vector<16xf32> to vector<16xi32>
    %get3A_903 = arith.constant 16 : index
    %get3A_904 = tpu.vector_load %arg11[%get3A_903] {strides = array<i32>} : memref<128xf32, #tpu.memory_space<vmem>>, vector<16xf32>,
    %get3A_905 = arith.constant 80 : index
    %get3A_906 = tpu.vector_load %arg11[%get3A_905] {strides = array<i32>} : memref<128xf32, #tpu.memory_space<vmem>>, vector<16xf32>,
    %bitcast3A_907 = vector.bitcast %get3A_906 : vector<16xf32> to vector<16xi32>
    %get3A_908 = arith.constant 32 : index
    %get3A_909 = tpu.vector_load %arg11[%get3A_908] {strides = array<i32>} : memref<128xf32, #tpu.memory_space<vmem>>, vector<16xf32>,
    %get3A_910 = arith.constant 96 : index
    %get3A_911 = tpu.vector_load %arg11[%get3A_910] {strides = array<i32>} : memref<128xf32, #tpu.memory_space<vmem>>, vector<16xf32>,
    %bitcast3A_912 = vector.bitcast %get3A_911 : vector<16xf32> to vector<16xi32>
    %get3A_913 = arith.constant 48 : index
    %get3A_914 = tpu.vector_load %arg11[%get3A_913] {strides = array<i32>} : memref<128xf32, #tpu.memory_space<vmem>>, vector<16xf32>,
    %get3A_915 = arith.constant 112 : index
    %get3A_916 = tpu.vector_load %arg11[%get3A_915] {strides = array<i32>} : memref<128xf32, #tpu.memory_space<vmem>>, vector<16xf32>,
    %bitcast3A_917 = vector.bitcast %get3A_916 : vector<16xf32> to vector<16xi32>
    %rev3A_918 = arith.constant 15 : i32
    %rev3A_919 = vector.broadcast %rev3A_918 : i32 to vector<16xi32>
    %rev3A_920 = tpu.iota {dimensions = array<i32: 0>} : vector<16xi32>
    %rev3A_921 = arith.subi %rev3A_919, %rev3A_920 : vector<16xi32>
    %rev3A_922 = tpu.dynamic_gather %get3A_914[%rev3A_921] in [0] : vector<16xf32>, vector<16xi32> -> vector<16xf32>
    %rev3A_923 = arith.constant 15 : i32
    %rev3A_924 = vector.broadcast %rev3A_923 : i32 to vector<16xi32>
    %rev3A_925 = tpu.iota {dimensions = array<i32: 0>} : vector<16xi32>
    %rev3A_926 = arith.subi %rev3A_924, %rev3A_925 : vector<16xi32>
    %rev3A_927 = tpu.dynamic_gather %bitcast3A_917[%rev3A_926] in [0] : vector<16xi32>, vector<16xi32> -> vector<16xi32>
    %rev3A_928 = arith.constant 15 : i32
    %rev3A_929 = vector.broadcast %rev3A_928 : i32 to vector<16xi32>
    %rev3A_930 = tpu.iota {dimensions = array<i32: 0>} : vector<16xi32>
    %rev3A_931 = arith.subi %rev3A_929, %rev3A_930 : vector<16xi32>
    %rev3A_932 = tpu.dynamic_gather %get3A_909[%rev3A_931] in [0] : vector<16xf32>, vector<16xi32> -> vector<16xf32>
    %rev3A_933 = arith.constant 15 : i32
    %rev3A_934 = vector.broadcast %rev3A_933 : i32 to vector<16xi32>
    %rev3A_935 = tpu.iota {dimensions = array<i32: 0>} : vector<16xi32>
    %rev3A_936 = arith.subi %rev3A_934, %rev3A_935 : vector<16xi32>
    %rev3A_937 = tpu.dynamic_gather %bitcast3A_912[%rev3A_936] in [0] : vector<16xi32>, vector<16xi32> -> vector<16xi32>
    %rev3A_938 = arith.constant 15 : i32
    %rev3A_939 = vector.broadcast %rev3A_938 : i32 to vector<16xi32>
    %rev3A_940 = tpu.iota {dimensions = array<i32: 0>} : vector<16xi32>
    %rev3A_941 = arith.subi %rev3A_939, %rev3A_940 : vector<16xi32>
    %rev3A_942 = tpu.dynamic_gather %get3A_904[%rev3A_941] in [0] : vector<16xf32>, vector<16xi32> -> vector<16xf32>
    %rev3A_943 = arith.constant 15 : i32
    %rev3A_944 = vector.broadcast %rev3A_943 : i32 to vector<16xi32>
    %rev3A_945 = tpu.iota {dimensions = array<i32: 0>} : vector<16xi32>
    %rev3A_946 = arith.subi %rev3A_944, %rev3A_945 : vector<16xi32>
    %rev3A_947 = tpu.dynamic_gather %bitcast3A_907[%rev3A_946] in [0] : vector<16xi32>, vector<16xi32> -> vector<16xi32>
    %rev3A_948 = arith.constant 15 : i32
    %rev3A_949 = vector.broadcast %rev3A_948 : i32 to vector<16xi32>
    %rev3A_950 = tpu.iota {dimensions = array<i32: 0>} : vector<16xi32>
    %rev3A_951 = arith.subi %rev3A_949, %rev3A_950 : vector<16xi32>
    %rev3A_952 = tpu.dynamic_gather %get3A_899[%rev3A_951] in [0] : vector<16xf32>, vector<16xi32> -> vector<16xf32>
    %rev3A_953 = arith.constant 15 : i32
    %rev3A_954 = vector.broadcast %rev3A_953 : i32 to vector<16xi32>
    %rev3A_955 = tpu.iota {dimensions = array<i32: 0>} : vector<16xi32>
    %rev3A_956 = arith.subi %rev3A_954, %rev3A_955 : vector<16xi32>
    %rev3A_957 = tpu.dynamic_gather %bitcast3A_902[%rev3A_956] in [0] : vector<16xi32>, vector<16xi32> -> vector<16xi32>
    %ge3A_958 = arith.cmpf oge, %get3A_879, %rev3A_922 : vector<16xf32>
    %select_n3A_959 = arith.select %ge3A_958, %get3A_879, %rev3A_922 : vector<16xi1>, vector<16xf32>
    %select_n3A_960 = arith.select %ge3A_958, %bitcast3A_882, %rev3A_927 : vector<16xi1>, vector<16xi32>
    %ge3A_961 = arith.cmpf oge, %get3A_884, %rev3A_932 : vector<16xf32>
    %select_n3A_962 = arith.select %ge3A_961, %get3A_884, %rev3A_932 : vector<16xi1>, vector<16xf32>
    %select_n3A_963 = arith.select %ge3A_961, %bitcast3A_887, %rev3A_937 : vector<16xi1>, vector<16xi32>
    %ge3A_964 = arith.cmpf oge, %get3A_889, %rev3A_942 : vector<16xf32>
    %select_n3A_965 = arith.select %ge3A_964, %get3A_889, %rev3A_942 : vector<16xi1>, vector<16xf32>
    %select_n3A_966 = arith.select %ge3A_964, %bitcast3A_892, %rev3A_947 : vector<16xi1>, vector<16xi32>
    %ge3A_967 = arith.cmpf oge, %get3A_894, %rev3A_952 : vector<16xf32>
    %select_n3A_968 = arith.select %ge3A_967, %get3A_894, %rev3A_952 : vector<16xi1>, vector<16xf32>
    %select_n3A_969 = arith.select %ge3A_967, %bitcast3A_897, %rev3A_957 : vector<16xi1>, vector<16xi32>
    %ge3A_970 = arith.cmpf oge, %select_n3A_959, %select_n3A_965 : vector<16xf32>
    %select_n3A_971 = arith.select %ge3A_970, %select_n3A_959, %select_n3A_965 : vector<16xi1>, vector<16xf32>
    %select_n3A_972 = arith.select %ge3A_970, %select_n3A_960, %select_n3A_966 : vector<16xi1>, vector<16xi32>
    %select_n3A_973 = arith.select %ge3A_970, %select_n3A_965, %select_n3A_959 : vector<16xi1>, vector<16xf32>
    %select_n3A_974 = arith.select %ge3A_970, %select_n3A_966, %select_n3A_960 : vector<16xi1>, vector<16xi32>
    %ge3A_975 = arith.cmpf oge, %select_n3A_962, %select_n3A_968 : vector<16xf32>
    %select_n3A_976 = arith.select %ge3A_975, %select_n3A_962, %select_n3A_968 : vector<16xi1>, vector<16xf32>
    %select_n3A_977 = arith.select %ge3A_975, %select_n3A_963, %select_n3A_969 : vector<16xi1>, vector<16xi32>
    %select_n3A_978 = arith.select %ge3A_975, %select_n3A_968, %select_n3A_962 : vector<16xi1>, vector<16xf32>
    %select_n3A_979 = arith.select %ge3A_975, %select_n3A_969, %select_n3A_963 : vector<16xi1>, vector<16xi32>
    %ge3A_980 = arith.cmpf oge, %select_n3A_971, %select_n3A_976 : vector<16xf32>
    %select_n3A_981 = arith.select %ge3A_980, %select_n3A_971, %select_n3A_976 : vector<16xi1>, vector<16xf32>
    %select_n3A_982 = arith.select %ge3A_980, %select_n3A_972, %select_n3A_977 : vector<16xi1>, vector<16xi32>
    %select_n3A_983 = arith.select %ge3A_980, %select_n3A_976, %select_n3A_971 : vector<16xi1>, vector<16xf32>
    %select_n3A_984 = arith.select %ge3A_980, %select_n3A_977, %select_n3A_972 : vector<16xi1>, vector<16xi32>
    %masked_sort3A_985 = arith.constant dense<true> : vector<16xi1>
    %masked_sort3A_986, %masked_sort3A_987, %masked_sort3A_988 = tpu.sort %select_n3A_981, %select_n3A_982 masked %masked_sort3A_985 {descending = true} : (vector<16xf32>, vector<16xi32>, vector<16xi1>) -> (vector<16xi1>, vector<16xf32>, vector<16xi32>)
    %masked_sort3A_989 = arith.constant dense<true> : vector<16xi1>
    %masked_sort3A_990, %masked_sort3A_991, %masked_sort3A_992 = tpu.sort %select_n3A_983, %select_n3A_984 masked %masked_sort3A_989 {descending = true} : (vector<16xf32>, vector<16xi32>, vector<16xi1>) -> (vector<16xi1>, vector<16xf32>, vector<16xi32>)
    %ge3A_993 = arith.cmpf oge, %select_n3A_973, %select_n3A_978 : vector<16xf32>
    %select_n3A_994 = arith.select %ge3A_993, %select_n3A_973, %select_n3A_978 : vector<16xi1>, vector<16xf32>
    %select_n3A_995 = arith.select %ge3A_993, %select_n3A_974, %select_n3A_979 : vector<16xi1>, vector<16xi32>
    %select_n3A_996 = arith.select %ge3A_993, %select_n3A_978, %select_n3A_973 : vector<16xi1>, vector<16xf32>
    %select_n3A_997 = arith.select %ge3A_993, %select_n3A_979, %select_n3A_974 : vector<16xi1>, vector<16xi32>
    %masked_sort3A_998 = arith.constant dense<true> : vector<16xi1>
    %masked_sort3A_999, %masked_sort3A_1000, %masked_sort3A_1001 = tpu.sort %select_n3A_994, %select_n3A_995 masked %masked_sort3A_998 {descending = true} : (vector<16xf32>, vector<16xi32>, vector<16xi1>) -> (vector<16xi1>, vector<16xf32>, vector<16xi32>)
    %masked_sort3A_1002 = arith.constant dense<true> : vector<16xi1>
    %masked_sort3A_1003, %masked_sort3A_1004, %masked_sort3A_1005 = tpu.sort %select_n3A_996, %select_n3A_997 masked %masked_sort3A_1002 {descending = true} : (vector<16xf32>, vector<16xi32>, vector<16xi1>) -> (vector<16xi1>, vector<16xf32>, vector<16xi32>)
    %swap3A_1006 = arith.constant 0 : index
    %swap3A_1007 = tpu.vector_load %arg10[%swap3A_1006] {strides = array<i32>} : memref<128xf32, #tpu.memory_space<vmem>>, vector<16xf32>,
    tpu.vector_store %arg10[%swap3A_1006], %masked_sort3A_987 {strides = array<i32>} : memref<128xf32, #tpu.memory_space<vmem>>, vector<16xf32>,
    %bitcast3A_1008 = vector.bitcast %masked_sort3A_988 : vector<16xi32> to vector<16xf32>
    %swap3A_1009 = arith.constant 64 : index
    %swap3A_1010 = tpu.vector_load %arg10[%swap3A_1009] {strides = array<i32>} : memref<128xf32, #tpu.memory_space<vmem>>, vector<16xf32>,
    tpu.vector_store %arg10[%swap3A_1009], %bitcast3A_1008 {strides = array<i32>} : memref<128xf32, #tpu.memory_space<vmem>>, vector<16xf32>,
    %swap3A_1011 = arith.constant 16 : index
    %swap3A_1012 = tpu.vector_load %arg10[%swap3A_1011] {strides = array<i32>} : memref<128xf32, #tpu.memory_space<vmem>>, vector<16xf32>,
    tpu.vector_store %arg10[%swap3A_1011], %masked_sort3A_991 {strides = array<i32>} : memref<128xf32, #tpu.memory_space<vmem>>, vector<16xf32>,
    %bitcast3A_1013 = vector.bitcast %masked_sort3A_992 : vector<16xi32> to vector<16xf32>
    %swap3A_1014 = arith.constant 80 : index
    %swap3A_1015 = tpu.vector_load %arg10[%swap3A_1014] {strides = array<i32>} : memref<128xf32, #tpu.memory_space<vmem>>, vector<16xf32>,
    tpu.vector_store %arg10[%swap3A_1014], %bitcast3A_1013 {strides = array<i32>} : memref<128xf32, #tpu.memory_space<vmem>>, vector<16xf32>,
    %swap3A_1016 = arith.constant 32 : index
    %swap3A_1017 = tpu.vector_load %arg10[%swap3A_1016] {strides = array<i32>} : memref<128xf32, #tpu.memory_space<vmem>>, vector<16xf32>,
    tpu.vector_store %arg10[%swap3A_1016], %masked_sort3A_1000 {strides = array<i32>} : memref<128xf32, #tpu.memory_space<vmem>>, vector<16xf32>,
    %bitcast3A_1018 = vector.bitcast %masked_sort3A_1001 : vector<16xi32> to vector<16xf32>
    %swap3A_1019 = arith.constant 96 : index
    %swap3A_1020 = tpu.vector_load %arg10[%swap3A_1019] {strides = array<i32>} : memref<128xf32, #tpu.memory_space<vmem>>, vector<16xf32>,
    tpu.vector_store %arg10[%swap3A_1019], %bitcast3A_1018 {strides = array<i32>} : memref<128xf32, #tpu.memory_space<vmem>>, vector<16xf32>,
    %swap3A_1021 = arith.constant 48 : index
    %swap3A_1022 = tpu.vector_load %arg10[%swap3A_1021] {strides = array<i32>} : memref<128xf32, #tpu.memory_space<vmem>>, vector<16xf32>,
    tpu.vector_store %arg10[%swap3A_1021], %masked_sort3A_1004 {strides = array<i32>} : memref<128xf32, #tpu.memory_space<vmem>>, vector<16xf32>,
    %bitcast3A_1023 = vector.bitcast %masked_sort3A_1005 : vector<16xi32> to vector<16xf32>
    %swap3A_1024 = arith.constant 112 : index
    %swap3A_1025 = tpu.vector_load %arg10[%swap3A_1024] {strides = array<i32>} : memref<128xf32, #tpu.memory_space<vmem>>, vector<16xf32>,
    tpu.vector_store %arg10[%swap3A_1024], %bitcast3A_1023 {strides = array<i32>} : memref<128xf32, #tpu.memory_space<vmem>>, vector<16xf32>,
    "tpu.region"() ({
      %run_scoped3A = tpu.sem_alloc : memref<!tpu.dma_semaphore, #tpu.memory_space<semaphore_mem>>
      %dma_start3A = arith.constant 128 : i32
      %dma_start3A_1482 = tpu.memref_slice %arg12[%arg1, %dma_start3A] : memref<16x256xf32, #tpu.memory_space<vmem_shared>> -> memref<1x128xf32, #tpu.memory_space<vmem_shared>>
      %dma_start3A_1483 = tpu.memref_squeeze %dma_start3A_1482 : memref<1x128xf32, #tpu.memory_space<vmem_shared>> -> memref<128xf32, #tpu.memory_space<vmem_shared>>
      %dma_start3A_1484 = arith.constant 128 : i32
      %dma_start3A_1485 = tpu.memref_slice %arg12[%arg1, %dma_start3A_1484] : memref<16x256xf32, #tpu.memory_space<vmem_shared>> -> memref<1x128xf32, #tpu.memory_space<vmem_shared>>
      %dma_start3A_1486 = tpu.memref_squeeze %dma_start3A_1485 : memref<1x128xf32, #tpu.memory_space<vmem_shared>> -> memref<128xf32, #tpu.memory_space<vmem_shared>>
      tpu.enqueue_dma source(%arg10 : memref<128xf32, #tpu.memory_space<vmem>>) target(%dma_start3A_1486 : memref<128xf32, #tpu.memory_space<vmem_shared>>) target_semaphore(%run_scoped3A : memref<!tpu.dma_semaphore, #tpu.memory_space<semaphore_mem>>)
      %dma_wait3A = arith.constant 128 : i32
      %dma_wait3A_1487 = tpu.memref_slice %arg12[%arg1, %dma_wait3A] : memref<16x256xf32, #tpu.memory_space<vmem_shared>> -> memref<1x128xf32, #tpu.memory_space<vmem_shared>>
      %dma_wait3A_1488 = tpu.memref_squeeze %dma_wait3A_1487 : memref<1x128xf32, #tpu.memory_space<vmem_shared>> -> memref<128xf32, #tpu.memory_space<vmem_shared>>
      %dma_wait3A_1489 = arith.constant 128 : i32
      %dma_wait3A_1490 = tpu.memref_slice %arg12[%arg1, %dma_wait3A_1489] : memref<16x256xf32, #tpu.memory_space<vmem_shared>> -> memref<1x128xf32, #tpu.memory_space<vmem_shared>>
      %dma_wait3A_1491 = tpu.memref_squeeze %dma_wait3A_1490 : memref<1x128xf32, #tpu.memory_space<vmem_shared>> -> memref<128xf32, #tpu.memory_space<vmem_shared>>
      tpu.wait_dma2 semaphore(%run_scoped3A : memref<!tpu.dma_semaphore, #tpu.memory_space<semaphore_mem>>) src(%arg10 : memref<128xf32, #tpu.memory_space<vmem>>) dst(%dma_wait3A_1491 : memref<128xf32, #tpu.memory_space<vmem_shared>>)
      tpu.yield
    }) : () -> ()
    %barrier3A_1026 = arith.constant 0 : index
    tpu.barrier barrier_id(%barrier3A_1026)
    %xor3A_1027 = arith.constant 2 : i32
    %xor3A_1028 = arith.xori %arg1, %xor3A_1027 : i32
    "tpu.region"() ({
      %run_scoped3A = tpu.sem_alloc : memref<!tpu.dma_semaphore, #tpu.memory_space<semaphore_mem>>
      %dma_start3A = arith.constant 128 : i32
      %dma_start3A_1482 = tpu.memref_slice %arg12[%xor3A_1028, %dma_start3A] : memref<16x256xf32, #tpu.memory_space<vmem_shared>> -> memref<1x128xf32, #tpu.memory_space<vmem_shared>>
      %dma_start3A_1483 = tpu.memref_squeeze %dma_start3A_1482 : memref<1x128xf32, #tpu.memory_space<vmem_shared>> -> memref<128xf32, #tpu.memory_space<vmem_shared>>
      %dma_start3A_1484 = arith.constant 128 : i32
      %dma_start3A_1485 = tpu.memref_slice %arg12[%xor3A_1028, %dma_start3A_1484] : memref<16x256xf32, #tpu.memory_space<vmem_shared>> -> memref<1x128xf32, #tpu.memory_space<vmem_shared>>
      %dma_start3A_1486 = tpu.memref_squeeze %dma_start3A_1485 : memref<1x128xf32, #tpu.memory_space<vmem_shared>> -> memref<128xf32, #tpu.memory_space<vmem_shared>>
      tpu.enqueue_dma source(%dma_start3A_1486 : memref<128xf32, #tpu.memory_space<vmem_shared>>) target(%arg11 : memref<128xf32, #tpu.memory_space<vmem>>) target_semaphore(%run_scoped3A : memref<!tpu.dma_semaphore, #tpu.memory_space<semaphore_mem>>)
      %dma_wait3A = arith.constant 128 : i32
      %dma_wait3A_1487 = tpu.memref_slice %arg12[%xor3A_1028, %dma_wait3A] : memref<16x256xf32, #tpu.memory_space<vmem_shared>> -> memref<1x128xf32, #tpu.memory_space<vmem_shared>>
      %dma_wait3A_1488 = tpu.memref_squeeze %dma_wait3A_1487 : memref<1x128xf32, #tpu.memory_space<vmem_shared>> -> memref<128xf32, #tpu.memory_space<vmem_shared>>
      %dma_wait3A_1489 = arith.constant 128 : i32
      %dma_wait3A_1490 = tpu.memref_slice %arg12[%xor3A_1028, %dma_wait3A_1489] : memref<16x256xf32, #tpu.memory_space<vmem_shared>> -> memref<1x128xf32, #tpu.memory_space<vmem_shared>>
      %dma_wait3A_1491 = tpu.memref_squeeze %dma_wait3A_1490 : memref<1x128xf32, #tpu.memory_space<vmem_shared>> -> memref<128xf32, #tpu.memory_space<vmem_shared>>
      tpu.wait_dma2 semaphore(%run_scoped3A : memref<!tpu.dma_semaphore, #tpu.memory_space<semaphore_mem>>) src(%dma_wait3A_1491 : memref<128xf32, #tpu.memory_space<vmem_shared>>) dst(%arg11 : memref<128xf32, #tpu.memory_space<vmem>>)
      tpu.yield
    }) : () -> ()
    %get3A_1029 = arith.constant 0 : index
    %get3A_1030 = tpu.vector_load %arg10[%get3A_1029] {strides = array<i32>} : memref<128xf32, #tpu.memory_space<vmem>>, vector<16xf32>,
    %get3A_1031 = arith.constant 64 : index
    %get3A_1032 = tpu.vector_load %arg10[%get3A_1031] {strides = array<i32>} : memref<128xf32, #tpu.memory_space<vmem>>, vector<16xf32>,
    %bitcast3A_1033 = vector.bitcast %get3A_1032 : vector<16xf32> to vector<16xi32>
    %get3A_1034 = arith.constant 16 : index
    %get3A_1035 = tpu.vector_load %arg10[%get3A_1034] {strides = array<i32>} : memref<128xf32, #tpu.memory_space<vmem>>, vector<16xf32>,
    %get3A_1036 = arith.constant 80 : index
    %get3A_1037 = tpu.vector_load %arg10[%get3A_1036] {strides = array<i32>} : memref<128xf32, #tpu.memory_space<vmem>>, vector<16xf32>,
    %bitcast3A_1038 = vector.bitcast %get3A_1037 : vector<16xf32> to vector<16xi32>
    %get3A_1039 = arith.constant 32 : index
    %get3A_1040 = tpu.vector_load %arg10[%get3A_1039] {strides = array<i32>} : memref<128xf32, #tpu.memory_space<vmem>>, vector<16xf32>,
    %get3A_1041 = arith.constant 96 : index
    %get3A_1042 = tpu.vector_load %arg10[%get3A_1041] {strides = array<i32>} : memref<128xf32, #tpu.memory_space<vmem>>, vector<16xf32>,
    %bitcast3A_1043 = vector.bitcast %get3A_1042 : vector<16xf32> to vector<16xi32>
    %get3A_1044 = arith.constant 48 : index
    %get3A_1045 = tpu.vector_load %arg10[%get3A_1044] {strides = array<i32>} : memref<128xf32, #tpu.memory_space<vmem>>, vector<16xf32>,
    %get3A_1046 = arith.constant 112 : index
    %get3A_1047 = tpu.vector_load %arg10[%get3A_1046] {strides = array<i32>} : memref<128xf32, #tpu.memory_space<vmem>>, vector<16xf32>,
    %bitcast3A_1048 = vector.bitcast %get3A_1047 : vector<16xf32> to vector<16xi32>
    %get3A_1049 = arith.constant 0 : index
    %get3A_1050 = tpu.vector_load %arg11[%get3A_1049] {strides = array<i32>} : memref<128xf32, #tpu.memory_space<vmem>>, vector<16xf32>,
    %get3A_1051 = arith.constant 64 : index
    %get3A_1052 = tpu.vector_load %arg11[%get3A_1051] {strides = array<i32>} : memref<128xf32, #tpu.memory_space<vmem>>, vector<16xf32>,
    %bitcast3A_1053 = vector.bitcast %get3A_1052 : vector<16xf32> to vector<16xi32>
    %get3A_1054 = arith.constant 16 : index
    %get3A_1055 = tpu.vector_load %arg11[%get3A_1054] {strides = array<i32>} : memref<128xf32, #tpu.memory_space<vmem>>, vector<16xf32>,
    %get3A_1056 = arith.constant 80 : index
    %get3A_1057 = tpu.vector_load %arg11[%get3A_1056] {strides = array<i32>} : memref<128xf32, #tpu.memory_space<vmem>>, vector<16xf32>,
    %bitcast3A_1058 = vector.bitcast %get3A_1057 : vector<16xf32> to vector<16xi32>
    %get3A_1059 = arith.constant 32 : index
    %get3A_1060 = tpu.vector_load %arg11[%get3A_1059] {strides = array<i32>} : memref<128xf32, #tpu.memory_space<vmem>>, vector<16xf32>,
    %get3A_1061 = arith.constant 96 : index
    %get3A_1062 = tpu.vector_load %arg11[%get3A_1061] {strides = array<i32>} : memref<128xf32, #tpu.memory_space<vmem>>, vector<16xf32>,
    %bitcast3A_1063 = vector.bitcast %get3A_1062 : vector<16xf32> to vector<16xi32>
    %get3A_1064 = arith.constant 48 : index
    %get3A_1065 = tpu.vector_load %arg11[%get3A_1064] {strides = array<i32>} : memref<128xf32, #tpu.memory_space<vmem>>, vector<16xf32>,
    %get3A_1066 = arith.constant 112 : index
    %get3A_1067 = tpu.vector_load %arg11[%get3A_1066] {strides = array<i32>} : memref<128xf32, #tpu.memory_space<vmem>>, vector<16xf32>,
    %bitcast3A_1068 = vector.bitcast %get3A_1067 : vector<16xf32> to vector<16xi32>
    %rev3A_1069 = arith.constant 15 : i32
    %rev3A_1070 = vector.broadcast %rev3A_1069 : i32 to vector<16xi32>
    %rev3A_1071 = tpu.iota {dimensions = array<i32: 0>} : vector<16xi32>
    %rev3A_1072 = arith.subi %rev3A_1070, %rev3A_1071 : vector<16xi32>
    %rev3A_1073 = tpu.dynamic_gather %get3A_1065[%rev3A_1072] in [0] : vector<16xf32>, vector<16xi32> -> vector<16xf32>
    %rev3A_1074 = arith.constant 15 : i32
    %rev3A_1075 = vector.broadcast %rev3A_1074 : i32 to vector<16xi32>
    %rev3A_1076 = tpu.iota {dimensions = array<i32: 0>} : vector<16xi32>
    %rev3A_1077 = arith.subi %rev3A_1075, %rev3A_1076 : vector<16xi32>
    %rev3A_1078 = tpu.dynamic_gather %bitcast3A_1068[%rev3A_1077] in [0] : vector<16xi32>, vector<16xi32> -> vector<16xi32>
    %rev3A_1079 = arith.constant 15 : i32
    %rev3A_1080 = vector.broadcast %rev3A_1079 : i32 to vector<16xi32>
    %rev3A_1081 = tpu.iota {dimensions = array<i32: 0>} : vector<16xi32>
    %rev3A_1082 = arith.subi %rev3A_1080, %rev3A_1081 : vector<16xi32>
    %rev3A_1083 = tpu.dynamic_gather %get3A_1060[%rev3A_1082] in [0] : vector<16xf32>, vector<16xi32> -> vector<16xf32>
    %rev3A_1084 = arith.constant 15 : i32
    %rev3A_1085 = vector.broadcast %rev3A_1084 : i32 to vector<16xi32>
    %rev3A_1086 = tpu.iota {dimensions = array<i32: 0>} : vector<16xi32>
    %rev3A_1087 = arith.subi %rev3A_1085, %rev3A_1086 : vector<16xi32>
    %rev3A_1088 = tpu.dynamic_gather %bitcast3A_1063[%rev3A_1087] in [0] : vector<16xi32>, vector<16xi32> -> vector<16xi32>
    %rev3A_1089 = arith.constant 15 : i32
    %rev3A_1090 = vector.broadcast %rev3A_1089 : i32 to vector<16xi32>
    %rev3A_1091 = tpu.iota {dimensions = array<i32: 0>} : vector<16xi32>
    %rev3A_1092 = arith.subi %rev3A_1090, %rev3A_1091 : vector<16xi32>
    %rev3A_1093 = tpu.dynamic_gather %get3A_1055[%rev3A_1092] in [0] : vector<16xf32>, vector<16xi32> -> vector<16xf32>
    %rev3A_1094 = arith.constant 15 : i32
    %rev3A_1095 = vector.broadcast %rev3A_1094 : i32 to vector<16xi32>
    %rev3A_1096 = tpu.iota {dimensions = array<i32: 0>} : vector<16xi32>
    %rev3A_1097 = arith.subi %rev3A_1095, %rev3A_1096 : vector<16xi32>
    %rev3A_1098 = tpu.dynamic_gather %bitcast3A_1058[%rev3A_1097] in [0] : vector<16xi32>, vector<16xi32> -> vector<16xi32>
    %rev3A_1099 = arith.constant 15 : i32
    %rev3A_1100 = vector.broadcast %rev3A_1099 : i32 to vector<16xi32>
    %rev3A_1101 = tpu.iota {dimensions = array<i32: 0>} : vector<16xi32>
    %rev3A_1102 = arith.subi %rev3A_1100, %rev3A_1101 : vector<16xi32>
    %rev3A_1103 = tpu.dynamic_gather %get3A_1050[%rev3A_1102] in [0] : vector<16xf32>, vector<16xi32> -> vector<16xf32>
    %rev3A_1104 = arith.constant 15 : i32
    %rev3A_1105 = vector.broadcast %rev3A_1104 : i32 to vector<16xi32>
    %rev3A_1106 = tpu.iota {dimensions = array<i32: 0>} : vector<16xi32>
    %rev3A_1107 = arith.subi %rev3A_1105, %rev3A_1106 : vector<16xi32>
    %rev3A_1108 = tpu.dynamic_gather %bitcast3A_1053[%rev3A_1107] in [0] : vector<16xi32>, vector<16xi32> -> vector<16xi32>
    %ge3A_1109 = arith.cmpf oge, %get3A_1030, %rev3A_1073 : vector<16xf32>
    %select_n3A_1110 = arith.select %ge3A_1109, %get3A_1030, %rev3A_1073 : vector<16xi1>, vector<16xf32>
    %select_n3A_1111 = arith.select %ge3A_1109, %bitcast3A_1033, %rev3A_1078 : vector<16xi1>, vector<16xi32>
    %ge3A_1112 = arith.cmpf oge, %get3A_1035, %rev3A_1083 : vector<16xf32>
    %select_n3A_1113 = arith.select %ge3A_1112, %get3A_1035, %rev3A_1083 : vector<16xi1>, vector<16xf32>
    %select_n3A_1114 = arith.select %ge3A_1112, %bitcast3A_1038, %rev3A_1088 : vector<16xi1>, vector<16xi32>
    %ge3A_1115 = arith.cmpf oge, %get3A_1040, %rev3A_1093 : vector<16xf32>
    %select_n3A_1116 = arith.select %ge3A_1115, %get3A_1040, %rev3A_1093 : vector<16xi1>, vector<16xf32>
    %select_n3A_1117 = arith.select %ge3A_1115, %bitcast3A_1043, %rev3A_1098 : vector<16xi1>, vector<16xi32>
    %ge3A_1118 = arith.cmpf oge, %get3A_1045, %rev3A_1103 : vector<16xf32>
    %select_n3A_1119 = arith.select %ge3A_1118, %get3A_1045, %rev3A_1103 : vector<16xi1>, vector<16xf32>
    %select_n3A_1120 = arith.select %ge3A_1118, %bitcast3A_1048, %rev3A_1108 : vector<16xi1>, vector<16xi32>
    %ge3A_1121 = arith.cmpf oge, %select_n3A_1110, %select_n3A_1116 : vector<16xf32>
    %select_n3A_1122 = arith.select %ge3A_1121, %select_n3A_1110, %select_n3A_1116 : vector<16xi1>, vector<16xf32>
    %select_n3A_1123 = arith.select %ge3A_1121, %select_n3A_1111, %select_n3A_1117 : vector<16xi1>, vector<16xi32>
    %select_n3A_1124 = arith.select %ge3A_1121, %select_n3A_1116, %select_n3A_1110 : vector<16xi1>, vector<16xf32>
    %select_n3A_1125 = arith.select %ge3A_1121, %select_n3A_1117, %select_n3A_1111 : vector<16xi1>, vector<16xi32>
    %ge3A_1126 = arith.cmpf oge, %select_n3A_1113, %select_n3A_1119 : vector<16xf32>
    %select_n3A_1127 = arith.select %ge3A_1126, %select_n3A_1113, %select_n3A_1119 : vector<16xi1>, vector<16xf32>
    %select_n3A_1128 = arith.select %ge3A_1126, %select_n3A_1114, %select_n3A_1120 : vector<16xi1>, vector<16xi32>
    %select_n3A_1129 = arith.select %ge3A_1126, %select_n3A_1119, %select_n3A_1113 : vector<16xi1>, vector<16xf32>
    %select_n3A_1130 = arith.select %ge3A_1126, %select_n3A_1120, %select_n3A_1114 : vector<16xi1>, vector<16xi32>
    %ge3A_1131 = arith.cmpf oge, %select_n3A_1122, %select_n3A_1127 : vector<16xf32>
    %select_n3A_1132 = arith.select %ge3A_1131, %select_n3A_1122, %select_n3A_1127 : vector<16xi1>, vector<16xf32>
    %select_n3A_1133 = arith.select %ge3A_1131, %select_n3A_1123, %select_n3A_1128 : vector<16xi1>, vector<16xi32>
    %select_n3A_1134 = arith.select %ge3A_1131, %select_n3A_1127, %select_n3A_1122 : vector<16xi1>, vector<16xf32>
    %select_n3A_1135 = arith.select %ge3A_1131, %select_n3A_1128, %select_n3A_1123 : vector<16xi1>, vector<16xi32>
    %masked_sort3A_1136 = arith.constant dense<true> : vector<16xi1>
    %masked_sort3A_1137, %masked_sort3A_1138, %masked_sort3A_1139 = tpu.sort %select_n3A_1132, %select_n3A_1133 masked %masked_sort3A_1136 {descending = true} : (vector<16xf32>, vector<16xi32>, vector<16xi1>) -> (vector<16xi1>, vector<16xf32>, vector<16xi32>)
    %masked_sort3A_1140 = arith.constant dense<true> : vector<16xi1>
    %masked_sort3A_1141, %masked_sort3A_1142, %masked_sort3A_1143 = tpu.sort %select_n3A_1134, %select_n3A_1135 masked %masked_sort3A_1140 {descending = true} : (vector<16xf32>, vector<16xi32>, vector<16xi1>) -> (vector<16xi1>, vector<16xf32>, vector<16xi32>)
    %ge3A_1144 = arith.cmpf oge, %select_n3A_1124, %select_n3A_1129 : vector<16xf32>
    %select_n3A_1145 = arith.select %ge3A_1144, %select_n3A_1124, %select_n3A_1129 : vector<16xi1>, vector<16xf32>
    %select_n3A_1146 = arith.select %ge3A_1144, %select_n3A_1125, %select_n3A_1130 : vector<16xi1>, vector<16xi32>
    %select_n3A_1147 = arith.select %ge3A_1144, %select_n3A_1129, %select_n3A_1124 : vector<16xi1>, vector<16xf32>
    %select_n3A_1148 = arith.select %ge3A_1144, %select_n3A_1130, %select_n3A_1125 : vector<16xi1>, vector<16xi32>
    %masked_sort3A_1149 = arith.constant dense<true> : vector<16xi1>
    %masked_sort3A_1150, %masked_sort3A_1151, %masked_sort3A_1152 = tpu.sort %select_n3A_1145, %select_n3A_1146 masked %masked_sort3A_1149 {descending = true} : (vector<16xf32>, vector<16xi32>, vector<16xi1>) -> (vector<16xi1>, vector<16xf32>, vector<16xi32>)
    %masked_sort3A_1153 = arith.constant dense<true> : vector<16xi1>
    %masked_sort3A_1154, %masked_sort3A_1155, %masked_sort3A_1156 = tpu.sort %select_n3A_1147, %select_n3A_1148 masked %masked_sort3A_1153 {descending = true} : (vector<16xf32>, vector<16xi32>, vector<16xi1>) -> (vector<16xi1>, vector<16xf32>, vector<16xi32>)
    %swap3A_1157 = arith.constant 0 : index
    %swap3A_1158 = tpu.vector_load %arg10[%swap3A_1157] {strides = array<i32>} : memref<128xf32, #tpu.memory_space<vmem>>, vector<16xf32>,
    tpu.vector_store %arg10[%swap3A_1157], %masked_sort3A_1138 {strides = array<i32>} : memref<128xf32, #tpu.memory_space<vmem>>, vector<16xf32>,
    %bitcast3A_1159 = vector.bitcast %masked_sort3A_1139 : vector<16xi32> to vector<16xf32>
    %swap3A_1160 = arith.constant 64 : index
    %swap3A_1161 = tpu.vector_load %arg10[%swap3A_1160] {strides = array<i32>} : memref<128xf32, #tpu.memory_space<vmem>>, vector<16xf32>,
    tpu.vector_store %arg10[%swap3A_1160], %bitcast3A_1159 {strides = array<i32>} : memref<128xf32, #tpu.memory_space<vmem>>, vector<16xf32>,
    %swap3A_1162 = arith.constant 16 : index
    %swap3A_1163 = tpu.vector_load %arg10[%swap3A_1162] {strides = array<i32>} : memref<128xf32, #tpu.memory_space<vmem>>, vector<16xf32>,
    tpu.vector_store %arg10[%swap3A_1162], %masked_sort3A_1142 {strides = array<i32>} : memref<128xf32, #tpu.memory_space<vmem>>, vector<16xf32>,
    %bitcast3A_1164 = vector.bitcast %masked_sort3A_1143 : vector<16xi32> to vector<16xf32>
    %swap3A_1165 = arith.constant 80 : index
    %swap3A_1166 = tpu.vector_load %arg10[%swap3A_1165] {strides = array<i32>} : memref<128xf32, #tpu.memory_space<vmem>>, vector<16xf32>,
    tpu.vector_store %arg10[%swap3A_1165], %bitcast3A_1164 {strides = array<i32>} : memref<128xf32, #tpu.memory_space<vmem>>, vector<16xf32>,
    %swap3A_1167 = arith.constant 32 : index
    %swap3A_1168 = tpu.vector_load %arg10[%swap3A_1167] {strides = array<i32>} : memref<128xf32, #tpu.memory_space<vmem>>, vector<16xf32>,
    tpu.vector_store %arg10[%swap3A_1167], %masked_sort3A_1151 {strides = array<i32>} : memref<128xf32, #tpu.memory_space<vmem>>, vector<16xf32>,
    %bitcast3A_1169 = vector.bitcast %masked_sort3A_1152 : vector<16xi32> to vector<16xf32>
    %swap3A_1170 = arith.constant 96 : index
    %swap3A_1171 = tpu.vector_load %arg10[%swap3A_1170] {strides = array<i32>} : memref<128xf32, #tpu.memory_space<vmem>>, vector<16xf32>,
    tpu.vector_store %arg10[%swap3A_1170], %bitcast3A_1169 {strides = array<i32>} : memref<128xf32, #tpu.memory_space<vmem>>, vector<16xf32>,
    %swap3A_1172 = arith.constant 48 : index
    %swap3A_1173 = tpu.vector_load %arg10[%swap3A_1172] {strides = array<i32>} : memref<128xf32, #tpu.memory_space<vmem>>, vector<16xf32>,
    tpu.vector_store %arg10[%swap3A_1172], %masked_sort3A_1155 {strides = array<i32>} : memref<128xf32, #tpu.memory_space<vmem>>, vector<16xf32>,
    %bitcast3A_1174 = vector.bitcast %masked_sort3A_1156 : vector<16xi32> to vector<16xf32>
    %swap3A_1175 = arith.constant 112 : index
    %swap3A_1176 = tpu.vector_load %arg10[%swap3A_1175] {strides = array<i32>} : memref<128xf32, #tpu.memory_space<vmem>>, vector<16xf32>,
    tpu.vector_store %arg10[%swap3A_1175], %bitcast3A_1174 {strides = array<i32>} : memref<128xf32, #tpu.memory_space<vmem>>, vector<16xf32>,
    "tpu.region"() ({
      %run_scoped3A = tpu.sem_alloc : memref<!tpu.dma_semaphore, #tpu.memory_space<semaphore_mem>>
      %dma_start3A = arith.constant 0 : i32
      %dma_start3A_1482 = tpu.memref_slice %arg12[%arg1, %dma_start3A] : memref<16x256xf32, #tpu.memory_space<vmem_shared>> -> memref<1x128xf32, #tpu.memory_space<vmem_shared>>
      %dma_start3A_1483 = tpu.memref_squeeze %dma_start3A_1482 : memref<1x128xf32, #tpu.memory_space<vmem_shared>> -> memref<128xf32, #tpu.memory_space<vmem_shared>>
      %dma_start3A_1484 = arith.constant 0 : i32
      %dma_start3A_1485 = tpu.memref_slice %arg12[%arg1, %dma_start3A_1484] : memref<16x256xf32, #tpu.memory_space<vmem_shared>> -> memref<1x128xf32, #tpu.memory_space<vmem_shared>>
      %dma_start3A_1486 = tpu.memref_squeeze %dma_start3A_1485 : memref<1x128xf32, #tpu.memory_space<vmem_shared>> -> memref<128xf32, #tpu.memory_space<vmem_shared>>
      tpu.enqueue_dma source(%arg10 : memref<128xf32, #tpu.memory_space<vmem>>) target(%dma_start3A_1486 : memref<128xf32, #tpu.memory_space<vmem_shared>>) target_semaphore(%run_scoped3A : memref<!tpu.dma_semaphore, #tpu.memory_space<semaphore_mem>>)
      %dma_wait3A = arith.constant 0 : i32
      %dma_wait3A_1487 = tpu.memref_slice %arg12[%arg1, %dma_wait3A] : memref<16x256xf32, #tpu.memory_space<vmem_shared>> -> memref<1x128xf32, #tpu.memory_space<vmem_shared>>
      %dma_wait3A_1488 = tpu.memref_squeeze %dma_wait3A_1487 : memref<1x128xf32, #tpu.memory_space<vmem_shared>> -> memref<128xf32, #tpu.memory_space<vmem_shared>>
      %dma_wait3A_1489 = arith.constant 0 : i32
      %dma_wait3A_1490 = tpu.memref_slice %arg12[%arg1, %dma_wait3A_1489] : memref<16x256xf32, #tpu.memory_space<vmem_shared>> -> memref<1x128xf32, #tpu.memory_space<vmem_shared>>
      %dma_wait3A_1491 = tpu.memref_squeeze %dma_wait3A_1490 : memref<1x128xf32, #tpu.memory_space<vmem_shared>> -> memref<128xf32, #tpu.memory_space<vmem_shared>>
      tpu.wait_dma2 semaphore(%run_scoped3A : memref<!tpu.dma_semaphore, #tpu.memory_space<semaphore_mem>>) src(%arg10 : memref<128xf32, #tpu.memory_space<vmem>>) dst(%dma_wait3A_1491 : memref<128xf32, #tpu.memory_space<vmem_shared>>)
      tpu.yield
    }) : () -> ()
    %barrier3A_1177 = arith.constant 0 : index
    tpu.barrier barrier_id(%barrier3A_1177)
    %xor3A_1178 = arith.constant 4 : i32
    %xor3A_1179 = arith.xori %arg1, %xor3A_1178 : i32
    "tpu.region"() ({
      %run_scoped3A = tpu.sem_alloc : memref<!tpu.dma_semaphore, #tpu.memory_space<semaphore_mem>>
      %dma_start3A = arith.constant 0 : i32
      %dma_start3A_1482 = tpu.memref_slice %arg12[%xor3A_1179, %dma_start3A] : memref<16x256xf32, #tpu.memory_space<vmem_shared>> -> memref<1x128xf32, #tpu.memory_space<vmem_shared>>
      %dma_start3A_1483 = tpu.memref_squeeze %dma_start3A_1482 : memref<1x128xf32, #tpu.memory_space<vmem_shared>> -> memref<128xf32, #tpu.memory_space<vmem_shared>>
      %dma_start3A_1484 = arith.constant 0 : i32
      %dma_start3A_1485 = tpu.memref_slice %arg12[%xor3A_1179, %dma_start3A_1484] : memref<16x256xf32, #tpu.memory_space<vmem_shared>> -> memref<1x128xf32, #tpu.memory_space<vmem_shared>>
      %dma_start3A_1486 = tpu.memref_squeeze %dma_start3A_1485 : memref<1x128xf32, #tpu.memory_space<vmem_shared>> -> memref<128xf32, #tpu.memory_space<vmem_shared>>
      tpu.enqueue_dma source(%dma_start3A_1486 : memref<128xf32, #tpu.memory_space<vmem_shared>>) target(%arg11 : memref<128xf32, #tpu.memory_space<vmem>>) target_semaphore(%run_scoped3A : memref<!tpu.dma_semaphore, #tpu.memory_space<semaphore_mem>>)
      %dma_wait3A = arith.constant 0 : i32
      %dma_wait3A_1487 = tpu.memref_slice %arg12[%xor3A_1179, %dma_wait3A] : memref<16x256xf32, #tpu.memory_space<vmem_shared>> -> memref<1x128xf32, #tpu.memory_space<vmem_shared>>
      %dma_wait3A_1488 = tpu.memref_squeeze %dma_wait3A_1487 : memref<1x128xf32, #tpu.memory_space<vmem_shared>> -> memref<128xf32, #tpu.memory_space<vmem_shared>>
      %dma_wait3A_1489 = arith.constant 0 : i32
      %dma_wait3A_1490 = tpu.memref_slice %arg12[%xor3A_1179, %dma_wait3A_1489] : memref<16x256xf32, #tpu.memory_space<vmem_shared>> -> memref<1x128xf32, #tpu.memory_space<vmem_shared>>
      %dma_wait3A_1491 = tpu.memref_squeeze %dma_wait3A_1490 : memref<1x128xf32, #tpu.memory_space<vmem_shared>> -> memref<128xf32, #tpu.memory_space<vmem_shared>>
      tpu.wait_dma2 semaphore(%run_scoped3A : memref<!tpu.dma_semaphore, #tpu.memory_space<semaphore_mem>>) src(%dma_wait3A_1491 : memref<128xf32, #tpu.memory_space<vmem_shared>>) dst(%arg11 : memref<128xf32, #tpu.memory_space<vmem>>)
      tpu.yield
    }) : () -> ()
    %get3A_1180 = arith.constant 0 : index
    %get3A_1181 = tpu.vector_load %arg10[%get3A_1180] {strides = array<i32>} : memref<128xf32, #tpu.memory_space<vmem>>, vector<16xf32>,
    %get3A_1182 = arith.constant 64 : index
    %get3A_1183 = tpu.vector_load %arg10[%get3A_1182] {strides = array<i32>} : memref<128xf32, #tpu.memory_space<vmem>>, vector<16xf32>,
    %bitcast3A_1184 = vector.bitcast %get3A_1183 : vector<16xf32> to vector<16xi32>
    %get3A_1185 = arith.constant 16 : index
    %get3A_1186 = tpu.vector_load %arg10[%get3A_1185] {strides = array<i32>} : memref<128xf32, #tpu.memory_space<vmem>>, vector<16xf32>,
    %get3A_1187 = arith.constant 80 : index
    %get3A_1188 = tpu.vector_load %arg10[%get3A_1187] {strides = array<i32>} : memref<128xf32, #tpu.memory_space<vmem>>, vector<16xf32>,
    %bitcast3A_1189 = vector.bitcast %get3A_1188 : vector<16xf32> to vector<16xi32>
    %get3A_1190 = arith.constant 32 : index
    %get3A_1191 = tpu.vector_load %arg10[%get3A_1190] {strides = array<i32>} : memref<128xf32, #tpu.memory_space<vmem>>, vector<16xf32>,
    %get3A_1192 = arith.constant 96 : index
    %get3A_1193 = tpu.vector_load %arg10[%get3A_1192] {strides = array<i32>} : memref<128xf32, #tpu.memory_space<vmem>>, vector<16xf32>,
    %bitcast3A_1194 = vector.bitcast %get3A_1193 : vector<16xf32> to vector<16xi32>
    %get3A_1195 = arith.constant 48 : index
    %get3A_1196 = tpu.vector_load %arg10[%get3A_1195] {strides = array<i32>} : memref<128xf32, #tpu.memory_space<vmem>>, vector<16xf32>,
    %get3A_1197 = arith.constant 112 : index
    %get3A_1198 = tpu.vector_load %arg10[%get3A_1197] {strides = array<i32>} : memref<128xf32, #tpu.memory_space<vmem>>, vector<16xf32>,
    %bitcast3A_1199 = vector.bitcast %get3A_1198 : vector<16xf32> to vector<16xi32>
    %get3A_1200 = arith.constant 0 : index
    %get3A_1201 = tpu.vector_load %arg11[%get3A_1200] {strides = array<i32>} : memref<128xf32, #tpu.memory_space<vmem>>, vector<16xf32>,
    %get3A_1202 = arith.constant 64 : index
    %get3A_1203 = tpu.vector_load %arg11[%get3A_1202] {strides = array<i32>} : memref<128xf32, #tpu.memory_space<vmem>>, vector<16xf32>,
    %bitcast3A_1204 = vector.bitcast %get3A_1203 : vector<16xf32> to vector<16xi32>
    %get3A_1205 = arith.constant 16 : index
    %get3A_1206 = tpu.vector_load %arg11[%get3A_1205] {strides = array<i32>} : memref<128xf32, #tpu.memory_space<vmem>>, vector<16xf32>,
    %get3A_1207 = arith.constant 80 : index
    %get3A_1208 = tpu.vector_load %arg11[%get3A_1207] {strides = array<i32>} : memref<128xf32, #tpu.memory_space<vmem>>, vector<16xf32>,
    %bitcast3A_1209 = vector.bitcast %get3A_1208 : vector<16xf32> to vector<16xi32>
    %get3A_1210 = arith.constant 32 : index
    %get3A_1211 = tpu.vector_load %arg11[%get3A_1210] {strides = array<i32>} : memref<128xf32, #tpu.memory_space<vmem>>, vector<16xf32>,
    %get3A_1212 = arith.constant 96 : index
    %get3A_1213 = tpu.vector_load %arg11[%get3A_1212] {strides = array<i32>} : memref<128xf32, #tpu.memory_space<vmem>>, vector<16xf32>,
    %bitcast3A_1214 = vector.bitcast %get3A_1213 : vector<16xf32> to vector<16xi32>
    %get3A_1215 = arith.constant 48 : index
    %get3A_1216 = tpu.vector_load %arg11[%get3A_1215] {strides = array<i32>} : memref<128xf32, #tpu.memory_space<vmem>>, vector<16xf32>,
    %get3A_1217 = arith.constant 112 : index
    %get3A_1218 = tpu.vector_load %arg11[%get3A_1217] {strides = array<i32>} : memref<128xf32, #tpu.memory_space<vmem>>, vector<16xf32>,
    %bitcast3A_1219 = vector.bitcast %get3A_1218 : vector<16xf32> to vector<16xi32>
    %rev3A_1220 = arith.constant 15 : i32
    %rev3A_1221 = vector.broadcast %rev3A_1220 : i32 to vector<16xi32>
    %rev3A_1222 = tpu.iota {dimensions = array<i32: 0>} : vector<16xi32>
    %rev3A_1223 = arith.subi %rev3A_1221, %rev3A_1222 : vector<16xi32>
    %rev3A_1224 = tpu.dynamic_gather %get3A_1216[%rev3A_1223] in [0] : vector<16xf32>, vector<16xi32> -> vector<16xf32>
    %rev3A_1225 = arith.constant 15 : i32
    %rev3A_1226 = vector.broadcast %rev3A_1225 : i32 to vector<16xi32>
    %rev3A_1227 = tpu.iota {dimensions = array<i32: 0>} : vector<16xi32>
    %rev3A_1228 = arith.subi %rev3A_1226, %rev3A_1227 : vector<16xi32>
    %rev3A_1229 = tpu.dynamic_gather %bitcast3A_1219[%rev3A_1228] in [0] : vector<16xi32>, vector<16xi32> -> vector<16xi32>
    %rev3A_1230 = arith.constant 15 : i32
    %rev3A_1231 = vector.broadcast %rev3A_1230 : i32 to vector<16xi32>
    %rev3A_1232 = tpu.iota {dimensions = array<i32: 0>} : vector<16xi32>
    %rev3A_1233 = arith.subi %rev3A_1231, %rev3A_1232 : vector<16xi32>
    %rev3A_1234 = tpu.dynamic_gather %get3A_1211[%rev3A_1233] in [0] : vector<16xf32>, vector<16xi32> -> vector<16xf32>
    %rev3A_1235 = arith.constant 15 : i32
    %rev3A_1236 = vector.broadcast %rev3A_1235 : i32 to vector<16xi32>
    %rev3A_1237 = tpu.iota {dimensions = array<i32: 0>} : vector<16xi32>
    %rev3A_1238 = arith.subi %rev3A_1236, %rev3A_1237 : vector<16xi32>
    %rev3A_1239 = tpu.dynamic_gather %bitcast3A_1214[%rev3A_1238] in [0] : vector<16xi32>, vector<16xi32> -> vector<16xi32>
    %rev3A_1240 = arith.constant 15 : i32
    %rev3A_1241 = vector.broadcast %rev3A_1240 : i32 to vector<16xi32>
    %rev3A_1242 = tpu.iota {dimensions = array<i32: 0>} : vector<16xi32>
    %rev3A_1243 = arith.subi %rev3A_1241, %rev3A_1242 : vector<16xi32>
    %rev3A_1244 = tpu.dynamic_gather %get3A_1206[%rev3A_1243] in [0] : vector<16xf32>, vector<16xi32> -> vector<16xf32>
    %rev3A_1245 = arith.constant 15 : i32
    %rev3A_1246 = vector.broadcast %rev3A_1245 : i32 to vector<16xi32>
    %rev3A_1247 = tpu.iota {dimensions = array<i32: 0>} : vector<16xi32>
    %rev3A_1248 = arith.subi %rev3A_1246, %rev3A_1247 : vector<16xi32>
    %rev3A_1249 = tpu.dynamic_gather %bitcast3A_1209[%rev3A_1248] in [0] : vector<16xi32>, vector<16xi32> -> vector<16xi32>
    %rev3A_1250 = arith.constant 15 : i32
    %rev3A_1251 = vector.broadcast %rev3A_1250 : i32 to vector<16xi32>
    %rev3A_1252 = tpu.iota {dimensions = array<i32: 0>} : vector<16xi32>
    %rev3A_1253 = arith.subi %rev3A_1251, %rev3A_1252 : vector<16xi32>
    %rev3A_1254 = tpu.dynamic_gather %get3A_1201[%rev3A_1253] in [0] : vector<16xf32>, vector<16xi32> -> vector<16xf32>
    %rev3A_1255 = arith.constant 15 : i32
    %rev3A_1256 = vector.broadcast %rev3A_1255 : i32 to vector<16xi32>
    %rev3A_1257 = tpu.iota {dimensions = array<i32: 0>} : vector<16xi32>
    %rev3A_1258 = arith.subi %rev3A_1256, %rev3A_1257 : vector<16xi32>
    %rev3A_1259 = tpu.dynamic_gather %bitcast3A_1204[%rev3A_1258] in [0] : vector<16xi32>, vector<16xi32> -> vector<16xi32>
    %ge3A_1260 = arith.cmpf oge, %get3A_1181, %rev3A_1224 : vector<16xf32>
    %select_n3A_1261 = arith.select %ge3A_1260, %get3A_1181, %rev3A_1224 : vector<16xi1>, vector<16xf32>
    %select_n3A_1262 = arith.select %ge3A_1260, %bitcast3A_1184, %rev3A_1229 : vector<16xi1>, vector<16xi32>
    %ge3A_1263 = arith.cmpf oge, %get3A_1186, %rev3A_1234 : vector<16xf32>
    %select_n3A_1264 = arith.select %ge3A_1263, %get3A_1186, %rev3A_1234 : vector<16xi1>, vector<16xf32>
    %select_n3A_1265 = arith.select %ge3A_1263, %bitcast3A_1189, %rev3A_1239 : vector<16xi1>, vector<16xi32>
    %ge3A_1266 = arith.cmpf oge, %get3A_1191, %rev3A_1244 : vector<16xf32>
    %select_n3A_1267 = arith.select %ge3A_1266, %get3A_1191, %rev3A_1244 : vector<16xi1>, vector<16xf32>
    %select_n3A_1268 = arith.select %ge3A_1266, %bitcast3A_1194, %rev3A_1249 : vector<16xi1>, vector<16xi32>
    %ge3A_1269 = arith.cmpf oge, %get3A_1196, %rev3A_1254 : vector<16xf32>
    %select_n3A_1270 = arith.select %ge3A_1269, %get3A_1196, %rev3A_1254 : vector<16xi1>, vector<16xf32>
    %select_n3A_1271 = arith.select %ge3A_1269, %bitcast3A_1199, %rev3A_1259 : vector<16xi1>, vector<16xi32>
    %ge3A_1272 = arith.cmpf oge, %select_n3A_1261, %select_n3A_1267 : vector<16xf32>
    %select_n3A_1273 = arith.select %ge3A_1272, %select_n3A_1261, %select_n3A_1267 : vector<16xi1>, vector<16xf32>
    %select_n3A_1274 = arith.select %ge3A_1272, %select_n3A_1262, %select_n3A_1268 : vector<16xi1>, vector<16xi32>
    %select_n3A_1275 = arith.select %ge3A_1272, %select_n3A_1267, %select_n3A_1261 : vector<16xi1>, vector<16xf32>
    %select_n3A_1276 = arith.select %ge3A_1272, %select_n3A_1268, %select_n3A_1262 : vector<16xi1>, vector<16xi32>
    %ge3A_1277 = arith.cmpf oge, %select_n3A_1264, %select_n3A_1270 : vector<16xf32>
    %select_n3A_1278 = arith.select %ge3A_1277, %select_n3A_1264, %select_n3A_1270 : vector<16xi1>, vector<16xf32>
    %select_n3A_1279 = arith.select %ge3A_1277, %select_n3A_1265, %select_n3A_1271 : vector<16xi1>, vector<16xi32>
    %select_n3A_1280 = arith.select %ge3A_1277, %select_n3A_1270, %select_n3A_1264 : vector<16xi1>, vector<16xf32>
    %select_n3A_1281 = arith.select %ge3A_1277, %select_n3A_1271, %select_n3A_1265 : vector<16xi1>, vector<16xi32>
    %ge3A_1282 = arith.cmpf oge, %select_n3A_1273, %select_n3A_1278 : vector<16xf32>
    %select_n3A_1283 = arith.select %ge3A_1282, %select_n3A_1273, %select_n3A_1278 : vector<16xi1>, vector<16xf32>
    %select_n3A_1284 = arith.select %ge3A_1282, %select_n3A_1274, %select_n3A_1279 : vector<16xi1>, vector<16xi32>
    %select_n3A_1285 = arith.select %ge3A_1282, %select_n3A_1278, %select_n3A_1273 : vector<16xi1>, vector<16xf32>
    %select_n3A_1286 = arith.select %ge3A_1282, %select_n3A_1279, %select_n3A_1274 : vector<16xi1>, vector<16xi32>
    %masked_sort3A_1287 = arith.constant dense<true> : vector<16xi1>
    %masked_sort3A_1288, %masked_sort3A_1289, %masked_sort3A_1290 = tpu.sort %select_n3A_1283, %select_n3A_1284 masked %masked_sort3A_1287 {descending = true} : (vector<16xf32>, vector<16xi32>, vector<16xi1>) -> (vector<16xi1>, vector<16xf32>, vector<16xi32>)
    %masked_sort3A_1291 = arith.constant dense<true> : vector<16xi1>
    %masked_sort3A_1292, %masked_sort3A_1293, %masked_sort3A_1294 = tpu.sort %select_n3A_1285, %select_n3A_1286 masked %masked_sort3A_1291 {descending = true} : (vector<16xf32>, vector<16xi32>, vector<16xi1>) -> (vector<16xi1>, vector<16xf32>, vector<16xi32>)
    %ge3A_1295 = arith.cmpf oge, %select_n3A_1275, %select_n3A_1280 : vector<16xf32>
    %select_n3A_1296 = arith.select %ge3A_1295, %select_n3A_1275, %select_n3A_1280 : vector<16xi1>, vector<16xf32>
    %select_n3A_1297 = arith.select %ge3A_1295, %select_n3A_1276, %select_n3A_1281 : vector<16xi1>, vector<16xi32>
    %select_n3A_1298 = arith.select %ge3A_1295, %select_n3A_1280, %select_n3A_1275 : vector<16xi1>, vector<16xf32>
    %select_n3A_1299 = arith.select %ge3A_1295, %select_n3A_1281, %select_n3A_1276 : vector<16xi1>, vector<16xi32>
    %masked_sort3A_1300 = arith.constant dense<true> : vector<16xi1>
    %masked_sort3A_1301, %masked_sort3A_1302, %masked_sort3A_1303 = tpu.sort %select_n3A_1296, %select_n3A_1297 masked %masked_sort3A_1300 {descending = true} : (vector<16xf32>, vector<16xi32>, vector<16xi1>) -> (vector<16xi1>, vector<16xf32>, vector<16xi32>)
    %masked_sort3A_1304 = arith.constant dense<true> : vector<16xi1>
    %masked_sort3A_1305, %masked_sort3A_1306, %masked_sort3A_1307 = tpu.sort %select_n3A_1298, %select_n3A_1299 masked %masked_sort3A_1304 {descending = true} : (vector<16xf32>, vector<16xi32>, vector<16xi1>) -> (vector<16xi1>, vector<16xf32>, vector<16xi32>)
    %swap3A_1308 = arith.constant 0 : index
    %swap3A_1309 = tpu.vector_load %arg10[%swap3A_1308] {strides = array<i32>} : memref<128xf32, #tpu.memory_space<vmem>>, vector<16xf32>,
    tpu.vector_store %arg10[%swap3A_1308], %masked_sort3A_1289 {strides = array<i32>} : memref<128xf32, #tpu.memory_space<vmem>>, vector<16xf32>,
    %bitcast3A_1310 = vector.bitcast %masked_sort3A_1290 : vector<16xi32> to vector<16xf32>
    %swap3A_1311 = arith.constant 64 : index
    %swap3A_1312 = tpu.vector_load %arg10[%swap3A_1311] {strides = array<i32>} : memref<128xf32, #tpu.memory_space<vmem>>, vector<16xf32>,
    tpu.vector_store %arg10[%swap3A_1311], %bitcast3A_1310 {strides = array<i32>} : memref<128xf32, #tpu.memory_space<vmem>>, vector<16xf32>,
    %swap3A_1313 = arith.constant 16 : index
    %swap3A_1314 = tpu.vector_load %arg10[%swap3A_1313] {strides = array<i32>} : memref<128xf32, #tpu.memory_space<vmem>>, vector<16xf32>,
    tpu.vector_store %arg10[%swap3A_1313], %masked_sort3A_1293 {strides = array<i32>} : memref<128xf32, #tpu.memory_space<vmem>>, vector<16xf32>,
    %bitcast3A_1315 = vector.bitcast %masked_sort3A_1294 : vector<16xi32> to vector<16xf32>
    %swap3A_1316 = arith.constant 80 : index
    %swap3A_1317 = tpu.vector_load %arg10[%swap3A_1316] {strides = array<i32>} : memref<128xf32, #tpu.memory_space<vmem>>, vector<16xf32>,
    tpu.vector_store %arg10[%swap3A_1316], %bitcast3A_1315 {strides = array<i32>} : memref<128xf32, #tpu.memory_space<vmem>>, vector<16xf32>,
    %swap3A_1318 = arith.constant 32 : index
    %swap3A_1319 = tpu.vector_load %arg10[%swap3A_1318] {strides = array<i32>} : memref<128xf32, #tpu.memory_space<vmem>>, vector<16xf32>,
    tpu.vector_store %arg10[%swap3A_1318], %masked_sort3A_1302 {strides = array<i32>} : memref<128xf32, #tpu.memory_space<vmem>>, vector<16xf32>,
    %bitcast3A_1320 = vector.bitcast %masked_sort3A_1303 : vector<16xi32> to vector<16xf32>
    %swap3A_1321 = arith.constant 96 : index
    %swap3A_1322 = tpu.vector_load %arg10[%swap3A_1321] {strides = array<i32>} : memref<128xf32, #tpu.memory_space<vmem>>, vector<16xf32>,
    tpu.vector_store %arg10[%swap3A_1321], %bitcast3A_1320 {strides = array<i32>} : memref<128xf32, #tpu.memory_space<vmem>>, vector<16xf32>,
    %swap3A_1323 = arith.constant 48 : index
    %swap3A_1324 = tpu.vector_load %arg10[%swap3A_1323] {strides = array<i32>} : memref<128xf32, #tpu.memory_space<vmem>>, vector<16xf32>,
    tpu.vector_store %arg10[%swap3A_1323], %masked_sort3A_1306 {strides = array<i32>} : memref<128xf32, #tpu.memory_space<vmem>>, vector<16xf32>,
    %bitcast3A_1325 = vector.bitcast %masked_sort3A_1307 : vector<16xi32> to vector<16xf32>
    %swap3A_1326 = arith.constant 112 : index
    %swap3A_1327 = tpu.vector_load %arg10[%swap3A_1326] {strides = array<i32>} : memref<128xf32, #tpu.memory_space<vmem>>, vector<16xf32>,
    tpu.vector_store %arg10[%swap3A_1326], %bitcast3A_1325 {strides = array<i32>} : memref<128xf32, #tpu.memory_space<vmem>>, vector<16xf32>,
    "tpu.region"() ({
      %run_scoped3A = tpu.sem_alloc : memref<!tpu.dma_semaphore, #tpu.memory_space<semaphore_mem>>
      %dma_start3A = arith.constant 128 : i32
      %dma_start3A_1482 = tpu.memref_slice %arg12[%arg1, %dma_start3A] : memref<16x256xf32, #tpu.memory_space<vmem_shared>> -> memref<1x128xf32, #tpu.memory_space<vmem_shared>>
      %dma_start3A_1483 = tpu.memref_squeeze %dma_start3A_1482 : memref<1x128xf32, #tpu.memory_space<vmem_shared>> -> memref<128xf32, #tpu.memory_space<vmem_shared>>
      %dma_start3A_1484 = arith.constant 128 : i32
      %dma_start3A_1485 = tpu.memref_slice %arg12[%arg1, %dma_start3A_1484] : memref<16x256xf32, #tpu.memory_space<vmem_shared>> -> memref<1x128xf32, #tpu.memory_space<vmem_shared>>
      %dma_start3A_1486 = tpu.memref_squeeze %dma_start3A_1485 : memref<1x128xf32, #tpu.memory_space<vmem_shared>> -> memref<128xf32, #tpu.memory_space<vmem_shared>>
      tpu.enqueue_dma source(%arg10 : memref<128xf32, #tpu.memory_space<vmem>>) target(%dma_start3A_1486 : memref<128xf32, #tpu.memory_space<vmem_shared>>) target_semaphore(%run_scoped3A : memref<!tpu.dma_semaphore, #tpu.memory_space<semaphore_mem>>)
      %dma_wait3A = arith.constant 128 : i32
      %dma_wait3A_1487 = tpu.memref_slice %arg12[%arg1, %dma_wait3A] : memref<16x256xf32, #tpu.memory_space<vmem_shared>> -> memref<1x128xf32, #tpu.memory_space<vmem_shared>>
      %dma_wait3A_1488 = tpu.memref_squeeze %dma_wait3A_1487 : memref<1x128xf32, #tpu.memory_space<vmem_shared>> -> memref<128xf32, #tpu.memory_space<vmem_shared>>
      %dma_wait3A_1489 = arith.constant 128 : i32
      %dma_wait3A_1490 = tpu.memref_slice %arg12[%arg1, %dma_wait3A_1489] : memref<16x256xf32, #tpu.memory_space<vmem_shared>> -> memref<1x128xf32, #tpu.memory_space<vmem_shared>>
      %dma_wait3A_1491 = tpu.memref_squeeze %dma_wait3A_1490 : memref<1x128xf32, #tpu.memory_space<vmem_shared>> -> memref<128xf32, #tpu.memory_space<vmem_shared>>
      tpu.wait_dma2 semaphore(%run_scoped3A : memref<!tpu.dma_semaphore, #tpu.memory_space<semaphore_mem>>) src(%arg10 : memref<128xf32, #tpu.memory_space<vmem>>) dst(%dma_wait3A_1491 : memref<128xf32, #tpu.memory_space<vmem_shared>>)
      tpu.yield
    }) : () -> ()
    %barrier3A_1328 = arith.constant 0 : index
    tpu.barrier barrier_id(%barrier3A_1328)
    %xor3A_1329 = arith.constant 8 : i32
    %xor3A_1330 = arith.xori %arg1, %xor3A_1329 : i32
    "tpu.region"() ({
      %run_scoped3A = tpu.sem_alloc : memref<!tpu.dma_semaphore, #tpu.memory_space<semaphore_mem>>
      %dma_start3A = arith.constant 128 : i32
      %dma_start3A_1482 = tpu.memref_slice %arg12[%xor3A_1330, %dma_start3A] : memref<16x256xf32, #tpu.memory_space<vmem_shared>> -> memref<1x128xf32, #tpu.memory_space<vmem_shared>>
      %dma_start3A_1483 = tpu.memref_squeeze %dma_start3A_1482 : memref<1x128xf32, #tpu.memory_space<vmem_shared>> -> memref<128xf32, #tpu.memory_space<vmem_shared>>
      %dma_start3A_1484 = arith.constant 128 : i32
      %dma_start3A_1485 = tpu.memref_slice %arg12[%xor3A_1330, %dma_start3A_1484] : memref<16x256xf32, #tpu.memory_space<vmem_shared>> -> memref<1x128xf32, #tpu.memory_space<vmem_shared>>
      %dma_start3A_1486 = tpu.memref_squeeze %dma_start3A_1485 : memref<1x128xf32, #tpu.memory_space<vmem_shared>> -> memref<128xf32, #tpu.memory_space<vmem_shared>>
      tpu.enqueue_dma source(%dma_start3A_1486 : memref<128xf32, #tpu.memory_space<vmem_shared>>) target(%arg11 : memref<128xf32, #tpu.memory_space<vmem>>) target_semaphore(%run_scoped3A : memref<!tpu.dma_semaphore, #tpu.memory_space<semaphore_mem>>)
      %dma_wait3A = arith.constant 128 : i32
      %dma_wait3A_1487 = tpu.memref_slice %arg12[%xor3A_1330, %dma_wait3A] : memref<16x256xf32, #tpu.memory_space<vmem_shared>> -> memref<1x128xf32, #tpu.memory_space<vmem_shared>>
      %dma_wait3A_1488 = tpu.memref_squeeze %dma_wait3A_1487 : memref<1x128xf32, #tpu.memory_space<vmem_shared>> -> memref<128xf32, #tpu.memory_space<vmem_shared>>
      %dma_wait3A_1489 = arith.constant 128 : i32
      %dma_wait3A_1490 = tpu.memref_slice %arg12[%xor3A_1330, %dma_wait3A_1489] : memref<16x256xf32, #tpu.memory_space<vmem_shared>> -> memref<1x128xf32, #tpu.memory_space<vmem_shared>>
      %dma_wait3A_1491 = tpu.memref_squeeze %dma_wait3A_1490 : memref<1x128xf32, #tpu.memory_space<vmem_shared>> -> memref<128xf32, #tpu.memory_space<vmem_shared>>
      tpu.wait_dma2 semaphore(%run_scoped3A : memref<!tpu.dma_semaphore, #tpu.memory_space<semaphore_mem>>) src(%dma_wait3A_1491 : memref<128xf32, #tpu.memory_space<vmem_shared>>) dst(%arg11 : memref<128xf32, #tpu.memory_space<vmem>>)
      tpu.yield
    }) : () -> ()
    %get3A_1331 = arith.constant 0 : index
    %get3A_1332 = tpu.vector_load %arg10[%get3A_1331] {strides = array<i32>} : memref<128xf32, #tpu.memory_space<vmem>>, vector<16xf32>,
    %get3A_1333 = arith.constant 64 : index
    %get3A_1334 = tpu.vector_load %arg10[%get3A_1333] {strides = array<i32>} : memref<128xf32, #tpu.memory_space<vmem>>, vector<16xf32>,
    %bitcast3A_1335 = vector.bitcast %get3A_1334 : vector<16xf32> to vector<16xi32>
    %get3A_1336 = arith.constant 16 : index
    %get3A_1337 = tpu.vector_load %arg10[%get3A_1336] {strides = array<i32>} : memref<128xf32, #tpu.memory_space<vmem>>, vector<16xf32>,
    %get3A_1338 = arith.constant 80 : index
    %get3A_1339 = tpu.vector_load %arg10[%get3A_1338] {strides = array<i32>} : memref<128xf32, #tpu.memory_space<vmem>>, vector<16xf32>,
    %bitcast3A_1340 = vector.bitcast %get3A_1339 : vector<16xf32> to vector<16xi32>
    %get3A_1341 = arith.constant 32 : index
    %get3A_1342 = tpu.vector_load %arg10[%get3A_1341] {strides = array<i32>} : memref<128xf32, #tpu.memory_space<vmem>>, vector<16xf32>,
    %get3A_1343 = arith.constant 96 : index
    %get3A_1344 = tpu.vector_load %arg10[%get3A_1343] {strides = array<i32>} : memref<128xf32, #tpu.memory_space<vmem>>, vector<16xf32>,
    %bitcast3A_1345 = vector.bitcast %get3A_1344 : vector<16xf32> to vector<16xi32>
    %get3A_1346 = arith.constant 48 : index
    %get3A_1347 = tpu.vector_load %arg10[%get3A_1346] {strides = array<i32>} : memref<128xf32, #tpu.memory_space<vmem>>, vector<16xf32>,
    %get3A_1348 = arith.constant 112 : index
    %get3A_1349 = tpu.vector_load %arg10[%get3A_1348] {strides = array<i32>} : memref<128xf32, #tpu.memory_space<vmem>>, vector<16xf32>,
    %bitcast3A_1350 = vector.bitcast %get3A_1349 : vector<16xf32> to vector<16xi32>
    %get3A_1351 = arith.constant 0 : index
    %get3A_1352 = tpu.vector_load %arg11[%get3A_1351] {strides = array<i32>} : memref<128xf32, #tpu.memory_space<vmem>>, vector<16xf32>,
    %get3A_1353 = arith.constant 64 : index
    %get3A_1354 = tpu.vector_load %arg11[%get3A_1353] {strides = array<i32>} : memref<128xf32, #tpu.memory_space<vmem>>, vector<16xf32>,
    %bitcast3A_1355 = vector.bitcast %get3A_1354 : vector<16xf32> to vector<16xi32>
    %get3A_1356 = arith.constant 16 : index
    %get3A_1357 = tpu.vector_load %arg11[%get3A_1356] {strides = array<i32>} : memref<128xf32, #tpu.memory_space<vmem>>, vector<16xf32>,
    %get3A_1358 = arith.constant 80 : index
    %get3A_1359 = tpu.vector_load %arg11[%get3A_1358] {strides = array<i32>} : memref<128xf32, #tpu.memory_space<vmem>>, vector<16xf32>,
    %bitcast3A_1360 = vector.bitcast %get3A_1359 : vector<16xf32> to vector<16xi32>
    %get3A_1361 = arith.constant 32 : index
    %get3A_1362 = tpu.vector_load %arg11[%get3A_1361] {strides = array<i32>} : memref<128xf32, #tpu.memory_space<vmem>>, vector<16xf32>,
    %get3A_1363 = arith.constant 96 : index
    %get3A_1364 = tpu.vector_load %arg11[%get3A_1363] {strides = array<i32>} : memref<128xf32, #tpu.memory_space<vmem>>, vector<16xf32>,
    %bitcast3A_1365 = vector.bitcast %get3A_1364 : vector<16xf32> to vector<16xi32>
    %get3A_1366 = arith.constant 48 : index
    %get3A_1367 = tpu.vector_load %arg11[%get3A_1366] {strides = array<i32>} : memref<128xf32, #tpu.memory_space<vmem>>, vector<16xf32>,
    %get3A_1368 = arith.constant 112 : index
    %get3A_1369 = tpu.vector_load %arg11[%get3A_1368] {strides = array<i32>} : memref<128xf32, #tpu.memory_space<vmem>>, vector<16xf32>,
    %bitcast3A_1370 = vector.bitcast %get3A_1369 : vector<16xf32> to vector<16xi32>
    %rev3A_1371 = arith.constant 15 : i32
    %rev3A_1372 = vector.broadcast %rev3A_1371 : i32 to vector<16xi32>
    %rev3A_1373 = tpu.iota {dimensions = array<i32: 0>} : vector<16xi32>
    %rev3A_1374 = arith.subi %rev3A_1372, %rev3A_1373 : vector<16xi32>
    %rev3A_1375 = tpu.dynamic_gather %get3A_1367[%rev3A_1374] in [0] : vector<16xf32>, vector<16xi32> -> vector<16xf32>
    %rev3A_1376 = arith.constant 15 : i32
    %rev3A_1377 = vector.broadcast %rev3A_1376 : i32 to vector<16xi32>
    %rev3A_1378 = tpu.iota {dimensions = array<i32: 0>} : vector<16xi32>
    %rev3A_1379 = arith.subi %rev3A_1377, %rev3A_1378 : vector<16xi32>
    %rev3A_1380 = tpu.dynamic_gather %bitcast3A_1370[%rev3A_1379] in [0] : vector<16xi32>, vector<16xi32> -> vector<16xi32>
    %rev3A_1381 = arith.constant 15 : i32
    %rev3A_1382 = vector.broadcast %rev3A_1381 : i32 to vector<16xi32>
    %rev3A_1383 = tpu.iota {dimensions = array<i32: 0>} : vector<16xi32>
    %rev3A_1384 = arith.subi %rev3A_1382, %rev3A_1383 : vector<16xi32>
    %rev3A_1385 = tpu.dynamic_gather %get3A_1362[%rev3A_1384] in [0] : vector<16xf32>, vector<16xi32> -> vector<16xf32>
    %rev3A_1386 = arith.constant 15 : i32
    %rev3A_1387 = vector.broadcast %rev3A_1386 : i32 to vector<16xi32>
    %rev3A_1388 = tpu.iota {dimensions = array<i32: 0>} : vector<16xi32>
    %rev3A_1389 = arith.subi %rev3A_1387, %rev3A_1388 : vector<16xi32>
    %rev3A_1390 = tpu.dynamic_gather %bitcast3A_1365[%rev3A_1389] in [0] : vector<16xi32>, vector<16xi32> -> vector<16xi32>
    %rev3A_1391 = arith.constant 15 : i32
    %rev3A_1392 = vector.broadcast %rev3A_1391 : i32 to vector<16xi32>
    %rev3A_1393 = tpu.iota {dimensions = array<i32: 0>} : vector<16xi32>
    %rev3A_1394 = arith.subi %rev3A_1392, %rev3A_1393 : vector<16xi32>
    %rev3A_1395 = tpu.dynamic_gather %get3A_1357[%rev3A_1394] in [0] : vector<16xf32>, vector<16xi32> -> vector<16xf32>
    %rev3A_1396 = arith.constant 15 : i32
    %rev3A_1397 = vector.broadcast %rev3A_1396 : i32 to vector<16xi32>
    %rev3A_1398 = tpu.iota {dimensions = array<i32: 0>} : vector<16xi32>
    %rev3A_1399 = arith.subi %rev3A_1397, %rev3A_1398 : vector<16xi32>
    %rev3A_1400 = tpu.dynamic_gather %bitcast3A_1360[%rev3A_1399] in [0] : vector<16xi32>, vector<16xi32> -> vector<16xi32>
    %rev3A_1401 = arith.constant 15 : i32
    %rev3A_1402 = vector.broadcast %rev3A_1401 : i32 to vector<16xi32>
    %rev3A_1403 = tpu.iota {dimensions = array<i32: 0>} : vector<16xi32>
    %rev3A_1404 = arith.subi %rev3A_1402, %rev3A_1403 : vector<16xi32>
    %rev3A_1405 = tpu.dynamic_gather %get3A_1352[%rev3A_1404] in [0] : vector<16xf32>, vector<16xi32> -> vector<16xf32>
    %rev3A_1406 = arith.constant 15 : i32
    %rev3A_1407 = vector.broadcast %rev3A_1406 : i32 to vector<16xi32>
    %rev3A_1408 = tpu.iota {dimensions = array<i32: 0>} : vector<16xi32>
    %rev3A_1409 = arith.subi %rev3A_1407, %rev3A_1408 : vector<16xi32>
    %rev3A_1410 = tpu.dynamic_gather %bitcast3A_1355[%rev3A_1409] in [0] : vector<16xi32>, vector<16xi32> -> vector<16xi32>
    %ge3A_1411 = arith.cmpf oge, %get3A_1332, %rev3A_1375 : vector<16xf32>
    %select_n3A_1412 = arith.select %ge3A_1411, %get3A_1332, %rev3A_1375 : vector<16xi1>, vector<16xf32>
    %select_n3A_1413 = arith.select %ge3A_1411, %bitcast3A_1335, %rev3A_1380 : vector<16xi1>, vector<16xi32>
    %ge3A_1414 = arith.cmpf oge, %get3A_1337, %rev3A_1385 : vector<16xf32>
    %select_n3A_1415 = arith.select %ge3A_1414, %get3A_1337, %rev3A_1385 : vector<16xi1>, vector<16xf32>
    %select_n3A_1416 = arith.select %ge3A_1414, %bitcast3A_1340, %rev3A_1390 : vector<16xi1>, vector<16xi32>
    %ge3A_1417 = arith.cmpf oge, %get3A_1342, %rev3A_1395 : vector<16xf32>
    %select_n3A_1418 = arith.select %ge3A_1417, %get3A_1342, %rev3A_1395 : vector<16xi1>, vector<16xf32>
    %select_n3A_1419 = arith.select %ge3A_1417, %bitcast3A_1345, %rev3A_1400 : vector<16xi1>, vector<16xi32>
    %ge3A_1420 = arith.cmpf oge, %get3A_1347, %rev3A_1405 : vector<16xf32>
    %select_n3A_1421 = arith.select %ge3A_1420, %get3A_1347, %rev3A_1405 : vector<16xi1>, vector<16xf32>
    %select_n3A_1422 = arith.select %ge3A_1420, %bitcast3A_1350, %rev3A_1410 : vector<16xi1>, vector<16xi32>
    %ge3A_1423 = arith.cmpf oge, %select_n3A_1412, %select_n3A_1418 : vector<16xf32>
    %select_n3A_1424 = arith.select %ge3A_1423, %select_n3A_1412, %select_n3A_1418 : vector<16xi1>, vector<16xf32>
    %select_n3A_1425 = arith.select %ge3A_1423, %select_n3A_1413, %select_n3A_1419 : vector<16xi1>, vector<16xi32>
    %select_n3A_1426 = arith.select %ge3A_1423, %select_n3A_1418, %select_n3A_1412 : vector<16xi1>, vector<16xf32>
    %select_n3A_1427 = arith.select %ge3A_1423, %select_n3A_1419, %select_n3A_1413 : vector<16xi1>, vector<16xi32>
    %ge3A_1428 = arith.cmpf oge, %select_n3A_1415, %select_n3A_1421 : vector<16xf32>
    %select_n3A_1429 = arith.select %ge3A_1428, %select_n3A_1415, %select_n3A_1421 : vector<16xi1>, vector<16xf32>
    %select_n3A_1430 = arith.select %ge3A_1428, %select_n3A_1416, %select_n3A_1422 : vector<16xi1>, vector<16xi32>
    %select_n3A_1431 = arith.select %ge3A_1428, %select_n3A_1421, %select_n3A_1415 : vector<16xi1>, vector<16xf32>
    %select_n3A_1432 = arith.select %ge3A_1428, %select_n3A_1422, %select_n3A_1416 : vector<16xi1>, vector<16xi32>
    %ge3A_1433 = arith.cmpf oge, %select_n3A_1424, %select_n3A_1429 : vector<16xf32>
    %select_n3A_1434 = arith.select %ge3A_1433, %select_n3A_1424, %select_n3A_1429 : vector<16xi1>, vector<16xf32>
    %select_n3A_1435 = arith.select %ge3A_1433, %select_n3A_1425, %select_n3A_1430 : vector<16xi1>, vector<16xi32>
    %select_n3A_1436 = arith.select %ge3A_1433, %select_n3A_1429, %select_n3A_1424 : vector<16xi1>, vector<16xf32>
    %select_n3A_1437 = arith.select %ge3A_1433, %select_n3A_1430, %select_n3A_1425 : vector<16xi1>, vector<16xi32>
    %masked_sort3A_1438 = arith.constant dense<true> : vector<16xi1>
    %masked_sort3A_1439, %masked_sort3A_1440, %masked_sort3A_1441 = tpu.sort %select_n3A_1434, %select_n3A_1435 masked %masked_sort3A_1438 {descending = true} : (vector<16xf32>, vector<16xi32>, vector<16xi1>) -> (vector<16xi1>, vector<16xf32>, vector<16xi32>)
    %masked_sort3A_1442 = arith.constant dense<true> : vector<16xi1>
    %masked_sort3A_1443, %masked_sort3A_1444, %masked_sort3A_1445 = tpu.sort %select_n3A_1436, %select_n3A_1437 masked %masked_sort3A_1442 {descending = true} : (vector<16xf32>, vector<16xi32>, vector<16xi1>) -> (vector<16xi1>, vector<16xf32>, vector<16xi32>)
    %ge3A_1446 = arith.cmpf oge, %select_n3A_1426, %select_n3A_1431 : vector<16xf32>
    %select_n3A_1447 = arith.select %ge3A_1446, %select_n3A_1426, %select_n3A_1431 : vector<16xi1>, vector<16xf32>
    %select_n3A_1448 = arith.select %ge3A_1446, %select_n3A_1427, %select_n3A_1432 : vector<16xi1>, vector<16xi32>
    %select_n3A_1449 = arith.select %ge3A_1446, %select_n3A_1431, %select_n3A_1426 : vector<16xi1>, vector<16xf32>
    %select_n3A_1450 = arith.select %ge3A_1446, %select_n3A_1432, %select_n3A_1427 : vector<16xi1>, vector<16xi32>
    %masked_sort3A_1451 = arith.constant dense<true> : vector<16xi1>
    %masked_sort3A_1452, %masked_sort3A_1453, %masked_sort3A_1454 = tpu.sort %select_n3A_1447, %select_n3A_1448 masked %masked_sort3A_1451 {descending = true} : (vector<16xf32>, vector<16xi32>, vector<16xi1>) -> (vector<16xi1>, vector<16xf32>, vector<16xi32>)
    %masked_sort3A_1455 = arith.constant dense<true> : vector<16xi1>
    %masked_sort3A_1456, %masked_sort3A_1457, %masked_sort3A_1458 = tpu.sort %select_n3A_1449, %select_n3A_1450 masked %masked_sort3A_1455 {descending = true} : (vector<16xf32>, vector<16xi32>, vector<16xi1>) -> (vector<16xi1>, vector<16xf32>, vector<16xi32>)
    %swap3A_1459 = arith.constant 0 : index
    %swap3A_1460 = tpu.vector_load %arg10[%swap3A_1459] {strides = array<i32>} : memref<128xf32, #tpu.memory_space<vmem>>, vector<16xf32>,
    tpu.vector_store %arg10[%swap3A_1459], %masked_sort3A_1440 {strides = array<i32>} : memref<128xf32, #tpu.memory_space<vmem>>, vector<16xf32>,
    %bitcast3A_1461 = vector.bitcast %masked_sort3A_1441 : vector<16xi32> to vector<16xf32>
    %swap3A_1462 = arith.constant 64 : index
    %swap3A_1463 = tpu.vector_load %arg10[%swap3A_1462] {strides = array<i32>} : memref<128xf32, #tpu.memory_space<vmem>>, vector<16xf32>,
    tpu.vector_store %arg10[%swap3A_1462], %bitcast3A_1461 {strides = array<i32>} : memref<128xf32, #tpu.memory_space<vmem>>, vector<16xf32>,
    %swap3A_1464 = arith.constant 16 : index
    %swap3A_1465 = tpu.vector_load %arg10[%swap3A_1464] {strides = array<i32>} : memref<128xf32, #tpu.memory_space<vmem>>, vector<16xf32>,
    tpu.vector_store %arg10[%swap3A_1464], %masked_sort3A_1444 {strides = array<i32>} : memref<128xf32, #tpu.memory_space<vmem>>, vector<16xf32>,
    %bitcast3A_1466 = vector.bitcast %masked_sort3A_1445 : vector<16xi32> to vector<16xf32>
    %swap3A_1467 = arith.constant 80 : index
    %swap3A_1468 = tpu.vector_load %arg10[%swap3A_1467] {strides = array<i32>} : memref<128xf32, #tpu.memory_space<vmem>>, vector<16xf32>,
    tpu.vector_store %arg10[%swap3A_1467], %bitcast3A_1466 {strides = array<i32>} : memref<128xf32, #tpu.memory_space<vmem>>, vector<16xf32>,
    %swap3A_1469 = arith.constant 32 : index
    %swap3A_1470 = tpu.vector_load %arg10[%swap3A_1469] {strides = array<i32>} : memref<128xf32, #tpu.memory_space<vmem>>, vector<16xf32>,
    tpu.vector_store %arg10[%swap3A_1469], %masked_sort3A_1453 {strides = array<i32>} : memref<128xf32, #tpu.memory_space<vmem>>, vector<16xf32>,
    %bitcast3A_1471 = vector.bitcast %masked_sort3A_1454 : vector<16xi32> to vector<16xf32>
    %swap3A_1472 = arith.constant 96 : index
    %swap3A_1473 = tpu.vector_load %arg10[%swap3A_1472] {strides = array<i32>} : memref<128xf32, #tpu.memory_space<vmem>>, vector<16xf32>,
    tpu.vector_store %arg10[%swap3A_1472], %bitcast3A_1471 {strides = array<i32>} : memref<128xf32, #tpu.memory_space<vmem>>, vector<16xf32>,
    %swap3A_1474 = arith.constant 48 : index
    %swap3A_1475 = tpu.vector_load %arg10[%swap3A_1474] {strides = array<i32>} : memref<128xf32, #tpu.memory_space<vmem>>, vector<16xf32>,
    tpu.vector_store %arg10[%swap3A_1474], %masked_sort3A_1457 {strides = array<i32>} : memref<128xf32, #tpu.memory_space<vmem>>, vector<16xf32>,
    %bitcast3A_1476 = vector.bitcast %masked_sort3A_1458 : vector<16xi32> to vector<16xf32>
    %swap3A_1477 = arith.constant 112 : index
    %swap3A_1478 = tpu.vector_load %arg10[%swap3A_1477] {strides = array<i32>} : memref<128xf32, #tpu.memory_space<vmem>>, vector<16xf32>,
    tpu.vector_store %arg10[%swap3A_1477], %bitcast3A_1476 {strides = array<i32>} : memref<128xf32, #tpu.memory_space<vmem>>, vector<16xf32>,
    "tpu.region"() ({
      %run_scoped3A = tpu.sem_alloc : memref<!tpu.dma_semaphore, #tpu.memory_space<semaphore_mem>>
      %dma_start3A = arith.constant 0 : i32
      %dma_start3A_1482 = tpu.memref_slice %arg12[%arg1, %dma_start3A] : memref<16x256xf32, #tpu.memory_space<vmem_shared>> -> memref<1x128xf32, #tpu.memory_space<vmem_shared>>
      %dma_start3A_1483 = tpu.memref_squeeze %dma_start3A_1482 : memref<1x128xf32, #tpu.memory_space<vmem_shared>> -> memref<128xf32, #tpu.memory_space<vmem_shared>>
      %dma_start3A_1484 = arith.constant 0 : i32
      %dma_start3A_1485 = tpu.memref_slice %arg12[%arg1, %dma_start3A_1484] : memref<16x256xf32, #tpu.memory_space<vmem_shared>> -> memref<1x128xf32, #tpu.memory_space<vmem_shared>>
      %dma_start3A_1486 = tpu.memref_squeeze %dma_start3A_1485 : memref<1x128xf32, #tpu.memory_space<vmem_shared>> -> memref<128xf32, #tpu.memory_space<vmem_shared>>
      tpu.enqueue_dma source(%arg10 : memref<128xf32, #tpu.memory_space<vmem>>) target(%dma_start3A_1486 : memref<128xf32, #tpu.memory_space<vmem_shared>>) target_semaphore(%run_scoped3A : memref<!tpu.dma_semaphore, #tpu.memory_space<semaphore_mem>>)
      %dma_wait3A = arith.constant 0 : i32
      %dma_wait3A_1487 = tpu.memref_slice %arg12[%arg1, %dma_wait3A] : memref<16x256xf32, #tpu.memory_space<vmem_shared>> -> memref<1x128xf32, #tpu.memory_space<vmem_shared>>
      %dma_wait3A_1488 = tpu.memref_squeeze %dma_wait3A_1487 : memref<1x128xf32, #tpu.memory_space<vmem_shared>> -> memref<128xf32, #tpu.memory_space<vmem_shared>>
      %dma_wait3A_1489 = arith.constant 0 : i32
      %dma_wait3A_1490 = tpu.memref_slice %arg12[%arg1, %dma_wait3A_1489] : memref<16x256xf32, #tpu.memory_space<vmem_shared>> -> memref<1x128xf32, #tpu.memory_space<vmem_shared>>
      %dma_wait3A_1491 = tpu.memref_squeeze %dma_wait3A_1490 : memref<1x128xf32, #tpu.memory_space<vmem_shared>> -> memref<128xf32, #tpu.memory_space<vmem_shared>>
      tpu.wait_dma2 semaphore(%run_scoped3A : memref<!tpu.dma_semaphore, #tpu.memory_space<semaphore_mem>>) src(%arg10 : memref<128xf32, #tpu.memory_space<vmem>>) dst(%dma_wait3A_1491 : memref<128xf32, #tpu.memory_space<vmem_shared>>)
      tpu.yield
    }) : () -> ()
    %barrier3A_1479 = arith.constant 0 : index
    tpu.barrier barrier_id(%barrier3A_1479)
    %eq3A = arith.constant 0 : i32
    %eq3A_1480 = arith.cmpi eq, %arg1, %eq3A : i32
    %convert_element_type3A = arith.extui %eq3A_1480 : i1 to i32
    %cond3A = arith.constant 0 : i32
    %cond3A_1481 = arith.cmpi ne, %convert_element_type3A, %cond3A : i32
    scf.if %cond3A_1481 {
      "tpu.region"() ({
        %run_scoped3A = tpu.sem_alloc : memref<!tpu.dma_semaphore, #tpu.memory_space<semaphore_mem>>
        tpu.enqueue_dma source(%arg2 : memref<4096xf32, #tpu.memory_space<hbm>>) target(%arg13 : memref<4096xf32, #tpu.memory_space<vmem>>) target_semaphore(%run_scoped3A : memref<!tpu.dma_semaphore, #tpu.memory_space<semaphore_mem>>)
        tpu.wait_dma2 semaphore(%run_scoped3A : memref<!tpu.dma_semaphore, #tpu.memory_space<semaphore_mem>>) src(%arg2 : memref<4096xf32, #tpu.memory_space<hbm>>) dst(%arg13 : memref<4096xf32, #tpu.memory_space<vmem>>)
        tpu.yield
      }) : () -> ()
      "tpu.region"() ({
        %run_scoped3A = tpu.sem_alloc : memref<!tpu.dma_semaphore, #tpu.memory_space<semaphore_mem>>
        tpu.enqueue_dma source(%arg4 : memref<32xi32, #tpu.memory_space<hbm>>) target(%arg17 : memref<32xi32, #tpu.memory_space<vmem>>) target_semaphore(%run_scoped3A : memref<!tpu.dma_semaphore, #tpu.memory_space<semaphore_mem>>)
        tpu.wait_dma2 semaphore(%run_scoped3A : memref<!tpu.dma_semaphore, #tpu.memory_space<semaphore_mem>>) src(%arg4 : memref<32xi32, #tpu.memory_space<hbm>>) dst(%arg17 : memref<32xi32, #tpu.memory_space<vmem>>)
        tpu.yield
      }) : () -> ()
      %get3A_1482 = arith.constant 0 : index
      %get3A_1483 = tpu.vector_load %arg17[%get3A_1482] {strides = array<i32>} : memref<32xi32, #tpu.memory_space<vmem>>, vector<16xi32>,
      %get3A_1484 = arith.constant 16 : index
      %get3A_1485 = tpu.vector_load %arg17[%get3A_1484] {strides = array<i32>} : memref<32xi32, #tpu.memory_space<vmem>>, vector<16xi32>,
      %get3A_1486 = arith.constant 64 : index
      %get3A_1487 = tpu.vector_load %arg10[%get3A_1486] {strides = array<i32>} : memref<128xf32, #tpu.memory_space<vmem>>, vector<16xf32>,
      %bitcast3A_1488 = vector.bitcast %get3A_1487 : vector<16xf32> to vector<16xi32>
      %swap3A_1489 = arith.constant 0 : index
      %swap3A_1490 = tpu.vector_load %arg19[%swap3A_1489] {strides = array<i32>} : memref<64xi32, #tpu.memory_space<vmem>>, vector<16xi32>,
      tpu.vector_store %arg19[%swap3A_1489], %bitcast3A_1488 {strides = array<i32>} : memref<64xi32, #tpu.memory_space<vmem>>, vector<16xi32>,
      %add3A_1491 = arith.addi %bitcast3A_1488, %get3A_1485 : vector<16xi32>
      %jit3A = arith.constant 0 : i32
      %jit3A_1492 = arith.constant 4095 : i32
      %max3A = vector.broadcast %jit3A : i32 to vector<16xi32>
      %max3A_1493 = arith.maxsi %max3A, %add3A_1491 : vector<16xi32>
      %min3A = vector.broadcast %jit3A_1492 : i32 to vector<16xi32>
      %min3A_1494 = arith.minsi %min3A, %max3A_1493 : vector<16xi32>
      %swap3A_1495 = arith.constant 0 : index
      %swap3A_1496 = tpu.vector_load %arg14[%swap3A_1495] {strides = array<i32>} : memref<64xi32, #tpu.memory_space<vmem>>, vector<16xi32>,
      tpu.vector_store %arg14[%swap3A_1495], %min3A_1494 {strides = array<i32>} : memref<64xi32, #tpu.memory_space<vmem>>, vector<16xi32>,
      %gather3A = tpu.vector_load_idx %arg13[%min3A_1494] : memref<4096xf32, #tpu.memory_space<vmem>>[vector<16xi32>], vector<16xf32>,
      %swap3A_1497 = arith.constant 0 : index
      %swap3A_1498 = tpu.vector_load %arg15[%swap3A_1497] {strides = array<i32>} : memref<64xf32, #tpu.memory_space<vmem>>, vector<16xf32>,
      tpu.vector_store %arg15[%swap3A_1497], %gather3A {strides = array<i32>} : memref<64xf32, #tpu.memory_space<vmem>>, vector<16xf32>,
      %get3A_1499 = arith.constant 80 : index
      %get3A_1500 = tpu.vector_load %arg10[%get3A_1499] {strides = array<i32>} : memref<128xf32, #tpu.memory_space<vmem>>, vector<16xf32>,
      %bitcast3A_1501 = vector.bitcast %get3A_1500 : vector<16xf32> to vector<16xi32>
      %swap3A_1502 = arith.constant 16 : index
      %swap3A_1503 = tpu.vector_load %arg19[%swap3A_1502] {strides = array<i32>} : memref<64xi32, #tpu.memory_space<vmem>>, vector<16xi32>,
      tpu.vector_store %arg19[%swap3A_1502], %bitcast3A_1501 {strides = array<i32>} : memref<64xi32, #tpu.memory_space<vmem>>, vector<16xi32>,
      %add3A_1504 = arith.addi %bitcast3A_1501, %get3A_1485 : vector<16xi32>
      %jit3A_1505 = arith.constant 0 : i32
      %jit3A_1506 = arith.constant 4095 : i32
      %max3A_1507 = vector.broadcast %jit3A_1505 : i32 to vector<16xi32>
      %max3A_1508 = arith.maxsi %max3A_1507, %add3A_1504 : vector<16xi32>
      %min3A_1509 = vector.broadcast %jit3A_1506 : i32 to vector<16xi32>
      %min3A_1510 = arith.minsi %min3A_1509, %max3A_1508 : vector<16xi32>
      %swap3A_1511 = arith.constant 16 : index
      %swap3A_1512 = tpu.vector_load %arg14[%swap3A_1511] {strides = array<i32>} : memref<64xi32, #tpu.memory_space<vmem>>, vector<16xi32>,
      tpu.vector_store %arg14[%swap3A_1511], %min3A_1510 {strides = array<i32>} : memref<64xi32, #tpu.memory_space<vmem>>, vector<16xi32>,
      %gather3A_1513 = tpu.vector_load_idx %arg13[%min3A_1510] : memref<4096xf32, #tpu.memory_space<vmem>>[vector<16xi32>], vector<16xf32>,
      %swap3A_1514 = arith.constant 16 : index
      %swap3A_1515 = tpu.vector_load %arg15[%swap3A_1514] {strides = array<i32>} : memref<64xf32, #tpu.memory_space<vmem>>, vector<16xf32>,
      tpu.vector_store %arg15[%swap3A_1514], %gather3A_1513 {strides = array<i32>} : memref<64xf32, #tpu.memory_space<vmem>>, vector<16xf32>,
      %get3A_1516 = arith.constant 96 : index
      %get3A_1517 = tpu.vector_load %arg10[%get3A_1516] {strides = array<i32>} : memref<128xf32, #tpu.memory_space<vmem>>, vector<16xf32>,
      %bitcast3A_1518 = vector.bitcast %get3A_1517 : vector<16xf32> to vector<16xi32>
      %swap3A_1519 = arith.constant 32 : index
      %swap3A_1520 = tpu.vector_load %arg19[%swap3A_1519] {strides = array<i32>} : memref<64xi32, #tpu.memory_space<vmem>>, vector<16xi32>,
      tpu.vector_store %arg19[%swap3A_1519], %bitcast3A_1518 {strides = array<i32>} : memref<64xi32, #tpu.memory_space<vmem>>, vector<16xi32>,
      %add3A_1521 = arith.addi %bitcast3A_1518, %get3A_1485 : vector<16xi32>
      %jit3A_1522 = arith.constant 0 : i32
      %jit3A_1523 = arith.constant 4095 : i32
      %max3A_1524 = vector.broadcast %jit3A_1522 : i32 to vector<16xi32>
      %max3A_1525 = arith.maxsi %max3A_1524, %add3A_1521 : vector<16xi32>
      %min3A_1526 = vector.broadcast %jit3A_1523 : i32 to vector<16xi32>
      %min3A_1527 = arith.minsi %min3A_1526, %max3A_1525 : vector<16xi32>
      %swap3A_1528 = arith.constant 32 : index
      %swap3A_1529 = tpu.vector_load %arg14[%swap3A_1528] {strides = array<i32>} : memref<64xi32, #tpu.memory_space<vmem>>, vector<16xi32>,
      tpu.vector_store %arg14[%swap3A_1528], %min3A_1527 {strides = array<i32>} : memref<64xi32, #tpu.memory_space<vmem>>, vector<16xi32>,
      %gather3A_1530 = tpu.vector_load_idx %arg13[%min3A_1527] : memref<4096xf32, #tpu.memory_space<vmem>>[vector<16xi32>], vector<16xf32>,
      %swap3A_1531 = arith.constant 32 : index
      %swap3A_1532 = tpu.vector_load %arg15[%swap3A_1531] {strides = array<i32>} : memref<64xf32, #tpu.memory_space<vmem>>, vector<16xf32>,
      tpu.vector_store %arg15[%swap3A_1531], %gather3A_1530 {strides = array<i32>} : memref<64xf32, #tpu.memory_space<vmem>>, vector<16xf32>,
      %get3A_1533 = arith.constant 112 : index
      %get3A_1534 = tpu.vector_load %arg10[%get3A_1533] {strides = array<i32>} : memref<128xf32, #tpu.memory_space<vmem>>, vector<16xf32>,
      %bitcast3A_1535 = vector.bitcast %get3A_1534 : vector<16xf32> to vector<16xi32>
      %swap3A_1536 = arith.constant 48 : index
      %swap3A_1537 = tpu.vector_load %arg19[%swap3A_1536] {strides = array<i32>} : memref<64xi32, #tpu.memory_space<vmem>>, vector<16xi32>,
      tpu.vector_store %arg19[%swap3A_1536], %bitcast3A_1535 {strides = array<i32>} : memref<64xi32, #tpu.memory_space<vmem>>, vector<16xi32>,
      %add3A_1538 = arith.addi %bitcast3A_1535, %get3A_1485 : vector<16xi32>
      %jit3A_1539 = arith.constant 0 : i32
      %jit3A_1540 = arith.constant 4095 : i32
      %max3A_1541 = vector.broadcast %jit3A_1539 : i32 to vector<16xi32>
      %max3A_1542 = arith.maxsi %max3A_1541, %add3A_1538 : vector<16xi32>
      %min3A_1543 = vector.broadcast %jit3A_1540 : i32 to vector<16xi32>
      %min3A_1544 = arith.minsi %min3A_1543, %max3A_1542 : vector<16xi32>
      %swap3A_1545 = arith.constant 48 : index
      %swap3A_1546 = tpu.vector_load %arg14[%swap3A_1545] {strides = array<i32>} : memref<64xi32, #tpu.memory_space<vmem>>, vector<16xi32>,
      tpu.vector_store %arg14[%swap3A_1545], %min3A_1544 {strides = array<i32>} : memref<64xi32, #tpu.memory_space<vmem>>, vector<16xi32>,
      %gather3A_1547 = tpu.vector_load_idx %arg13[%min3A_1544] : memref<4096xf32, #tpu.memory_space<vmem>>[vector<16xi32>], vector<16xf32>,
      %swap3A_1548 = arith.constant 48 : index
      %swap3A_1549 = tpu.vector_load %arg15[%swap3A_1548] {strides = array<i32>} : memref<64xf32, #tpu.memory_space<vmem>>, vector<16xf32>,
      tpu.vector_store %arg15[%swap3A_1548], %gather3A_1547 {strides = array<i32>} : memref<64xf32, #tpu.memory_space<vmem>>, vector<16xf32>,
      %get3A_1550 = arith.constant 64 : index
      %get3A_1551 = tpu.vector_load %arg10[%get3A_1550] {strides = array<i32>} : memref<128xf32, #tpu.memory_space<vmem>>, vector<16xf32>,
      %bitcast3A_1552 = vector.bitcast %get3A_1551 : vector<16xf32> to vector<16xi32>
      %add3A_1553 = arith.addi %bitcast3A_1552, %get3A_1483 : vector<16xi32>
      %jit3A_1554 = arith.constant 0 : i32
      %jit3A_1555 = arith.constant 4095 : i32
      %max3A_1556 = vector.broadcast %jit3A_1554 : i32 to vector<16xi32>
      %max3A_1557 = arith.maxsi %max3A_1556, %add3A_1553 : vector<16xi32>
      %min3A_1558 = vector.broadcast %jit3A_1555 : i32 to vector<16xi32>
      %min3A_1559 = arith.minsi %min3A_1558, %max3A_1557 : vector<16xi32>
      %gather3A_1560 = tpu.vector_load_idx %arg13[%min3A_1559] : memref<4096xf32, #tpu.memory_space<vmem>>[vector<16xi32>], vector<16xf32>,
      %swap3A_1561 = arith.constant 0 : index
      %swap3A_1562 = tpu.vector_load %arg16[%swap3A_1561] {strides = array<i32>} : memref<16xf32, #tpu.memory_space<vmem>>, vector<16xf32>,
      tpu.vector_store %arg16[%swap3A_1561], %gather3A_1560 {strides = array<i32>} : memref<16xf32, #tpu.memory_space<vmem>>, vector<16xf32>,
      "tpu.region"() ({
        %run_scoped3A = tpu.sem_alloc : memref<!tpu.dma_semaphore, #tpu.memory_space<semaphore_mem>>
        tpu.enqueue_dma source(%arg19 : memref<64xi32, #tpu.memory_space<vmem>>) target(%arg5 : memref<64xi32, #tpu.memory_space<hbm>>) target_semaphore(%run_scoped3A : memref<!tpu.dma_semaphore, #tpu.memory_space<semaphore_mem>>)
        tpu.wait_dma2 semaphore(%run_scoped3A : memref<!tpu.dma_semaphore, #tpu.memory_space<semaphore_mem>>) src(%arg19 : memref<64xi32, #tpu.memory_space<vmem>>) dst(%arg5 : memref<64xi32, #tpu.memory_space<hbm>>)
        tpu.yield
      }) : () -> ()
      "tpu.region"() ({
        %run_scoped3A = tpu.sem_alloc : memref<!tpu.dma_semaphore, #tpu.memory_space<semaphore_mem>>
        tpu.enqueue_dma source(%arg15 : memref<64xf32, #tpu.memory_space<vmem>>) target(%arg6 : memref<64xf32, #tpu.memory_space<hbm>>) target_semaphore(%run_scoped3A : memref<!tpu.dma_semaphore, #tpu.memory_space<semaphore_mem>>)
        tpu.wait_dma2 semaphore(%run_scoped3A : memref<!tpu.dma_semaphore, #tpu.memory_space<semaphore_mem>>) src(%arg15 : memref<64xf32, #tpu.memory_space<vmem>>) dst(%arg6 : memref<64xf32, #tpu.memory_space<hbm>>)
        tpu.yield
      }) : () -> ()
      "tpu.region"() ({
        %run_scoped3A = tpu.sem_alloc : memref<!tpu.dma_semaphore, #tpu.memory_space<semaphore_mem>>
        tpu.enqueue_dma source(%arg16 : memref<16xf32, #tpu.memory_space<vmem>>) target(%arg7 : memref<16xf32, #tpu.memory_space<hbm>>) target_semaphore(%run_scoped3A : memref<!tpu.dma_semaphore, #tpu.memory_space<semaphore_mem>>)
        tpu.wait_dma2 semaphore(%run_scoped3A : memref<!tpu.dma_semaphore, #tpu.memory_space<semaphore_mem>>) src(%arg16 : memref<16xf32, #tpu.memory_space<vmem>>) dst(%arg7 : memref<16xf32, #tpu.memory_space<hbm>>)
        tpu.yield
      }) : () -> ()
      %dma_start3A = arith.constant 0 : i32
      %dma_start3A_1563 = arith.constant 0 : i32
      %dma_start3A_1564 = tpu.memref_slice %arg3[%dma_start3A, %dma_start3A_1563] : memref<4096x384xf32, #tpu.memory_space<hbm>> -> memref<4096x384xf32, #tpu.memory_space<hbm>>
      tpu.enqueue_indirect_dma source(%dma_start3A_1564 : memref<4096x384xf32, #tpu.memory_space<hbm>>) target(%arg18 : memref<64x384xf32, #tpu.memory_space<vmem>>) offsets(%arg14 : memref<64xi32, #tpu.memory_space<vmem>>) semaphore(%arg20 : memref<!tpu.dma_semaphore, #tpu.memory_space<semaphore_mem>>)
      %dma_wait3A = arith.constant 0 : i32
      %dma_wait3A_1565 = arith.constant 0 : i32
      %dma_wait3A_1566 = tpu.memref_slice %arg3[%dma_wait3A, %dma_wait3A_1565] : memref<4096x384xf32, #tpu.memory_space<hbm>> -> memref<4096x384xf32, #tpu.memory_space<hbm>>
      tpu.wait_indirect_dma semaphore(%arg20 : memref<!tpu.dma_semaphore, #tpu.memory_space<semaphore_mem>>) src(%dma_wait3A_1566 : memref<4096x384xf32, #tpu.memory_space<hbm>>) dst(%arg18 : memref<64x384xf32, #tpu.memory_space<vmem>>)
      "tpu.region"() ({
        %run_scoped3A = tpu.sem_alloc : memref<!tpu.dma_semaphore, #tpu.memory_space<semaphore_mem>>
        tpu.enqueue_dma source(%arg18 : memref<64x384xf32, #tpu.memory_space<vmem>>) target(%arg8 : memref<64x384xf32, #tpu.memory_space<hbm>>) target_semaphore(%run_scoped3A : memref<!tpu.dma_semaphore, #tpu.memory_space<semaphore_mem>>)
        tpu.wait_dma2 semaphore(%run_scoped3A : memref<!tpu.dma_semaphore, #tpu.memory_space<semaphore_mem>>) src(%arg18 : memref<64x384xf32, #tpu.memory_space<vmem>>) dst(%arg8 : memref<64x384xf32, #tpu.memory_space<hbm>>)
        tpu.yield
      }) : () -> ()
    } else {
    }
    return
  }
}

module attributes {stable_mosaic.version = 14 : i64} {
  func.func @_sims_kernel(%arg0: memref<1x384xf32, #tpu.memory_space<vmem>>, %arg1: memref<4096x384xf32, #tpu.memory_space<vmem>>, %arg2: memref<1x4096xf32, #tpu.memory_space<vmem>>) attributes {dimension_semantics = [], scalar_prefetch = 0 : i64, scratch_operands = 0 : i64, tpu.core_type = #tpu.core_type<tc>} {
    %get3A = arith.constant 0 : index
    %get3A_0 = arith.constant 0 : index
    %get3A_1 = vector.load %arg0[%get3A, %get3A_0] : memref<1x384xf32, #tpu.memory_space<vmem>>, vector<1x384xf32>
    %mul3A = arith.mulf %get3A_1, %get3A_1 : vector<1x384xf32>
    %reduce_sum3A = vector.shape_cast %mul3A : vector<1x384xf32> to vector<1x1x384xf32>
    %reduce_sum3A_2 = arith.constant dense<0.000000e+00> : vector<1xf32>
    %reduce_sum3A_3 = vector.multi_reduction <add>, %reduce_sum3A, %reduce_sum3A_2 [1, 2] : vector<1x1x384xf32> to vector<1xf32>
    %reduce_sum3A_4 = vector.shape_cast %reduce_sum3A_3 : vector<1xf32> to vector<1x1x1xf32>
    %reduce_sum3A_5 = vector.extract %reduce_sum3A_4[0, 0, 0] : f32 from vector<1x1x1xf32>
    %sqrt3A = math.sqrt %reduce_sum3A_5 : f32
    %jit3A = arith.constant 9.99999996E-13 : f32
    %max3A = arith.maximumf %jit3A, %sqrt3A : f32
    %div3A = arith.constant 1.000000e+00 : f32
    %div3A_6 = arith.divf %div3A, %max3A : f32
    %mul3A_7 = vector.broadcast %div3A_6 : f32 to vector<1x384xf32>
    %mul3A_8 = arith.mulf %get3A_1, %mul3A_7 : vector<1x384xf32>
    %get3A_9 = arith.constant 0 : index
    %get3A_10 = arith.constant 0 : index
    %get3A_11 = vector.load %arg1[%get3A_9, %get3A_10] : memref<4096x384xf32, #tpu.memory_space<vmem>>, vector<4096x384xf32>
    %broadcast_in_dim3A = arith.constant 1.000000e+00 : f32
    %broadcast_in_dim3A_12 = vector.broadcast %broadcast_in_dim3A : f32 to vector<1x384xf32>
    %mul3A_13 = arith.mulf %get3A_11, %get3A_11 : vector<4096x384xf32>
    %dot_general3A = arith.constant dense<0.000000e+00> : vector<1x4096xf32>
    %dot_general3A_14 = tpu.matmul %broadcast_in_dim3A_12, %mul3A_13, %dot_general3A {dimension_numbers = #tpu.dot_dimension_numbers<[1], [1], [0], [0], [0, 0, 1, 0], [], []>, transpose_lhs_hint = false} : vector<1x384xf32>, vector<4096x384xf32>, vector<1x4096xf32> -> vector<1x4096xf32>
    %sqrt3A_15 = math.sqrt %dot_general3A_14 : vector<1x4096xf32>
    %jit3A_16 = arith.constant 9.99999996E-13 : f32
    %max3A_17 = vector.broadcast %jit3A_16 : f32 to vector<1x4096xf32>
    %max3A_18 = arith.maximumf %max3A_17, %sqrt3A_15 : vector<1x4096xf32>
    %div3A_19 = arith.constant 1.000000e+00 : f32
    %div3A_20 = vector.broadcast %div3A_19 : f32 to vector<1x4096xf32>
    %div3A_21 = arith.divf %div3A_20, %max3A_18 : vector<1x4096xf32>
    %dot_general3A_22 = arith.constant dense<0.000000e+00> : vector<1x4096xf32>
    %dot_general3A_23 = tpu.matmul %mul3A_8, %get3A_11, %dot_general3A_22 {dimension_numbers = #tpu.dot_dimension_numbers<[1], [1], [0], [0], [0, 0, 1, 0], [], []>, transpose_lhs_hint = false} : vector<1x384xf32>, vector<4096x384xf32>, vector<1x4096xf32> -> vector<1x4096xf32>
    %mul3A_24 = arith.mulf %dot_general3A_23, %div3A_21 : vector<1x4096xf32>
    %swap3A = arith.constant 0 : index
    %swap3A_25 = arith.constant 0 : index
    %swap3A_26 = vector.load %arg2[%swap3A, %swap3A_25] : memref<1x4096xf32, #tpu.memory_space<vmem>>, vector<1x4096xf32>
    tpu.vector_store %arg2[%swap3A, %swap3A_25], %mul3A_24 {strides = array<i32>} : memref<1x4096xf32, #tpu.memory_space<vmem>>, vector<1x4096xf32>,
    return
  }
}

module attributes {stable_mosaic.version = 14 : i64} {
  func.func @_rerank_kernel(%arg0: memref<1x384xf32, #tpu.memory_space<vmem>>, %arg1: memref<64x384xf32, #tpu.memory_space<vmem>>, %arg2: memref<64x1xi32, #tpu.memory_space<vmem>>, %arg3: memref<64x1xf32, #tpu.memory_space<vmem>>, %arg4: memref<768x256xf32, #tpu.memory_space<vmem>>, %arg5: memref<1x256xf32, #tpu.memory_space<vmem>>, %arg6: memref<256x1xf32, #tpu.memory_space<vmem>>, %arg7: memref<1x1xf32, #tpu.memory_space<vmem>>, %arg8: memref<64x1xi32, #tpu.memory_space<vmem>>, %arg9: memref<64x1xi32, #tpu.memory_space<vmem>>, %arg10: memref<64x1xf32, #tpu.memory_space<vmem>>) attributes {dimension_semantics = [], scalar_prefetch = 0 : i64, scratch_operands = 0 : i64, tpu.core_type = #tpu.core_type<tc>} {
    %get3A = arith.constant 0 : index
    %get3A_0 = arith.constant 0 : index
    %get3A_1 = vector.load %arg0[%get3A, %get3A_0] : memref<1x384xf32, #tpu.memory_space<vmem>>, vector<1x384xf32>
    %mul3A = arith.mulf %get3A_1, %get3A_1 : vector<1x384xf32>
    %reduce_sum3A = vector.shape_cast %mul3A : vector<1x384xf32> to vector<1x1x384xf32>
    %reduce_sum3A_2 = arith.constant dense<0.000000e+00> : vector<1xf32>
    %reduce_sum3A_3 = vector.multi_reduction <add>, %reduce_sum3A, %reduce_sum3A_2 [1, 2] : vector<1x1x384xf32> to vector<1xf32>
    %reduce_sum3A_4 = vector.shape_cast %reduce_sum3A_3 : vector<1xf32> to vector<1x1x1xf32>
    %reduce_sum3A_5 = vector.extract %reduce_sum3A_4[0, 0, 0] : f32 from vector<1x1x1xf32>
    %sqrt3A = math.sqrt %reduce_sum3A_5 : f32
    %jit3A = arith.constant 9.99999996E-13 : f32
    %max3A = arith.maximumf %jit3A, %sqrt3A : f32
    %div3A = arith.constant 1.000000e+00 : f32
    %div3A_6 = arith.divf %div3A, %max3A : f32
    %mul3A_7 = vector.broadcast %div3A_6 : f32 to vector<1x384xf32>
    %mul3A_8 = arith.mulf %get3A_1, %mul3A_7 : vector<1x384xf32>
    %get3A_9 = arith.constant 0 : index
    %get3A_10 = arith.constant 0 : index
    %get3A_11 = vector.load %arg1[%get3A_9, %get3A_10] : memref<64x384xf32, #tpu.memory_space<vmem>>, vector<64x384xf32>
    %mul3A_12 = arith.mulf %get3A_11, %get3A_11 : vector<64x384xf32>
    %reduce_sum3A_13 = arith.constant dense<0.000000e+00> : vector<64xf32>
    %reduce_sum3A_14 = vector.multi_reduction <add>, %mul3A_12, %reduce_sum3A_13 [1] : vector<64x384xf32> to vector<64xf32>
    %broadcast_in_dim3A = vector.shape_cast %reduce_sum3A_14 : vector<64xf32> to vector<64x1xf32>
    %sqrt3A_15 = math.sqrt %broadcast_in_dim3A : vector<64x1xf32>
    %jit3A_16 = arith.constant 9.99999996E-13 : f32
    %max3A_17 = vector.broadcast %jit3A_16 : f32 to vector<64x1xf32>
    %max3A_18 = arith.maximumf %max3A_17, %sqrt3A_15 : vector<64x1xf32>
    %div3A_19 = arith.constant 1.000000e+00 : f32
    %div3A_20 = vector.broadcast %div3A_19 : f32 to vector<64x1xf32>
    %div3A_21 = arith.divf %div3A_20, %max3A_18 : vector<64x1xf32>
    %mul3A_22 = vector.broadcast %div3A_21 : vector<64x1xf32> to vector<64x384xf32>
    %mul3A_23 = arith.mulf %get3A_11, %mul3A_22 : vector<64x384xf32>
    %get3A_24 = arith.constant 0 : index
    %get3A_25 = arith.constant 0 : index
    %get3A_26 = vector.load %arg4[%get3A_24, %get3A_25] : memref<768x256xf32, #tpu.memory_space<vmem>>, vector<384x256xf32>
    %dot_general3A = arith.constant dense<0.000000e+00> : vector<1x256xf32>
    %dot_general3A_27 = tpu.matmul %mul3A_8, %get3A_26, %dot_general3A {dimension_numbers = #tpu.dot_dimension_numbers<[1], [0], [0], [1], [0, 0, 1, 1], [], []>, transpose_lhs_hint = false} : vector<1x384xf32>, vector<384x256xf32>, vector<1x256xf32> -> vector<1x256xf32>
    %get3A_28 = arith.constant 0 : index
    %get3A_29 = arith.constant 0 : index
    %get3A_30 = vector.load %arg5[%get3A_28, %get3A_29] : memref<1x256xf32, #tpu.memory_space<vmem>>, vector<1x256xf32>
    %add3A = arith.addf %dot_general3A_27, %get3A_30 : vector<1x256xf32>
    %get3A_31 = arith.constant 384 : index
    %get3A_32 = arith.constant 0 : index
    %get3A_33 = vector.load %arg4[%get3A_31, %get3A_32] : memref<768x256xf32, #tpu.memory_space<vmem>>, vector<384x256xf32>
    %dot_general3A_34 = arith.constant dense<0.000000e+00> : vector<64x256xf32>
    %dot_general3A_35 = tpu.matmul %mul3A_23, %get3A_33, %dot_general3A_34 {dimension_numbers = #tpu.dot_dimension_numbers<[1], [0], [0], [1], [0, 0, 1, 1], [], []>, transpose_lhs_hint = false} : vector<64x384xf32>, vector<384x256xf32>, vector<64x256xf32> -> vector<64x256xf32>
    %add3A_36 = vector.broadcast %add3A : vector<1x256xf32> to vector<64x256xf32>
    %add3A_37 = arith.addf %dot_general3A_35, %add3A_36 : vector<64x256xf32>
    %tanh3A = math.tanh %add3A_37 : vector<64x256xf32>
    %get3A_38 = arith.constant 0 : index
    %get3A_39 = arith.constant 0 : index
    %get3A_40 = vector.load %arg6[%get3A_38, %get3A_39] : memref<256x1xf32, #tpu.memory_space<vmem>>, vector<256x1xf32>
    %dot_general3A_41 = arith.constant dense<0.000000e+00> : vector<64x1xf32>
    %dot_general3A_42 = tpu.matmul %tanh3A, %get3A_40, %dot_general3A_41 {dimension_numbers = #tpu.dot_dimension_numbers<[1], [0], [0], [1], [0, 0, 1, 1], [], []>, transpose_lhs_hint = false} : vector<64x256xf32>, vector<256x1xf32>, vector<64x1xf32> -> vector<64x1xf32>
    %get3A_43 = arith.constant 0 : index
    %get3A_44 = arith.constant 0 : index
    %get3A_45 = vector.load %arg7[%get3A_43, %get3A_44] : memref<1x1xf32, #tpu.memory_space<vmem>>, vector<1x1xf32>
    %add3A_46 = vector.broadcast %get3A_45 : vector<1x1xf32> to vector<64x1xf32>
    %add3A_47 = arith.addf %dot_general3A_42, %add3A_46 : vector<64x1xf32>
    %iota3A = tpu.iota {dimensions = array<i32: 0>} : vector<64x1xi32>
    %get3A_48 = arith.constant 0 : index
    %get3A_49 = arith.constant 0 : index
    %get3A_50 = vector.load %arg3[%get3A_48, %get3A_49] : memref<64x1xf32, #tpu.memory_space<vmem>>, vector<64x1xf32>
    %mul3A_51 = arith.constant 1.000000e-01 : f32
    %mul3A_52 = vector.broadcast %mul3A_51 : f32 to vector<64x1xf32>
    %mul3A_53 = arith.mulf %mul3A_52, %get3A_50 : vector<64x1xf32>
    %add3A_54 = arith.addf %add3A_47, %mul3A_53 : vector<64x1xf32>
    %lt3A = arith.constant 50 : i32
    %lt3A_55 = vector.broadcast %lt3A : i32 to vector<64x1xi32>
    %lt3A_56 = arith.cmpi slt, %iota3A, %lt3A_55 : vector<64x1xi32>
    %jit3A_57 = arith.constant 0xFF800000 : f32
    %broadcast_in_dim3A_58 = vector.broadcast %jit3A_57 : f32 to vector<64x1xf32>
    %select_n3A = arith.select %lt3A_56, %add3A_54, %broadcast_in_dim3A_58 : vector<64x1xi1>, vector<64x1xf32>
    %get3A_59 = arith.constant 0 : index
    %get3A_60 = arith.constant 0 : index
    %get3A_61 = vector.load %arg2[%get3A_59, %get3A_60] : memref<64x1xi32, #tpu.memory_space<vmem>>, vector<64x1xi32>
    %get3A_62 = arith.constant 0 : index
    %get3A_63 = arith.constant 0 : index
    %get3A_64 = vector.load %arg8[%get3A_62, %get3A_63] : memref<64x1xi32, #tpu.memory_space<vmem>>, vector<64x1xi32>
    %add3A_65 = arith.addi %get3A_61, %get3A_64 : vector<64x1xi32>
    %broadcast_in_dim3A_66 = arith.constant 0 : i32
    %broadcast_in_dim3A_67 = vector.broadcast %broadcast_in_dim3A_66 : i32 to vector<64x1xi32>
    %broadcast_in_dim3A_68 = arith.constant 0.000000e+00 : f32
    %broadcast_in_dim3A_69 = vector.broadcast %broadcast_in_dim3A_68 : f32 to vector<64x1xf32>
    %scan3A = arith.constant 0 : i32
    %scan3A_70 = arith.constant 5 : i32
    %scan3A_71 = arith.addi %scan3A, %scan3A_70 : i32
    %scan3A_72 = arith.constant 1 : i32
    %scan3A_73:3 = scf.for %scan3A_80 = %scan3A to %scan3A_71 step %scan3A_72 iter_args(%scan3A_81 = %select_n3A, %scan3A_82 = %broadcast_in_dim3A_67, %scan3A_83 = %broadcast_in_dim3A_69) -> (vector<64x1xf32>, vector<64x1xi32>, vector<64x1xf32>)  : i32 {
      %reduce_max3A = vector.shape_cast %scan3A_81 : vector<64x1xf32> to vector<1x64x1xf32>
      %reduce_max3A_84 = arith.constant dense<0xFF800000> : vector<1xf32>
      %reduce_max3A_85 = vector.multi_reduction <maximumf>, %reduce_max3A, %reduce_max3A_84 [1, 2] : vector<1x64x1xf32> to vector<1xf32>
      %reduce_max3A_86 = vector.shape_cast %reduce_max3A_85 : vector<1xf32> to vector<1x1x1xf32>
      %reduce_max3A_87 = vector.extract %reduce_max3A_86[0, 0, 0] : f32 from vector<1x1x1xf32>
      %eq3A = vector.broadcast %reduce_max3A_87 : f32 to vector<64x1xf32>
      %eq3A_88 = arith.cmpf oeq, %scan3A_81, %eq3A : vector<64x1xf32>
      %jit3A_89 = arith.constant 1073741824 : i32
      %broadcast_in_dim3A_90 = vector.broadcast %jit3A_89 : i32 to vector<64x1xi32>
      %select_n3A_91 = arith.select %eq3A_88, %iota3A, %broadcast_in_dim3A_90 : vector<64x1xi1>, vector<64x1xi32>
      %reduce_min3A = vector.shape_cast %select_n3A_91 : vector<64x1xi32> to vector<1x64x1xi32>
      %reduce_min3A_92 = arith.constant dense<2147483647> : vector<1xi32>
      %reduce_min3A_93 = vector.multi_reduction <minsi>, %reduce_min3A, %reduce_min3A_92 [1, 2] : vector<1x64x1xi32> to vector<1xi32>
      %reduce_min3A_94 = vector.shape_cast %reduce_min3A_93 : vector<1xi32> to vector<1x1x1xi32>
      %reduce_min3A_95 = vector.extract %reduce_min3A_94[0, 0, 0] : i32 from vector<1x1x1xi32>
      %eq3A_96 = vector.broadcast %reduce_min3A_95 : i32 to vector<64x1xi32>
      %eq3A_97 = arith.cmpi eq, %iota3A, %eq3A_96 : vector<64x1xi32>
      %jit3A_98 = arith.constant 0 : i32
      %broadcast_in_dim3A_99 = vector.broadcast %jit3A_98 : i32 to vector<64x1xi32>
      %select_n3A_100 = arith.select %eq3A_97, %add3A_65, %broadcast_in_dim3A_99 : vector<64x1xi1>, vector<64x1xi32>
      %reduce_sum3A_101 = vector.shape_cast %select_n3A_100 : vector<64x1xi32> to vector<1x64x1xi32>
      %reduce_sum3A_102 = arith.constant dense<0> : vector<1xi32>
      %reduce_sum3A_103 = vector.multi_reduction <add>, %reduce_sum3A_101, %reduce_sum3A_102 [1, 2] : vector<1x64x1xi32> to vector<1xi32>
      %reduce_sum3A_104 = vector.shape_cast %reduce_sum3A_103 : vector<1xi32> to vector<1x1x1xi32>
      %reduce_sum3A_105 = vector.extract %reduce_sum3A_104[0, 0, 0] : i32 from vector<1x1x1xi32>
      %eq3A_106 = vector.broadcast %scan3A_80 : i32 to vector<64x1xi32>
      %eq3A_107 = arith.cmpi eq, %iota3A, %eq3A_106 : vector<64x1xi32>
      %broadcast_in_dim3A_108 = vector.broadcast %reduce_sum3A_105 : i32 to vector<64x1xi32>
      %select_n3A_109 = arith.select %eq3A_107, %broadcast_in_dim3A_108, %scan3A_82 : vector<64x1xi1>, vector<64x1xi32>
      %eq3A_110 = vector.broadcast %scan3A_80 : i32 to vector<64x1xi32>
      %eq3A_111 = arith.cmpi eq, %iota3A, %eq3A_110 : vector<64x1xi32>
      %broadcast_in_dim3A_112 = vector.broadcast %reduce_max3A_87 : f32 to vector<64x1xf32>
      %select_n3A_113 = arith.select %eq3A_111, %broadcast_in_dim3A_112, %scan3A_83 : vector<64x1xi1>, vector<64x1xf32>
      %eq3A_114 = vector.broadcast %reduce_min3A_95 : i32 to vector<64x1xi32>
      %eq3A_115 = arith.cmpi eq, %iota3A, %eq3A_114 : vector<64x1xi32>
      %jit3A_116 = arith.constant 0xFF800000 : f32
      %broadcast_in_dim3A_117 = vector.broadcast %jit3A_116 : f32 to vector<64x1xf32>
      %select_n3A_118 = arith.select %eq3A_115, %broadcast_in_dim3A_117, %scan3A_81 : vector<64x1xi1>, vector<64x1xf32>
      scf.yield %select_n3A_118, %select_n3A_109, %select_n3A_113 : vector<64x1xf32>, vector<64x1xi32>, vector<64x1xf32>
    }
    %scan3A_74 = arith.constant 5 : i32
    %swap3A = arith.constant 0 : index
    %swap3A_75 = arith.constant 0 : index
    %swap3A_76 = vector.load %arg9[%swap3A, %swap3A_75] : memref<64x1xi32, #tpu.memory_space<vmem>>, vector<64x1xi32>
    tpu.vector_store %arg9[%swap3A, %swap3A_75], %scan3A_73#1 {strides = array<i32>} : memref<64x1xi32, #tpu.memory_space<vmem>>, vector<64x1xi32>,
    %swap3A_77 = arith.constant 0 : index
    %swap3A_78 = arith.constant 0 : index
    %swap3A_79 = vector.load %arg10[%swap3A_77, %swap3A_78] : memref<64x1xf32, #tpu.memory_space<vmem>>, vector<64x1xf32>
    tpu.vector_store %arg10[%swap3A_77, %swap3A_78], %scan3A_73#2 {strides = array<i32>} : memref<64x1xf32, #tpu.memory_space<vmem>>, vector<64x1xf32>,
    return
  }
}

</mosaic_0001>

<sc_bundles>
// kernel: _run.5.cloned.1.call-start
scs
__scs_entry_jumppad:
0x0: {  	(pc) =	sbr.rel $0x88, $3  }
0x1: {  	(tag) =	ssettag $0x0;
	lr =	simm.s32 $0x1  }
0x2: {  	[smem:$0x3F99] =	sst lr;
	_ =	strace $0xD0000000  }
0x3: {  	_ = 	snop  }
0x4: {  	_ = 	snop  }
0x5: {  	_ = 	snop  }
0x6: {  	_ = 	snop  }
0x7: {  	_ = 	snop  }
__scs_overlays_trampoline_lowered:
0x8: {  	[smem:$0x3FA8] =	sst s0  }
0x9: {  	[smem:$0x3FA9] =	sst s1  }
0xa: {  	[smem:$0x3FAA] =	sst s2  }
0xb: {  	[smem:$0x3FAB] =	sst s3  }
0xc: {  	[smem:$0x3FAC] =	sst s4  }
0xd: {  	[smem:$0x3FAD] =	sst s5  }
0xe: {  	[smem:$0x3FAE] =	sst s6  }
0xf: {  	[smem:$0x3FAF] =	sst s7  }
0x10: {  	[smem:$0x3FB0] =	sst s8  }
0x11: {  	[smem:$0x3FB1] =	sst s9;
	s0 =	simm.s32 @!p0 $0x0  }
0x12: {  	s1 =	sld [smem:$0x3F97];
	s0 =	simm.s32 @p0 $0x1  }
0x13: {  	[smem:$0x3FB2] =	sst s0;
	s0 =	simm.s32 @!p1 $0x0  }
0x14: {  	s2 =	sld [smem:$0x3F96];
	s0 =	simm.s32 @p1 $0x1  }
0x15: {  	[smem:$0x3FB3] =	sst s0;
	s0 =	simm.s32 @!p2 $0x0  }
0x16: {  	s3 =	sld [smem:$0x3FDB];
	s0 =	simm.s32 @p2 $0x1  }
0x17: {  	s4 =	simm.s32 $0x1BF5;
	[smem:$0x3FB5] =	sst s0  }
0x18: {  	s0 =	sld [smem:$0x3F98];
	_ =	swait.ge [sflag:s4], $0x0  }
0x19: {  	s7 =	sld [smem:$0x3F99]  }
0x1a: {  	s8 =	sadd.s32 $0xFFFFE003, lr  }
0x1b: {  	s9 =	sadd.s32 $0xFFFFFEF7, lr;
	s5 =	simm.s32 $0xFFFFFFFF;
	p2 =	slt.u32 s8, $0xFFFFF086  }
0x1c: {  	p1 =	slt.u32 s9, $0xF7A;
	s5 =	simm.s32 @!p2 $0x0  }
0x1d: {  	s5 =	simm.s32 @p1 $0x1;
	p0 =	seq.s32 s7, s2  }
0x1e: {  	s7 =	smul.u32 @!p0 $0xF7A, s2;
	p2 =	seq.s32 @!p0 s5, $0x0  }
0x1f: {  	s9 =	smul.u32 $0xF7A, s1;
	s8 =	simm.s32 @!p0 $0x1BF5;
	p2 =	por !p2, p0  }
0x20: {  	[sflag:s8] =	ssyncset.s32 @!p0 $0xFFFFF086;
	s6 =	sadd.s32 @!p0 s3, s7;
	s7 =	simm.s32 @!p0 $0x108  }
0x21: {  	s3 =	sadd.s32 s3, s9;
	s6 =	sadd.s32 @!p0 $0x88, s6;
	s7 =	simm.s32 @p2 $0x1082  }
0x22: {  	[simem:s7], [sflag:s8] =	dma.local @!p0 [hbm:s6], $0xF7A  }
0x23: {  	s9 =	sor.u32 $0xD0000000, s2;
	s6 =	simm.s32 $0x108;
	_ =	swait.ge @!p0 [sflag:s8], $0x0  }
0x24: {  	s3 =	sadd.s32 $0x88, s3;
	s6 =	simm.s32 @!p1 $0x1082;
	[sflag:s4] =	ssyncset.s32 $0xFFFFF086  }
0x25: {  	[simem:s6], [sflag:s4] =	dma.local [hbm:s3], $0xF7A  }
0x26: {  	[smem:$0x3F99] =	sst s1;
	(tag) =	ssettag s2;
	_ =	strace s9  }
0x27: {  	s1 =	sld [smem:$0x3FA9]  }
0x28: {  	s2 =	sld [smem:$0x3FAA]  }
0x29: {  	s4 =	sld [smem:$0x3FAC]  }
0x2a: {  	p0 =	seq.s32 s5, $0x0;
	s5 =	sld [smem:$0x3FAD]  }
0x2b: {  	s6 =	sld [smem:$0x3FAE]  }
0x2c: {  	s7 =	sld [smem:$0x3FAF]  }
0x2d: {  	s3 =	simm.s32 $0x108;
	s8 =	sld [smem:$0x3FB0]  }
0x2e: {  	s3 =	simm.s32 @!p0 $0x1082;
	s9 =	sld [smem:$0x3FB1]  }
0x2f: {  	lr =	sadd.s32 s0, s3;
	s0 =	sld [smem:$0x3FA8]  }
0x30: {  	s3 =	sld [smem:$0x3FAB]  }
0x31: {  	[smem:$0x3FB4] =	sst s10  }
0x32: {  	s10 =	sld [smem:$0x3FB2];
	_ =	sdelay $0x3  }
0x33: {  	p0 =	seq.s32 s10, $0x1;
	s10 =	sld [smem:$0x3FB4];
	_ =	sdelay $0x3  }
0x34: {  	[smem:$0x3FB4] =	sst s10  }
0x35: {  	s10 =	sld [smem:$0x3FB3];
	_ =	sdelay $0x3  }
0x36: {  	p1 =	seq.s32 s10, $0x1;
	s10 =	sld [smem:$0x3FB4];
	_ =	sdelay $0x3  }
0x37: {  	[smem:$0x3FB4] =	sst s10  }
0x38: {  	s10 =	sld [smem:$0x3FB5]  }
0x39: {  	_ = 	snop;
	(pc) =	sbr.ind lr, $3  }
0x3a: {  	_ = 	snop  }
0x3b: {  	_ = 	snop  }
0x3c: {  	p2 =	seq.s32 s10, $0x1;
	s10 =	sld [smem:$0x3FB4]  }
0x3d: {  	_ =	shalt  }
0x3e: {  	_ =	shalt  }
0x3f: {  	_ =	shalt  }
0x40: {  	_ =	shalt  }
0x41: {  	_ =	shalt  }
0x42: {  	_ =	shalt  }
0x43: {  	_ =	shalt  }
0x44: {  	_ =	shalt  }
0x45: {  	_ =	shalt  }
0x46: {  	_ =	shalt  }
0x47: {  	_ =	shalt  }
0x48: {  	_ =	shalt  }
0x49: {  	_ =	shalt  }
0x4a: {  	_ =	shalt  }
0x4b: {  	_ =	shalt  }
0x4c: {  	_ =	shalt  }
0x4d: {  	_ =	shalt  }
0x4e: {  	_ =	shalt  }
0x4f: {  	_ =	shalt  }
0x50: {  	_ =	shalt  }
0x51: {  	_ =	shalt  }
0x52: {  	_ =	shalt  }
0x53: {  	_ =	shalt  }
0x54: {  	_ =	shalt  }
0x55: {  	_ =	shalt  }
0x56: {  	_ =	shalt  }
0x57: {  	_ =	shalt  }
0x58: {  	_ =	shalt  }
0x59: {  	_ =	shalt  }
0x5a: {  	_ =	shalt  }
0x5b: {  	_ =	shalt  }
0x5c: {  	_ =	shalt  }
0x5d: {  	_ =	shalt  }
0x5e: {  	_ =	shalt  }
0x5f: {  	_ =	shalt  }
0x60: {  	_ =	shalt  }
0x61: {  	_ =	shalt  }
0x62: {  	_ =	shalt  }
0x63: {  	_ =	shalt  }
0x64: {  	_ =	shalt  }
0x65: {  	_ =	shalt  }
0x66: {  	_ =	shalt  }
0x67: {  	_ =	shalt  }
0x68: {  	_ =	shalt  }
0x69: {  	_ =	shalt  }
0x6a: {  	_ =	shalt  }
0x6b: {  	_ =	shalt  }
0x6c: {  	_ =	shalt  }
0x6d: {  	_ =	shalt  }
0x6e: {  	_ =	shalt  }
0x6f: {  	_ =	shalt  }
0x70: {  	_ =	shalt  }
0x71: {  	_ =	shalt  }
0x72: {  	_ =	shalt  }
0x73: {  	_ =	shalt  }
0x74: {  	_ =	shalt  }
0x75: {  	_ =	shalt  }
0x76: {  	_ =	shalt  }
0x77: {  	_ =	shalt  }
0x78: {  	_ =	shalt  }
0x79: {  	_ =	shalt  }
0x7a: {  	_ =	shalt  }
0x7b: {  	_ =	shalt  }
0x7c: {  	_ =	shalt  }
0x7d: {  	_ =	shalt  }
0x7e: {  	_ =	shalt  }
0x7f: {  	_ =	shalt  }
0x80: {  	_ =	shalt  }
0x81: {  	_ =	shalt  }
0x82: {  	_ =	shalt  }
0x83: {  	_ =	shalt  }
0x84: {  	_ =	shalt  }
0x85: {  	_ =	shalt  }
0x86: {  	_ =	shalt  }
0x87: {  	_ =	shalt  }
.Lfunc_end0:
.L_simem_size_0:
called_computation_lowered:
.L_overlay_start_0:
0x88: {  	s2 =	sld [smem:$0x3FD9]  }
0x89: {  	s3 =	sld [smem:$0x3FFE];
	_ =	sdelay $0x1  }
0x8a: {  	s1 =	srdreg.scid  }
0x8b: {  	s0 =	sand.u32 $0x1, s1  }
0x8c: {  	s14 =	sshll.u32 s0, $0xA;
	s2 =	sadd.s32 s3, s2  }
0x8d: {  	s2 =	sadd.s32 s2, s14  }
0x8e: {  	[smem:$0x3FC0] =	sst s2  }
0x8f: {  	_ = 	snop  }
0x90: {  	s2 =	sld [smem:$0x3FD0];
	_ =	sdelay $0x2  }
0x91: {  	s4 =	simm.s32 $0xA;
	s5 =	simm.s32 $0x10;
	s15 =	sld [smem:$0x3FC8]  }
0x92: {  	[smem:s5], [sflag:s4] =	dma.local [hbm:s2], $0x1  }
0x93: {  	_ =	swait.eq [sflag:s4], $0x1  }
0x94: {  	[sflag:s4] =	ssyncset.done $0x0  }
0x95: {  	s16 =	sld [smem:$0x10];
	[sflag:s4] =	ssyncadd.s32 $0xFFFFFFFF  }
0x96: {  	s17 =	sld [smem:$0x13];
	(tm) =	ssettm $0x1  }
0x97: {  	s18 =	sld [smem:$0x3FFB];
	_ =	sdelay $0x3  }
0x98: {  	_ =	strace s18  }
0x99: {  	s5 =	sld [smem:$0x3FFC];
	_ =	sdelay $0x3  }
0x9a: {  	_ =	strace s5  }
0x9b: {  	s5 =	sld [smem:$0x3FFD];
	_ =	sdelay $0x3  }
0x9c: {  	_ =	strace s5  }
0x9d: {  	_ =	strace $0x8FFFFFFF  }
0x9e: {  	s19 =	sld [smem:$0x3FDB];
	_ =	sdelay $0x1  }
0x9f: {  	s6 =	simm.s32 $_scs_section_size  }
0xa0: {  	s7 =	simm.s32 $_size__tile_overlayer_lowered;
	s8 =	simm.s32 $_tile_overlayer_lowered  }
0xa1: {  	s22 =	simm.s32 $0x1BFF;
	s21 =	sshll.u32 s8, $0x1;
	s5 =	sadd.s32 s6, s19  }
0xa2: {  	s9 =	simm.s32 $0x0;
	s20 =	sshll.u32 s7, $0x1;
	s7 =	sadd.s32 s21, s5  }
0xa3: {  	[timem:s9], [sflag:s22] =	dma.local [hbm:s7], s20  }
0xa4: {  	_ =	swait.ge [sflag:s22], s20  }
0xa5: {  	s6 =	ssub.s32 $0x0, s20;
	[sflag:s22] =	ssyncset.done $0x0  }
0xa6: {  	[sflag:s22] =	ssyncadd.s32 s6;
	_ =	sdelay $0x1  }
0xa7: {  	s23 =	simm.s32 $0x1B8B  }
0xa8: {  	_ =	swait.ge [sflag:s23], $0x1  }
0xa9: {  	[sflag:s23] =	ssyncset.done $0x0  }
0xaa: {  	s25 =	simm.s32 $0x1B8E;
	s24 =	sld [smem:$0x3FFE];
	[sflag:s23] =	ssyncadd.s32 $0xFFFFFFFF  }
0xab: {  	s26 =	simm.s32 $execute0_lowered;
	[smem:$0x3FD2] =	sst s25  }
0xac: {  	s7 =	sshll.u32 s26, $0x1;
	_ =	strace $0x80000046;
	[dreg:$0x1] =	wrdreg $0xFFFFFFFF  }
0xad: {  	s28 =	simm.s32 $_size_execute0_lowered;
	s5 =	sadd.s32 s5, s7;
	[dreg:$0x0] =	wrdreg $0x0  }
0xae: {  	s7 =	sshll.u32 s28, $0x1;
	[dreg:$0x2] =	wrdreg s5  }
0xaf: {  	[dreg:$0x3] =	wrdreg s7  }
0xb0: {  	[dreg:$0x4] =	wrdreg $0xC0  }
0xb1: {  	_ =	task [dreg:s9], $0x5FFFF  }
0xb2: {  	[dreg:$0x1] =	wrdreg $0xFFFFFFFF  }
0xb3: {  	[dreg:$0x0] =	wrdreg $0x60  }
0xb4: {  	[dreg:$0x2] =	wrdreg s24  }
0xb5: {  	[dreg:$0x3] =	wrdreg s15  }
0xb6: {  	[dreg:$0x4] =	wrdreg s17  }
0xb7: {  	[dreg:$0x5] =	wrdreg s16  }
0xb8: {  	[dreg:$0x6] =	wrdreg $0x2000  }
0xb9: {  	[dreg:$0x7] =	wrdreg $0x9  }
0xba: {  	_ =	task.clear_ibuf [dreg:s9], $0x8FFFF;
	_ =	strace $0x90000046  }
0xbb: {  	s29 =	simm.s32 $0x9;
	_ =	strace $0x80000048  }
0xbc: {  	_ =	swait.ge [sflag:s29], $0x1  }
0xbd: {  	[sflag:s29] =	ssyncadd.s32 $0xFFFFFFFF  }
0xbe: {  	_ =	strace $0x90000048  }
0xbf: {  	_ =	sfence  }
0xc0: {  	s30 =	sld [smem:$0x0];
	_ =	sdelay $0x2  }
0xc1: {  	s31 =	sshll.u32 s1, $0xD;
	s1 =	sshrl.u32 s1, $0x2  }
0xc2: {  	s3 =	sand.u32 $0x4000, s31;
	s1 =	sadd.s32 s1, s30  }
0xc3: {  	s0 =	sor.u32 s3, s0;
	s1 =	sshll.u32 s1, $0x11  }
0xc4: {  	s0 =	sor.u32 s1, s0  }
0xc5: {  	s0 =	sadd.s32 $0x8F2B, s0  }
0xc6: {  	[sflag:s0] =	ssyncadd.remote.s32 $0x1  }
0xc7: {  	_ =	sfence.sel $0xFFFF  }
0xc8: {  	[dreg:$0x0] =	wrdreg $0xFFFFFFFF;
	(pc) =	sbr.abs _section_cstart, $3  }
0xc9: {  	[dreg:$0x1] =	wrdreg $0xFFFFFFFF  }
0xca: {  	_ =	task.clear_ibuf [dreg:s9], $0x2FFFF;
	_ =	strace $0x9FFFFFFF  }
0xcb: {  	(tm) =	ssettm $0x7FFFFFFF  }
tec
execute0_lowered:
.L_overlay_start_1:
0x0: {  	(tag) =	ssettag $0x1  }
0x1: {  	s0 =	rddreg [dreg:$0x0]  }
0x2: {  	s1 =	rddreg [dreg:$0x1]  }
0x3: {  	s2 =	rddreg [dreg:$0x4]  }
0x4: {  	s4 =	simm.s32 $0x0;
	s3 =	srdreg.scid;
	s20 =	stileid.u32  }
0x5: {  	s18 =	simm.s32 $0x2;
	[smem:$0x7FF] =	sst s4;
	s5 =	sadd.s32 $0xE00, s0  }
0x6: {  	s6 =	sadd.s32 $0x1200, s0;
	s19 =	sadd.s32 $0x1000, s0;
	s3 =	sand.u32 $0x1, s3  }
0x7: {  	s0 =	sadd.s32 $0x1400, s0;
	s22 =	sshll.u32 s20, $0x8;
	s10 =	sshll.u32 s20, $0x5  }
0x8: {  	s21 =	sshll.u32 s20, $0x7;
	_ =	strace $0x80000047;
	[dreg:$0x7] =	wrdreg s6  }
0x9: {  	p0 =	sne.s32 s20, $0x0;
	s17 =	sadd.s32 $0x100, s1;
	[dreg:$0x8] =	wrdreg s19  }
0xa: {  	s20 =	simm.s32 $0x180;
	[dreg:$0x9] =	wrdreg s0;
	s3 =	ssub.s32 $0x2, s3  }
0xb: {  	[dreg:$0x6] =	wrdreg s5;
	s23 =	sor.u32 $0x10, s22;
	s24 =	sor.u32 $0x20, s22  }
0xc: {  	s25 =	sor.u32 $0x30, s22;
	s28 =	sor.u32 $0x40, s22;
	s11 =	sand.u32 $0x800, s22  }
0xd: {  	s29 =	sor.u32 $0x50, s22;
	s30 =	sor.u32 $0x60, s22;
	s31 =	sor.u32 $0x70, s22  }
0xe: {  	s0 =	sor.u32 $0x90, s22;
	s6 =	sor.u32 $0xB0, s22;
	s7 =	sor.u32 $0xC0, s22  }
0xf: {  	v0 =	vlaneseq.u32;
	s8 =	sor.u32 $0xD0, s22;
	s19 =	simm.s32 $0x100;
	s9 =	sshrl.u32 s3, $0x1  }
0x10: {  	v2 =	vor.u32 s23, v0;
	v3 =	vor.u32 s24, v0;
	v4 =	vor.u32 s25, v0;
	s23 =	simm.s32 $0x4D00;
	s24 =	simm.s32 $0x5100;
	s25 =	simm.s32 $0x5900  }
0x11: {  	v5 =	vor.u32 s28, v0;
	v6 =	vor.u32 s29, v0;
	v7 =	vor.u32 s30, v0;
	s28 =	simm.s32 $0x5D00;
	s29 =	simm.s32 $0x6500;
	s30 =	simm.s32 $0x6900  }
0x12: {  	v8 =	vor.u32 s31, v0;
	v10 =	vor.u32 s0, v0;
	s31 =	simm.s32 $0x7100;
	s0 =	simm.s32 $0x1;
	s3 =	ssub.s32 s3, s9  }
0x13: {  	s9 =	sadd.s32 s5, s10;
	s10 =	sand.u32 $0x380, s21;
	s5 =	sor.u32 $0xF0, s22  }
0x14: {  	s21 =	simm.s32 $0x300;
	s13 =	sor.u32 s11, s10;
	s11 =	sadd.s32 s11, s2  }
0x15: {  	s12 =	sxor.u32 $0x80, s13;
	s10 =	sadd.s32 s10, s11;
	s26 =	sxor.u32 $0x500, s13  }
.Ltmp0:
0x16: {  	s14 =	sxor.u32 $0x200, s13;
	s15 =	sxor.u32 $0xC00, s13;
	(pc) =	sbr.rel .LBB2_1-.Ltmp0, $4  }
0x17: {  	v17 =	vmul.u32 $0xFFFFFFFF, v0;
	s11 =	sadd.s32 s12, s2;
	s12 =	sadd.s32 s26, s2;
	s13 =	sadd.s32 s14, s2  }
0x18: {  	v1 =	vor.u32 s22, v0;
	v12 =	vor.u32 s6, v0;
	v13 =	vor.u32 s7, v0;
	s14 =	sadd.s32 s15, s2;
	s2 =	sor.u32 $0x80, s22;
	s15 =	smax.u32 s3, $0x1  }
0x19: {  	v14 =	vor.u32 s8, v0;
	v17 =	vadd.s32 $0xF, v17;
	v16 =	vor.u32 s5, v0;
	s3 =	sor.u32 $0xA0, s22;
	s26 =	sor.u32 $0xE0, s22;
	s16 =	sadd.s32 $0x400, s10  }
0x1a: {  	s22 =	simm.s32 $0x1500;
	v9 =	vor.u32 s2, v0;
	s2 =	simm.s32 $0x4100;
	v11 =	vor.u32 s3, v0;
	s3 =	simm.s32 $0x4500;
	v15 =	vor.u32 s26, v0  }
.LBB2_3:
0x1b: {  	s15 =	sadd.s32 $0xFFFFFFFF, s15  }
0x1c: {  	p1 =	sne.s32 s15, $0x0  }
.Ltmp1:
0x1d: {  	_ = 	snop;
	(pc) =	sbr.rel @!p1 .LBB2_4-.Ltmp1, $1  }
0x1e: {  	_ =	sdelay $0x3  }
.LBB2_1:
0x1f: {  	[tilespmem:s4], [sflag:$0x2] =	stream.linear.gather [hbm4b:s9+s4], $0x100, $0x38;
	[tilespmem:$0x7580] =	vst v63  }
0x20: {  	_ =	swait.ge [sflag:s18], $0x100  }
0x21: {  	[sflag:s18] =	ssyncset.done $0x0  }
0x22: {  	[sflag:s18] =	ssyncadd.s32 $0xFFFFFF00  }
0x23: {  	v18 =	vld [tilespmem:$0x0]  }
0x24: {  	v19 =	vld [tilespmem:$0x10];
	_ =	sdelay $0x1  }
0x25: {  	v20 =	vld [tilespmem:$0x20]  }
0x26: {  	v21 =	vld [tilespmem:$0x30]  }
0x27: {  	(xrf1) =	vsort.dscd.msk.f32 $0xffff, v18, v1  }
0x28: {  	v18 =	vld [tilespmem:$0x40];
	(xrf1) =	vsort.dscd.msk.f32 $0xffff, v19, v2  }
0x29: {  	v19 =	vld [tilespmem:$0x50]  }
0x2a: {  	(xrf1) =	vsort.dscd.msk.f32 $0xffff, v20, v3  }
0x2b: {  	v48 =	vld [tilespmem:$0x60];
	(xrf1) =	vsort.dscd.msk.f32 $0xffff, v21, v4  }
0x2c: {  	v49 =	vld [tilespmem:$0x70]  }
0x2d: {  	(xrf1) =	vsort.dscd.msk.f32 $0xffff, v18, v5  }
0x2e: {  	v18 =	vld [tilespmem:$0x80];
	(xrf1) =	vsort.dscd.msk.f32 $0xffff, v19, v6  }
0x2f: {  	v19 =	vld [tilespmem:$0x90]  }
0x30: {  	v50 =	vld [tilespmem:$0xA0];
	(xrf1) =	vsort.dscd.msk.f32 $0xffff, v48, v7  }
0x31: {  	v51 =	vld [tilespmem:$0xB0];
	(xrf1) =	vsort.dscd.msk.f32 $0xffff, v49, v8  }
0x32: {  	v22 =	vld [tilespmem:$0xC0]  }
0x33: {  	(xrf1) =	vsort.dscd.msk.f32 $0xffff, v18, v9;
	v18 =	vld [tilespmem:$0xD0]  }
0x34: {  	(xrf1) =	vsort.dscd.msk.f32 $0xffff, v19, v10;
	v19 =	vld [tilespmem:$0xE0]  }
0x35: {  	v52 =	vld [tilespmem:$0xF0];
	v23, v24, _ =	vpop (xrf1);
	(xrf1) =	vsort.dscd.msk.f32 $0xffff, v50, v11  }
0x36: {  	v25, v26, _ =	vpop (xrf1);
	(xrf1) =	vsort.dscd.msk.f32 $0xffff, v51, v12  }
0x37: {  	(xrf1) =	vsort.dscd.msk.f32 $0xffff, v22, v13;
	v53 =	vperm.xlane v25, v17  }
0x38: {  	v54, v55, _ =	vpop (xrf1);
	(xrf1) =	vsort.dscd.msk.f32 $0xffff, v18, v14  }
0x39: {  	v18, v27, _ =	vpop (xrf1);
	(xrf1) =	vsort.dscd.msk.f32 $0xffff, v19, v15;
	v19 =	vperm.xlane v26, v17;
	vm0 =	vge.f32 v23, v53  }
0x3a: {  	v18 =	vperm.xlane v18, v17;
	v60 =	vperm.xlane v27, v17;
	(xrf1) =	vsort.dscd.msk.f32 $0xffff, v52, v16  }
0x3b: {  	v56 =	vsel vm0, v23, v53;
	v57, v28, _ =	vpop (xrf1);
	v21 =	vsel vm0, v53, v23;
	v29 =	vsel vm0, v24, v19  }
0x3c: {  	v19 =	vsel vm0, v19, v24;
	v58, v59, _ =	vpop (xrf1);
	vm11 =	vge.f32 v54, v18;
	(xrf1) =	vsort.dscd.msk.f32 $0xffff, v56, v29  }
0x3d: {  	v61 =	vperm.xlane v58, v17;
	v32 =	vsel vm11, v55, v60;
	v20 =	vsel vm11, v60, v55  }
0x3e: {  	v63, v62, _ =	vpop (xrf1);
	(xrf1) =	vsort.dscd.msk.f32 $0xffff, v21, v19;
	v19 =	vsel vm11, v54, v18;
	v18 =	vsel vm11, v18, v54  }
0x3f: {  	v33, v34, _ =	vpop (xrf1);
	(xrf1) =	vsort.dscd.msk.f32 $0xffff, v19, v32;
	v19 =	vperm.xlane v59, v17;
	vm12 =	vge.f32 v57, v61  }
0x40: {  	v35 =	vperm.xlane v33, v17;
	(xrf1) =	vsort.dscd.msk.f32 $0xffff, v18, v20;
	v18 =	vsel vm12, v57, v61  }
0x41: {  	v37, v36, _ =	vpop (xrf1);
	v21 =	vsel vm12, v61, v57;
	v38 =	vsel vm12, v28, v19;
	v19 =	vsel vm12, v19, v28  }
0x42: {  	v39, v40, _ =	vpop (xrf1);
	vm13 =	vge.f32 v63, v35;
	(xrf1) =	vsort.dscd.msk.f32 $0xffff, v18, v38;
	v18 =	vperm.xlane v34, v17  }
0x43: {  	v41 =	vperm.xlane v39, v17;
	v20 =	vsel vm13, v35, v63;
	(xrf1) =	vsort.dscd.msk.f32 $0xffff, v21, v19  }
0x44: {  	v19 =	vsel vm13, v63, v35;
	v44 =	vsel vm13, v62, v18;
	v18 =	vsel vm13, v18, v62  }
0x45: {  	v42, v43, _ =	vpop (xrf1);
	vm14 =	vge.f32 v37, v41;
	(xrf1) =	vsort.dscd.msk.f32 $0xffff, v19, v44;
	v19 =	vperm.xlane v40, v17  }
0x46: {  	v45, v46, _ =	vpop (xrf1);
	v21 =	vsel vm14, v41, v37;
	(xrf1) =	vsort.dscd.msk.f32 $0xffff, v20, v18  }
0x47: {  	v18 =	vsel vm14, v37, v41;
	v47 =	vperm.xlane v45, v17;
	v49, v48, _ =	vpop (xrf1);
	v50 =	vsel vm14, v36, v19  }
0x48: {  	v19 =	vsel vm14, v19, v36;
	v51, v52, _ =	vpop (xrf1);
	(xrf1) =	vsort.dscd.msk.f32 $0xffff, v18, v50;
	v18 =	vperm.xlane v46, v17  }
0x49: {  	vm15 =	vge.f32 v42, v47;
	v53 =	vperm.xlane v51, v17;
	v55, v54, _ =	vpop (xrf1);
	(xrf1) =	vsort.dscd.msk.f32 $0xffff, v21, v19  }
0x4a: {  	v19 =	vsel vm15, v42, v47;
	v20 =	vsel vm15, v47, v42;
	v57, v58, _ =	vpop (xrf1);
	v56 =	vsel vm15, v43, v18  }
0x4b: {  	v18 =	vsel vm15, v18, v43;
	vm4 =	vge.f32 v49, v53;
	v62 =	vperm.xlane v57, v17  }
0x4c: {  	(xrf1) =	vsort.dscd.msk.f32 $0xffff, v19, v56;
	v19 =	vperm.xlane v52, v17;
	v60, v59, _ =	vpop (xrf1);
	v21 =	vsel vm4, v53, v49  }
0x4d: {  	(xrf1) =	vsort.dscd.msk.f32 $0xffff, v20, v18;
	v18 =	vsel vm4, v49, v53;
	v61, v30, _ =	vpop (xrf1);
	vm5 =	vge.f32 v55, v62  }
0x4e: {  	v31 =	vsel vm4, v48, v19;
	v63, v32, _ =	vpop (xrf1);
	v19 =	vsel vm4, v19, v48;
	v22 =	vsel vm5, v62, v55  }
0x4f: {  	(xrf1) =	vsort.dscd.msk.f32 $0xffff, v18, v31;
	v18 =	vperm.xlane v58, v17;
	v35, v34, _ =	vpop (xrf1);
	v37 =	vperm.xlane v63, v17  }
0x50: {  	(xrf1) =	vsort.dscd.msk.f32 $0xffff, v21, v19;
	v19 =	vsel vm5, v55, v62;
	v26 =	vperm.xlane v35, v17  }
0x51: {  	v36 =	vsel vm5, v54, v18;
	v18 =	vsel vm5, v18, v54;
	vm1 =	vge.f32 v61, v37  }
0x52: {  	(xrf1) =	vsort.dscd.msk.f32 $0xffff, v19, v36;
	v19 =	vperm.xlane v34, v17;
	vm6 =	vge.f32 v60, v26  }
0x53: {  	v25 =	vsel vm1, v61, v37;
	v20 =	vsel vm1, v37, v61;
	(xrf1) =	vsort.dscd.msk.f32 $0xffff, v22, v18  }
0x54: {  	v18 =	vperm.xlane v32, v17;
	v38 =	vsel vm6, v60, v26;
	v24 =	vsel vm6, v26, v60  }
0x55: {  	v41, v42, _ =	vpop (xrf1);
	v39 =	vsel vm6, v59, v19;
	v19 =	vsel vm6, v19, v59;
	vm7 =	vge.f32 v38, v25  }
0x56: {  	v44, v43, _ =	vpop (xrf1);
	vm8 =	vge.f32 v24, v20;
	v40 =	vsel vm1, v30, v18;
	v18 =	vsel vm1, v18, v30  }
0x57: {  	v48, v47, _ =	vpop (xrf1);
	v45 =	vsel vm7, v38, v25;
	v22 =	vsel vm7, v25, v38;
	v51 =	vsel vm8, v24, v20  }
0x58: {  	v49, v50, _ =	vpop (xrf1);
	v20 =	vsel vm8, v20, v24;
	v54 =	vperm.xlane v48, v17;
	v46 =	vsel vm7, v39, v40  }
0x59: {  	v52 =	vsel vm8, v19, v18;
	v18 =	vsel vm8, v18, v19;
	v19 =	vperm.xlane v49, v17  }
0x5a: {  	v23 =	vsel vm7, v40, v39;
	v53 =	vperm.xlane v50, v17;
	(xrf1) =	vsort.dscd.msk.f32 $0xffff, v45, v46  }
0x5b: {  	vm10 =	vge.f32 v44, v54;
	(xrf1) =	vsort.dscd.msk.f32 $0xffff, v22, v23;
	vm9 =	vge.f32 v41, v19  }
0x5c: {  	v25 =	vsel vm10, v44, v54;
	v21 =	vsel vm10, v54, v44;
	(xrf1) =	vsort.dscd.msk.f32 $0xffff, v51, v52  }
0x5d: {  	v55 =	vsel vm9, v41, v19;
	v56 =	vsel vm9, v42, v53;
	v19 =	vsel vm9, v19, v41  }
0x5e: {  	v57, v58, _ =	vpop (xrf1);
	v22 =	vsel vm9, v53, v42;
	(xrf1) =	vsort.dscd.msk.f32 $0xffff, v20, v18;
	vm11 =	vge.f32 v55, v25  }
0x5f: {  	v61, v60, _ =	vpop (xrf1);
	v18 =	vperm.xlane v47, v17;
	vm12 =	vge.f32 v19, v21;
	v62 =	vsel vm11, v55, v25  }
0x60: {  	v36, v33, _ =	vpop (xrf1);
	v20 =	vsel vm11, v25, v55;
	v39 =	vsel vm12, v19, v21;
	v19 =	vsel vm12, v21, v19  }
0x61: {  	v37, v38, _ =	vpop (xrf1);
	v42 =	vperm.xlane v36, v17;
	v59 =	vsel vm10, v43, v18;
	v18 =	vsel vm10, v18, v43  }
0x62: {  	v41 =	vperm.xlane v37, v17;
	v63 =	vsel vm11, v56, v59;
	v24 =	vsel vm11, v59, v56  }
0x63: {  	v40 =	vsel vm12, v22, v18;
	v18 =	vsel vm12, v18, v22;
	vm14 =	vge.f32 v61, v42  }
0x64: {  	(xrf1) =	vsort.dscd.msk.f32 $0xffff, v62, v63;
	vm13 =	vge.f32 v57, v41;
	v25 =	vsel vm14, v61, v42  }
0x65: {  	(xrf1) =	vsort.dscd.msk.f32 $0xffff, v20, v24;
	v43 =	vsel vm13, v57, v41;
	v21 =	vsel vm13, v41, v57  }
0x66: {  	v46, v45, _ =	vpop (xrf1);
	v20 =	vsel vm14, v42, v61;
	(xrf1) =	vsort.dscd.msk.f32 $0xffff, v39, v40;
	vm15 =	vge.f32 v43, v25  }
0x67: {  	v48, v49, _ =	vpop (xrf1);
	vm4 =	vge.f32 v21, v20;
	(xrf1) =	vsort.dscd.msk.f32 $0xffff, v19, v18;
	v18 =	vperm.xlane v38, v17  }
0x68: {  	v52, v34, _ =	vpop (xrf1);
	v19 =	vperm.xlane v33, v17;
	v50 =	vsel vm15, v43, v25;
	v22 =	vsel vm15, v25, v43  }
0x69: {  	v54, v53, _ =	vpop (xrf1);
	v55 =	vsel vm4, v21, v20;
	v20 =	vsel vm4, v20, v21;
	v57 =	vperm.xlane v52, v17  }
0x6a: {  	v23 =	vperm.xlane v54, v17;
	v44 =	vsel vm13, v58, v18;
	v18 =	vsel vm13, v18, v58  }
0x6b: {  	v47 =	vsel vm14, v60, v19;
	v19 =	vsel vm14, v19, v60;
	vm6 =	vge.f32 v48, v57  }
0x6c: {  	v51 =	vsel vm15, v44, v47;
	v24 =	vsel vm15, v47, v44;
	v56 =	vsel vm4, v18, v19  }
0x6d: {  	v18 =	vsel vm4, v19, v18;
	v19 =	vperm.xlane v53, v17;
	vm5 =	vge.f32 v46, v23  }
0x6e: {  	v40 =	vsel vm6, v48, v57;
	v21 =	vsel vm6, v57, v48;
	(xrf1) =	vsort.dscd.msk.f32 $0xffff, v50, v51  }
0x6f: {  	v58 =	vsel vm5, v46, v23;
	v23 =	vsel vm5, v23, v46;
	(xrf1) =	vsort.dscd.msk.f32 $0xffff, v22, v24  }
0x70: {  	v61 =	vsel vm5, v45, v19;
	vm7 =	vge.f32 v58, v40;
	(xrf1) =	vsort.dscd.msk.f32 $0xffff, v55, v56  }
0x71: {  	vm8 =	vge.f32 v23, v21;
	v22, v24, _ =	vpop (xrf1);
	(xrf1) =	vsort.dscd.msk.f32 $0xffff, v20, v18;
	v18 =	vperm.xlane v34, v17  }
0x72: {  	v19 =	vsel vm5, v19, v45;
	v36 =	vsel vm7, v58, v40;
	v48 =	vsel vm8, v23, v21;
	v60, v59, _ =	vpop (xrf1)  }
0x73: {  	v21 =	vsel vm8, v21, v23;
	v20 =	vsel vm7, v40, v58;
	v63, v62, _ =	vpop (xrf1);
	v41 =	vsel vm6, v49, v18  }
0x74: {  	v18 =	vsel vm6, v18, v49;
	v42, v35, _ =	vpop (xrf1);
	v37 =	vsel vm7, v61, v41;
	v30 =	vsel vm7, v41, v61  }
0x75: {  	v49 =	vsel vm8, v19, v18;
	v18 =	vsel vm8, v18, v19;
	v43, v44, _ =	vpop (xrf1);
	(xrf1) =	vsort.dscd.msk.f32 $0xffff, v36, v37  }
0x76: {  	v45, v38, _ =	vpop (xrf1);
	(xrf1) =	vsort.dscd.msk.f32 $0xffff, v20, v30;
	v29 =	vperm.xlane v43, v17;
	v55 =	vperm.xlane v44, v17  }
0x77: {  	v46, v47, _ =	vpop (xrf1);
	(xrf1) =	vsort.dscd.msk.f32 $0xffff, v48, v49;
	v53 =	vperm.xlane v45, v17;
	v54 =	vperm.xlane v38, v17  }
0x78: {  	v50, v39, _ =	vpop (xrf1);
	(xrf1) =	vsort.dscd.msk.f32 $0xffff, v21, v18;
	v51 =	vperm.xlane v46, v17;
	v52 =	vperm.xlane v47, v17  }
0x79: {  	vm12 =	vge.f32 v42, v29;
	v18 =	vperm.xlane v50, v17;
	v19 =	vperm.xlane v39, v17  }
0x7a: {  	vm11 =	vge.f32 v63, v53;
	v58 =	vsel vm12, v42, v29;
	vm10 =	vge.f32 v60, v51  }
0x7b: {  	v56 =	vsel vm11, v63, v53;
	v57 =	vsel vm11, v62, v54;
	vm9 =	vge.f32 v22, v18  }
0x7c: {  	v20 =	vsel vm10, v60, v51;
	v21 =	vsel vm10, v59, v52;
	v59 =	vsel vm12, v35, v55  }
0x7d: {  	v18 =	vsel vm9, v22, v18;
	v19 =	vsel vm9, v24, v19;
	vm14 =	vge.f32 v20, v58  }
0x7e: {  	vm13 =	vge.f32 v18, v56;
	v42 =	vsel vm14, v20, v58;
	v35 =	vsel vm14, v21, v59  }
0x7f: {  	v20 =	vsel vm14, v58, v20;
	v21 =	vsel vm14, v59, v21;
	v60 =	vsel vm13, v18, v56  }
0x80: {  	v24, v25, _ =	vpop (xrf1);
	v61 =	vsel vm13, v19, v57;
	v18 =	vsel vm13, v56, v18;
	vm15 =	vge.f32 v60, v42  }
0x81: {  	v28, v29, _ =	vpop (xrf1);
	v19 =	vsel vm13, v57, v19;
	vm4 =	vge.f32 v18, v20;
	v47 =	vsel vm15, v60, v42  }
0x82: {  	v63, v62, _ =	vpop (xrf1);
	v48 =	vsel vm15, v61, v35;
	v22 =	vsel vm15, v42, v60;
	v31 =	vsel vm15, v35, v61  }
0x83: {  	v44, v43, _ =	vpop (xrf1);
	v53 =	vsel vm4, v18, v20;
	v56 =	vsel vm4, v19, v21;
	(xrf1) =	vsort.dscd.msk.f32 $0xffff, v47, v48  }
0x84: {  	v18 =	vsel vm4, v20, v18;
	v19 =	vsel vm4, v21, v19;
	(xrf1) =	vsort.dscd.msk.f32 $0xffff, v22, v31;
	v46, v45, _ =	vpop (xrf1)  }
0x85: {  	(xrf1) =	vsort.dscd.msk.f32 $0xffff, v53, v56;
	v50, v49, _ =	vpop (xrf1);
	v26 =	vperm.xlane v46, v17;
	v61 =	vperm.xlane v45, v17  }
0x86: {  	(xrf1) =	vsort.dscd.msk.f32 $0xffff, v18, v19;
	v51, v52, _ =	vpop (xrf1);
	v59 =	vperm.xlane v50, v17;
	v60 =	vperm.xlane v49, v17  }
0x87: {  	v54, v55, _ =	vpop (xrf1);
	v18 =	vperm.xlane v51, v17;
	v19 =	vperm.xlane v52, v17;
	vm8 =	vge.f32 v44, v26  }
0x88: {  	v57 =	vperm.xlane v54, v17;
	v58 =	vperm.xlane v55, v17;
	vm7 =	vge.f32 v63, v59  }
0x89: {  	v23 =	vsel vm8, v44, v26;
	vm6 =	vge.f32 v28, v18;
	v22 =	vsel vm7, v63, v59  }
0x8a: {  	v62 =	vsel vm7, v62, v60;
	v63 =	vsel vm8, v43, v61;
	vm5 =	vge.f32 v24, v57  }
0x8b: {  	v18 =	vsel vm6, v28, v18;
	v19 =	vsel vm6, v29, v19;
	v20 =	vsel vm5, v24, v57  }
0x8c: {  	v21 =	vsel vm5, v25, v58;
	vm10 =	vge.f32 v18, v23;
	vm9 =	vge.f32 v20, v22  }
0x8d: {  	v31 =	vsel vm10, v18, v23;
	v32 =	vsel vm10, v19, v63;
	v18 =	vsel vm10, v23, v18  }
0x8e: {  	v19 =	vsel vm10, v63, v19;
	v30 =	vsel vm9, v20, v22;
	v27 =	vsel vm9, v21, v62  }
0x8f: {  	v20 =	vsel vm9, v22, v20;
	v21 =	vsel vm9, v62, v21;
	vm11 =	vge.f32 v30, v31  }
0x90: {  	vm12 =	vge.f32 v20, v18;
	v33 =	vsel vm11, v30, v31;
	v34 =	vsel vm11, v27, v32  }
0x91: {  	v22 =	vsel vm11, v31, v30;
	v24 =	vsel vm11, v32, v27;
	(xrf1) =	vsort.dscd.msk.f32 $0xffff, v33, v34  }
0x92: {  	v35 =	vsel vm12, v20, v18;
	v36 =	vsel vm12, v21, v19;
	(xrf1) =	vsort.dscd.msk.f32 $0xffff, v22, v24  }
0x93: {  	v18 =	vsel vm12, v18, v20;
	v19 =	vsel vm12, v19, v21;
	(xrf1) =	vsort.dscd.msk.f32 $0xffff, v35, v36  }
0x94: {  	(xrf1) =	vsort.dscd.msk.f32 $0xffff, v18, v19;
	_ =	sdelay $0x6  }
0x95: {  	v18, v19, _ =	vpop (xrf1)  }
0x96: {  	v37, v38, _ =	vpop (xrf1)  }
0x97: {  	v22, v23, _ =	vpop (xrf1)  }
0x98: {  	v40, v39, _ =	vpop (xrf1)  }
0x99: {  	v41, v42, _ =	vpop (xrf1)  }
0x9a: {  	v43, v44, _ =	vpop (xrf1);
	v26 =	vperm.xlane v41, v17;
	v27 =	vperm.xlane v42, v17  }
0x9b: {  	v46, v45, _ =	vpop (xrf1);
	v28 =	vperm.xlane v43, v17;
	v29 =	vperm.xlane v44, v17  }
0x9c: {  	v47, v48, _ =	vpop (xrf1);
	v30 =	vperm.xlane v46, v17;
	v31 =	vperm.xlane v45, v17  }
0x9d: {  	vm2 =	vge.f32 v40, v26;
	v32 =	vperm.xlane v47, v17;
	v33 =	vperm.xlane v48, v17  }
0x9e: {  	vm15 =	vge.f32 v22, v28;
	v24 =	vsel vm2, v40, v26;
	v25 =	vsel vm2, v39, v27  }
0x9f: {  	vm14 =	vge.f32 v37, v30;
	v22 =	vsel vm15, v22, v28;
	vm13 =	vge.f32 v18, v32  }
0xa0: {  	v23 =	vsel vm15, v23, v29;
	v20 =	vsel vm14, v37, v30;
	v18 =	vsel vm13, v18, v32  }
0xa1: {  	v21 =	vsel vm14, v38, v31;
	vm5 =	vge.f32 v20, v24;
	vm4 =	vge.f32 v18, v22  }
0xa2: {  	v19 =	vsel vm13, v19, v33;
	v50 =	vsel vm5, v20, v24;
	v49 =	vsel vm4, v18, v22  }
0xa3: {  	v52 =	vsel vm5, v21, v25;
	v51 =	vsel vm4, v19, v23;
	vm6 =	vge.f32 v49, v50  }
0xa4: {  	v53 =	vsel vm6, v49, v50;
	v54 =	vsel vm6, v51, v52  }
0xa5: {  	v20 =	vsel vm5, v24, v20;
	v21 =	vsel vm5, v25, v21;
	(xrf1) =	vsort.dscd.msk.f32 $0xffff, v53, v54  }
0xa6: {  	v18 =	vsel vm4, v22, v18;
	v55 =	vsel vm6, v50, v49;
	v56 =	vsel vm6, v52, v51  }
0xa7: {  	v19 =	vsel vm4, v23, v19;
	vm7 =	vge.f32 v18, v20;
	(xrf1) =	vsort.dscd.msk.f32 $0xffff, v55, v56  }
0xa8: {  	v57 =	vsel vm7, v18, v20;
	v58 =	vsel vm7, v19, v21  }
0xa9: {  	(xrf1) =	vsort.dscd.msk.f32 $0xffff, v57, v58  }
0xaa: {  	v18 =	vsel vm7, v20, v18;
	v19 =	vsel vm7, v21, v19  }
0xab: {  	(xrf1) =	vsort.dscd.msk.f32 $0xffff, v18, v19;
	_ =	sdelay $0x7  }
0xac: {  	v18, v19, _ =	vpop (xrf1)  }
0xad: {  	[tilespmem:$0x100] =	vst v18  }
0xae: {  	v18, v59, _ =	vpop (xrf1);
	[tilespmem:$0x140] =	vst v19  }
0xaf: {  	[tilespmem:$0x110] =	vst v18  }
0xb0: {  	v18, v19, _ =	vpop (xrf1);
	[tilespmem:$0x150] =	vst v59  }
0xb1: {  	[tilespmem:$0x120] =	vst v18  }
0xb2: {  	v18, v60, _ =	vpop (xrf1);
	[tilespmem:$0x160] =	vst v19  }
0xb3: {  	[tilespmem:$0x130] =	vst v18  }
0xb4: {  	[tilespmem:$0x170] =	vst v60  }
0xb5: {  	[spmem:s10] =	stream.linear.scatter [tilespmem:s19], [sflag:$0x2], $0x80, $0x38;
	[tilespmem:$0x7580] =	vst v63  }
0xb6: {  	_ =	swait.ge [sflag:s18], $0x80  }
0xb7: {  	[sflag:s18] =	ssyncset.done $0x0  }
0xb8: {  	[sflag:s18] =	ssyncadd.s32 $0xFFFFFF80  }
0xb9: {  	[bflag:$0x0] =	sbarrier.arrive $0xFFFF  }
0xba: {  	[tilespmem:s20], [sflag:$0x2] =	stream.linear.gather [spmem:s11], $0x80, $0x38;
	[tilespmem:$0x7580] =	vst v63  }
0xbb: {  	_ =	swait.ge [sflag:s18], $0x80  }
0xbc: {  	[sflag:s18] =	ssyncset.done $0x0  }
0xbd: {  	[sflag:s18] =	ssyncadd.s32 $0xFFFFFF80  }
0xbe: {  	v18 =	vld [tilespmem:$0x100]  }
0xbf: {  	v61 =	vld [tilespmem:$0x110]  }
0xc0: {  	v62 =	vld [tilespmem:$0x180]  }
0xc1: {  	v63 =	vld [tilespmem:$0x190]  }
0xc2: {  	v35 =	vld [tilespmem:$0x1A0]  }
0xc3: {  	v36 =	vld [tilespmem:$0x1B0]  }
0xc4: {  	v37 =	vld [tilespmem:$0x1F0]  }
0xc5: {  	v38 =	vld [tilespmem:$0x1E0]  }
0xc6: {  	v39 =	vld [tilespmem:$0x1D0]  }
0xc7: {  	v40 =	vld [tilespmem:$0x1C0]  }
0xc8: {  	v41 =	vld [tilespmem:$0x120]  }
0xc9: {  	v42 =	vld [tilespmem:$0x130]  }
0xca: {  	v19 =	vld [tilespmem:$0x140];
	v24 =	vperm.xlane v36, v17;
	v25 =	vperm.xlane v37, v17  }
0xcb: {  	v43 =	vld [tilespmem:$0x150];
	v23 =	vperm.xlane v35, v17;
	v26 =	vperm.xlane v38, v17  }
0xcc: {  	v44 =	vld [tilespmem:$0x160];
	v22 =	vperm.xlane v63, v17;
	v21 =	vperm.xlane v62, v17  }
0xcd: {  	v45 =	vld [tilespmem:$0x170];
	v27 =	vperm.xlane v39, v17;
	v28 =	vperm.xlane v40, v17;
	vm8 =	vge.f32 v18, v24  }
0xce: {  	vm9 =	vge.f32 v61, v23;
	vm10 =	vge.f32 v41, v22;
	vm11 =	vge.f32 v42, v21  }
0xcf: {  	v18 =	vsel vm8, v18, v24;
	v19 =	vsel vm8, v19, v25;
	v20 =	vsel vm9, v61, v23  }
0xd0: {  	v46 =	vsel vm9, v43, v26;
	v22 =	vsel vm10, v41, v22;
	v21 =	vsel vm11, v42, v21  }
0xd1: {  	v47 =	vsel vm10, v44, v27;
	vm12 =	vge.f32 v18, v22;
	vm13 =	vge.f32 v20, v21  }
0xd2: {  	v48 =	vsel vm11, v45, v28;
	v49 =	vsel vm12, v18, v22;
	v50 =	vsel vm13, v20, v21  }
0xd3: {  	v51 =	vsel vm12, v19, v47;
	v52 =	vsel vm13, v46, v48;
	vm14 =	vge.f32 v49, v50  }
0xd4: {  	v53 =	vsel vm14, v49, v50;
	v54 =	vsel vm14, v51, v52  }
0xd5: {  	v18 =	vsel vm12, v22, v18;
	v19 =	vsel vm12, v47, v19;
	(xrf1) =	vsort.dscd.msk.f32 $0xffff, v53, v54  }
0xd6: {  	v20 =	vsel vm13, v21, v20;
	v55 =	vsel vm14, v50, v49;
	v56 =	vsel vm14, v52, v51  }
0xd7: {  	v23 =	vsel vm13, v48, v46;
	vm15 =	vge.f32 v18, v20;
	(xrf1) =	vsort.dscd.msk.f32 $0xffff, v55, v56  }
0xd8: {  	v57 =	vsel vm15, v18, v20;
	v58 =	vsel vm15, v19, v23  }
0xd9: {  	(xrf1) =	vsort.dscd.msk.f32 $0xffff, v57, v58  }
0xda: {  	v18 =	vsel vm15, v20, v18;
	v19 =	vsel vm15, v23, v19  }
0xdb: {  	(xrf1) =	vsort.dscd.msk.f32 $0xffff, v18, v19;
	_ =	sdelay $0x7  }
0xdc: {  	v18, v19, _ =	vpop (xrf1)  }
0xdd: {  	[tilespmem:$0x100] =	vst v18  }
0xde: {  	v18, v59, _ =	vpop (xrf1);
	[tilespmem:$0x140] =	vst v19  }
0xdf: {  	[tilespmem:$0x110] =	vst v18  }
0xe0: {  	v18, v19, _ =	vpop (xrf1);
	[tilespmem:$0x150] =	vst v59  }
0xe1: {  	[tilespmem:$0x120] =	vst v18  }
0xe2: {  	v18, v60, _ =	vpop (xrf1);
	[tilespmem:$0x160] =	vst v19  }
0xe3: {  	[tilespmem:$0x130] =	vst v18  }
0xe4: {  	[tilespmem:$0x170] =	vst v60  }
0xe5: {  	[spmem:s16] =	stream.linear.scatter [tilespmem:s19], [sflag:$0x2], $0x80, $0x38;
	[tilespmem:$0x7580] =	vst v63  }
0xe6: {  	_ =	swait.ge [sflag:s18], $0x80  }
0xe7: {  	[sflag:s18] =	ssyncset.done $0x0  }
0xe8: {  	[sflag:s18] =	ssyncadd.s32 $0xFFFFFF80  }
0xe9: {  	[bflag:$0x0] =	sbarrier.arrive $0xFFFF  }
0xea: {  	[tilespmem:s20], [sflag:$0x2] =	stream.linear.gather [spmem:s12], $0x80, $0x38;
	[tilespmem:$0x7580] =	vst v63  }
0xeb: {  	_ =	swait.ge [sflag:s18], $0x80  }
0xec: {  	[sflag:s18] =	ssyncset.done $0x0  }
0xed: {  	[sflag:s18] =	ssyncadd.s32 $0xFFFFFF80  }
0xee: {  	v18 =	vld [tilespmem:$0x100]  }
0xef: {  	v61 =	vld [tilespmem:$0x110]  }
0xf0: {  	v62 =	vld [tilespmem:$0x180]  }
0xf1: {  	v63 =	vld [tilespmem:$0x190]  }
0xf2: {  	v36 =	vld [tilespmem:$0x1A0]  }
0xf3: {  	v37 =	vld [tilespmem:$0x1B0]  }
0xf4: {  	v38 =	vld [tilespmem:$0x1F0]  }
0xf5: {  	v39 =	vld [tilespmem:$0x1E0]  }
0xf6: {  	v40 =	vld [tilespmem:$0x1D0]  }
0xf7: {  	v41 =	vld [tilespmem:$0x1C0]  }
0xf8: {  	v42 =	vld [tilespmem:$0x120]  }
0xf9: {  	v43 =	vld [tilespmem:$0x130]  }
0xfa: {  	v19 =	vld [tilespmem:$0x140];
	v24 =	vperm.xlane v37, v17;
	v25 =	vperm.xlane v38, v17  }
0xfb: {  	v44 =	vld [tilespmem:$0x150];
	v23 =	vperm.xlane v36, v17;
	v26 =	vperm.xlane v39, v17  }
0xfc: {  	v45 =	vld [tilespmem:$0x160];
	v22 =	vperm.xlane v63, v17;
	v21 =	vperm.xlane v62, v17  }
0xfd: {  	v46 =	vld [tilespmem:$0x170];
	v27 =	vperm.xlane v40, v17;
	v28 =	vperm.xlane v41, v17;
	vm4 =	vge.f32 v18, v24  }
0xfe: {  	vm5 =	vge.f32 v61, v23;
	vm6 =	vge.f32 v42, v22;
	vm7 =	vge.f32 v43, v21  }
0xff: {  	v18 =	vsel vm4, v18, v24;
	v19 =	vsel vm4, v19, v25;
	v20 =	vsel vm5, v61, v23  }
0x100: {  	v47 =	vsel vm5, v44, v26;
	v22 =	vsel vm6, v42, v22;
	v21 =	vsel vm7, v43, v21  }
0x101: {  	v48 =	vsel vm6, v45, v27;
	vm8 =	vge.f32 v18, v22;
	vm9 =	vge.f32 v20, v21  }
0x102: {  	v49 =	vsel vm7, v46, v28;
	v50 =	vsel vm8, v18, v22;
	v51 =	vsel vm9, v20, v21  }
0x103: {  	v52 =	vsel vm8, v19, v48;
	v53 =	vsel vm9, v47, v49;
	vm10 =	vge.f32 v50, v51  }
0x104: {  	v54 =	vsel vm10, v50, v51;
	v55 =	vsel vm10, v52, v53  }
0x105: {  	v18 =	vsel vm8, v22, v18;
	v19 =	vsel vm8, v48, v19;
	(xrf1) =	vsort.dscd.msk.f32 $0xffff, v54, v55  }
0x106: {  	v20 =	vsel vm9, v21, v20;
	v56 =	vsel vm10, v51, v50;
	v57 =	vsel vm10, v53, v52  }
0x107: {  	v23 =	vsel vm9, v49, v47;
	vm11 =	vge.f32 v18, v20;
	(xrf1) =	vsort.dscd.msk.f32 $0xffff, v56, v57  }
0x108: {  	v58 =	vsel vm11, v18, v20;
	v59 =	vsel vm11, v19, v23  }
0x109: {  	(xrf1) =	vsort.dscd.msk.f32 $0xffff, v58, v59  }
0x10a: {  	v18 =	vsel vm11, v20, v18;
	v19 =	vsel vm11, v23, v19  }
0x10b: {  	(xrf1) =	vsort.dscd.msk.f32 $0xffff, v18, v19;
	_ =	sdelay $0x7  }
0x10c: {  	v18, v19, _ =	vpop (xrf1)  }
0x10d: {  	[tilespmem:$0x100] =	vst v18  }
0x10e: {  	v18, v60, _ =	vpop (xrf1);
	[tilespmem:$0x140] =	vst v19  }
0x10f: {  	[tilespmem:$0x110] =	vst v18  }
0x110: {  	v18, v19, _ =	vpop (xrf1);
	[tilespmem:$0x150] =	vst v60  }
0x111: {  	[tilespmem:$0x120] =	vst v18  }
0x112: {  	v18, v61, _ =	vpop (xrf1);
	[tilespmem:$0x160] =	vst v19  }
0x113: {  	[tilespmem:$0x130] =	vst v18  }
0x114: {  	[tilespmem:$0x170] =	vst v61  }
0x115: {  	[spmem:s10] =	stream.linear.scatter [tilespmem:s19], [sflag:$0x2], $0x80, $0x38;
	[tilespmem:$0x7580] =	vst v63  }
0x116: {  	_ =	swait.ge [sflag:s18], $0x80  }
0x117: {  	[sflag:s18] =	ssyncset.done $0x0  }
0x118: {  	[sflag:s18] =	ssyncadd.s32 $0xFFFFFF80  }
0x119: {  	[bflag:$0x0] =	sbarrier.arrive $0xFFFF  }
0x11a: {  	[tilespmem:s20], [sflag:$0x2] =	stream.linear.gather [spmem:s13], $0x80, $0x38;
	[tilespmem:$0x7580] =	vst v63  }
0x11b: {  	_ =	swait.ge [sflag:s18], $0x80  }
0x11c: {  	[sflag:s18] =	ssyncset.done $0x0  }
0x11d: {  	[sflag:s18] =	ssyncadd.s32 $0xFFFFFF80  }
0x11e: {  	v18 =	vld [tilespmem:$0x100]  }
0x11f: {  	v62 =	vld [tilespmem:$0x110]  }
0x120: {  	v63 =	vld [tilespmem:$0x180]  }
0x121: {  	v36 =	vld [tilespmem:$0x190]  }
0x122: {  	v37 =	vld [tilespmem:$0x1A0]  }
0x123: {  	v38 =	vld [tilespmem:$0x1B0]  }
0x124: {  	v39 =	vld [tilespmem:$0x1F0]  }
0x125: {  	v40 =	vld [tilespmem:$0x1E0]  }
0x126: {  	v41 =	vld [tilespmem:$0x1D0]  }
0x127: {  	v42 =	vld [tilespmem:$0x1C0]  }
0x128: {  	v43 =	vld [tilespmem:$0x120]  }
0x129: {  	v44 =	vld [tilespmem:$0x130]  }
0x12a: {  	v19 =	vld [tilespmem:$0x140];
	v24 =	vperm.xlane v38, v17;
	v25 =	vperm.xlane v39, v17  }
0x12b: {  	v45 =	vld [tilespmem:$0x150];
	v23 =	vperm.xlane v37, v17;
	v26 =	vperm.xlane v40, v17  }
0x12c: {  	v46 =	vld [tilespmem:$0x160];
	v22 =	vperm.xlane v36, v17;
	v21 =	vperm.xlane v63, v17  }
0x12d: {  	v47 =	vld [tilespmem:$0x170];
	v27 =	vperm.xlane v41, v17;
	v28 =	vperm.xlane v42, v17;
	vm12 =	vge.f32 v18, v24  }
0x12e: {  	vm13 =	vge.f32 v62, v23;
	vm14 =	vge.f32 v43, v22;
	vm15 =	vge.f32 v44, v21  }
0x12f: {  	v18 =	vsel vm12, v18, v24;
	v19 =	vsel vm12, v19, v25;
	v20 =	vsel vm13, v62, v23  }
0x130: {  	v48 =	vsel vm13, v45, v26;
	v22 =	vsel vm14, v43, v22;
	v21 =	vsel vm15, v44, v21  }
0x131: {  	v49 =	vsel vm14, v46, v27;
	vm4 =	vge.f32 v18, v22;
	vm5 =	vge.f32 v20, v21  }
0x132: {  	v50 =	vsel vm15, v47, v28;
	v51 =	vsel vm4, v18, v22;
	v52 =	vsel vm5, v20, v21  }
0x133: {  	v53 =	vsel vm4, v19, v49;
	v54 =	vsel vm5, v48, v50;
	vm6 =	vge.f32 v51, v52  }
0x134: {  	v55 =	vsel vm6, v51, v52;
	v56 =	vsel vm6, v53, v54  }
0x135: {  	v18 =	vsel vm4, v22, v18;
	v19 =	vsel vm4, v49, v19;
	(xrf1) =	vsort.dscd.msk.f32 $0xffff, v55, v56  }
0x136: {  	v20 =	vsel vm5, v21, v20;
	v57 =	vsel vm6, v52, v51;
	v58 =	vsel vm6, v54, v53  }
0x137: {  	v23 =	vsel vm5, v50, v48;
	vm7 =	vge.f32 v18, v20;
	(xrf1) =	vsort.dscd.msk.f32 $0xffff, v57, v58  }
0x138: {  	v59 =	vsel vm7, v18, v20;
	v60 =	vsel vm7, v19, v23  }
0x139: {  	(xrf1) =	vsort.dscd.msk.f32 $0xffff, v59, v60  }
0x13a: {  	v18 =	vsel vm7, v20, v18;
	v19 =	vsel vm7, v23, v19  }
0x13b: {  	(xrf1) =	vsort.dscd.msk.f32 $0xffff, v18, v19;
	_ =	sdelay $0x7  }
0x13c: {  	v18, v19, _ =	vpop (xrf1)  }
0x13d: {  	[tilespmem:$0x100] =	vst v18  }
0x13e: {  	v18, v61, _ =	vpop (xrf1);
	[tilespmem:$0x140] =	vst v19  }
0x13f: {  	[tilespmem:$0x110] =	vst v18  }
0x140: {  	v18, v19, _ =	vpop (xrf1);
	[tilespmem:$0x150] =	vst v61  }
0x141: {  	[tilespmem:$0x120] =	vst v18  }
0x142: {  	v18, v62, _ =	vpop (xrf1);
	[tilespmem:$0x160] =	vst v19  }
0x143: {  	[tilespmem:$0x130] =	vst v18  }
0x144: {  	[tilespmem:$0x170] =	vst v62  }
0x145: {  	[spmem:s16] =	stream.linear.scatter [tilespmem:s19], [sflag:$0x2], $0x80, $0x38;
	[tilespmem:$0x7580] =	vst v63  }
0x146: {  	_ =	swait.ge [sflag:s18], $0x80  }
0x147: {  	[sflag:s18] =	ssyncset.done $0x0  }
0x148: {  	[sflag:s18] =	ssyncadd.s32 $0xFFFFFF80  }
0x149: {  	[bflag:$0x0] =	sbarrier.arrive $0xFFFF  }
0x14a: {  	[tilespmem:s20], [sflag:$0x2] =	stream.linear.gather [spmem:s14], $0x80, $0x38;
	[tilespmem:$0x7580] =	vst v63  }
0x14b: {  	_ =	swait.ge [sflag:s18], $0x80  }
0x14c: {  	[sflag:s18] =	ssyncset.done $0x0  }
0x14d: {  	[sflag:s18] =	ssyncadd.s32 $0xFFFFFF80  }
0x14e: {  	v18 =	vld [tilespmem:$0x100]  }
0x14f: {  	v63 =	vld [tilespmem:$0x110]  }
0x150: {  	v36 =	vld [tilespmem:$0x180]  }
0x151: {  	v37 =	vld [tilespmem:$0x190]  }
0x152: {  	v38 =	vld [tilespmem:$0x1A0]  }
0x153: {  	v39 =	vld [tilespmem:$0x1B0]  }
0x154: {  	v40 =	vld [tilespmem:$0x1F0]  }
0x155: {  	v41 =	vld [tilespmem:$0x1E0]  }
0x156: {  	v42 =	vld [tilespmem:$0x1D0]  }
0x157: {  	v43 =	vld [tilespmem:$0x1C0]  }
0x158: {  	v44 =	vld [tilespmem:$0x120]  }
0x159: {  	v45 =	vld [tilespmem:$0x130]  }
0x15a: {  	v19 =	vld [tilespmem:$0x140];
	v24 =	vperm.xlane v39, v17;
	v25 =	vperm.xlane v40, v17  }
0x15b: {  	v46 =	vld [tilespmem:$0x150];
	v23 =	vperm.xlane v38, v17;
	v26 =	vperm.xlane v41, v17  }
0x15c: {  	v47 =	vld [tilespmem:$0x160];
	v22 =	vperm.xlane v37, v17;
	v21 =	vperm.xlane v36, v17  }
0x15d: {  	v48 =	vld [tilespmem:$0x170];
	v27 =	vperm.xlane v42, v17;
	v28 =	vperm.xlane v43, v17;
	vm8 =	vge.f32 v18, v24  }
0x15e: {  	vm9 =	vge.f32 v63, v23;
	vm10 =	vge.f32 v44, v22;
	vm11 =	vge.f32 v45, v21  }
0x15f: {  	v18 =	vsel vm8, v18, v24;
	v19 =	vsel vm8, v19, v25;
	v20 =	vsel vm9, v63, v23  }
0x160: {  	v49 =	vsel vm9, v46, v26;
	v22 =	vsel vm10, v44, v22;
	v21 =	vsel vm11, v45, v21  }
0x161: {  	v50 =	vsel vm10, v47, v27;
	vm12 =	vge.f32 v18, v22;
	vm13 =	vge.f32 v20, v21  }
0x162: {  	v51 =	vsel vm11, v48, v28;
	v52 =	vsel vm12, v18, v22;
	v53 =	vsel vm13, v20, v21  }
0x163: {  	v54 =	vsel vm12, v19, v50;
	v55 =	vsel vm13, v49, v51;
	vm14 =	vge.f32 v52, v53  }
0x164: {  	v56 =	vsel vm14, v52, v53;
	v57 =	vsel vm14, v54, v55  }
0x165: {  	v18 =	vsel vm12, v22, v18;
	v19 =	vsel vm12, v50, v19;
	(xrf1) =	vsort.dscd.msk.f32 $0xffff, v56, v57  }
0x166: {  	v20 =	vsel vm13, v21, v20;
	v58 =	vsel vm14, v53, v52;
	v59 =	vsel vm14, v55, v54  }
0x167: {  	v60 =	vsel vm13, v51, v49;
	vm15 =	vge.f32 v18, v20;
	(xrf1) =	vsort.dscd.msk.f32 $0xffff, v58, v59  }
0x168: {  	v61 =	vsel vm15, v18, v20;
	v23 =	vsel vm15, v19, v60  }
0x169: {  	(xrf1) =	vsort.dscd.msk.f32 $0xffff, v61, v23  }
0x16a: {  	v18 =	vsel vm15, v20, v18;
	v19 =	vsel vm15, v60, v19  }
0x16b: {  	(xrf1) =	vsort.dscd.msk.f32 $0xffff, v18, v19;
	_ =	sdelay $0x7  }
0x16c: {  	v18, v19, _ =	vpop (xrf1)  }
0x16d: {  	[tilespmem:$0x100] =	vst v18  }
0x16e: {  	v18, v62, _ =	vpop (xrf1);
	[tilespmem:$0x140] =	vst v19  }
0x16f: {  	[tilespmem:$0x110] =	vst v18  }
0x170: {  	v18, v19, _ =	vpop (xrf1);
	[tilespmem:$0x150] =	vst v62  }
0x171: {  	[tilespmem:$0x120] =	vst v18  }
0x172: {  	v18, v63, _ =	vpop (xrf1);
	[tilespmem:$0x160] =	vst v19  }
0x173: {  	[tilespmem:$0x130] =	vst v18  }
0x174: {  	[tilespmem:$0x170] =	vst v63  }
0x175: {  	[spmem:s10] =	stream.linear.scatter [tilespmem:s19], [sflag:$0x2], $0x80, $0x38;
	[tilespmem:$0x7580] =	vst v63  }
.Ltmp2:
0x176: {  	_ =	swait.ge [sflag:s18], $0x80;
	(pc) =	sbr.rel @p0 .LBB2_3-.Ltmp2, $3  }
0x177: {  	[sflag:s18] =	ssyncset.done $0x0  }
0x178: {  	[sflag:s18] =	ssyncadd.s32 $0xFFFFFF80  }
0x179: {  	[bflag:$0x0] =	sbarrier.arrive $0xFFFF;
	_ =	sdelay $0x1  }
0x17a: {  	s5 =	rddreg [dreg:$0x6]  }
0x17b: {  	[tilespmem:s21], [sflag:$0x2] =	stream.linear.gather [hbm4b:s5+s4], $0x1000, $0x38;
	[tilespmem:$0x7580] =	vst v63  }
0x17c: {  	_ =	swait.ge [sflag:s18], $0x1000  }
0x17d: {  	[sflag:s18] =	ssyncset.done $0x0  }
0x17e: {  	[sflag:s18] =	ssyncadd.s32 $0xFFFFF000  }
0x17f: {  	s6 =	simm.s32 $0x1480;
	s7 =	rddreg [dreg:$0x2]  }
0x180: {  	[tilespmem:s6], [sflag:$0x2] =	stream.linear.gather [hbm4b:s7+s4], $0x80, $0x38;
	[tilespmem:$0x7580] =	vst v63  }
0x181: {  	_ =	swait.ge [sflag:s18], $0x80  }
0x182: {  	[sflag:s18] =	ssyncset.done $0x0  }
0x183: {  	[sflag:s18] =	ssyncadd.s32 $0xFFFFFF80  }
0x184: {  	v18 =	vld [tilespmem:$0x1490]  }
0x185: {  	v19 =	vld [tilespmem:$0x140];
	_ =	sdelay $0x4  }
0x186: {  	v20 =	vadd.s32 v18, v19  }
0x187: {  	v21 =	vld [tilespmem:$0x150];
	vm0 =	vgt.s32 v20, $0x0  }
0x188: {  	v20 =	vnsel vm0, $0x0, v20  }
0x189: {  	v20 =	vmin.u32 v20, $0xFFF;
	_ =	sdelay $0x2  }
0x18a: {  	[tilespmem:$0x7500] =	vst v19;
	v54 =	vadd.s32 v18, v21  }
0x18b: {  	v22 =	vld [tilespmem:$0x160];
	vm11 =	vgt.s32 v54, $0x0;
	[tilespmem:$0x1300] =	vst v20  }
0x18c: {  	v19 =	vld.idx.msk [tilespmem:v20+s21+$0x0], $0xffff;
	v20 =	vnsel vm11, $0x0, v54  }
0x18d: {  	v20 =	vmin.u32 v20, $0xFFF;
	_ =	sdelay $0x1  }
0x18e: {  	[tilespmem:$0x7510] =	vst v21  }
0x18f: {  	v55 =	vadd.s32 v18, v22;
	[tilespmem:$0x1310] =	vst v20  }
0x190: {  	v56 =	vld [tilespmem:$0x170];
	vm12 =	vgt.s32 v55, $0x0;
	[tilespmem:$0x1380] =	vst v19  }
0x191: {  	v19 =	vld.idx.msk [tilespmem:v20+s21+$0x0], $0xffff;
	v20 =	vnsel vm12, $0x0, v55  }
0x192: {  	v20 =	vmin.u32 v20, $0xFFF;
	_ =	sdelay $0x1  }
0x193: {  	[tilespmem:$0x7520] =	vst v22  }
0x194: {  	v57 =	vld [tilespmem:$0x140];
	v18 =	vadd.s32 v18, v56;
	[tilespmem:$0x1320] =	vst v20  }
0x195: {  	vm13 =	vgt.s32 v18, $0x0;
	[tilespmem:$0x1390] =	vst v19;
	v19 =	vld [tilespmem:$0x1480]  }
0x196: {  	v18 =	vnsel vm13, $0x0, v18;
	v20 =	vld.idx.msk [tilespmem:v20+s21+$0x0], $0xffff  }
0x197: {  	v18 =	vmin.u32 v18, $0xFFF;
	_ =	sdelay $0x1  }
0x198: {  	[tilespmem:$0x7530] =	vst v56  }
0x199: {  	[tilespmem:$0x1330] =	vst v18;
	v19 =	vadd.s32 v19, v57  }
0x19a: {  	[tilespmem:$0x13A0] =	vst v20;
	vm14 =	vgt.s32 v19, $0x0  }
0x19b: {  	v18 =	vld.idx.msk [tilespmem:v18+s21+$0x0], $0xffff;
	v19 =	vnsel vm14, $0x0, v19  }
0x19c: {  	v19 =	vmin.u32 v19, $0xFFF;
	_ =	sdelay $0x3  }
0x19d: {  	[tilespmem:$0x13B0] =	vst v18  }
0x19e: {  	v18 =	vld.idx.msk [tilespmem:v19+s21+$0x0], $0xffff;
	_ =	sdelay $0x4  }
0x19f: {  	s26 =	simm.s32 $0x7500;
	s8 =	rddreg [dreg:$0x3];
	[tilespmem:$0x1400] =	vst v18  }
0x1a0: {  	[hbm4b:s8+s4] =	stream.linear.scatter [tilespmem:s26], [sflag:$0x2], $0x80, $0x38;
	[tilespmem:$0x7580] =	vst v63  }
0x1a1: {  	_ =	swait.ge [sflag:s18], $0x80  }
0x1a2: {  	[sflag:s18] =	ssyncset.done $0x0  }
0x1a3: {  	s7 =	simm.s32 $0x1380;
	s6 =	rddreg [dreg:$0x7];
	[sflag:s18] =	ssyncadd.s32 $0xFFFFFF80  }
0x1a4: {  	[hbm4b:s6+s4] =	stream.linear.scatter [tilespmem:s7], [sflag:$0x2], $0x80, $0x38;
	[tilespmem:$0x7580] =	vst v63  }
0x1a5: {  	_ =	swait.ge [sflag:s18], $0x80  }
0x1a6: {  	[sflag:s18] =	ssyncset.done $0x0  }
0x1a7: {  	s26 =	simm.s32 $0x1400;
	s8 =	rddreg [dreg:$0x8];
	[sflag:s18] =	ssyncadd.s32 $0xFFFFFF80  }
0x1a8: {  	[hbm4b:s8+s4] =	stream.linear.scatter [tilespmem:s26], [sflag:$0x2], $0x80, $0x38;
	[tilespmem:$0x7580] =	vst v63  }
0x1a9: {  	_ =	swait.ge [sflag:s18], $0x80  }
0x1aa: {  	[sflag:s18] =	ssyncset.done $0x0  }
0x1ab: {  	[sflag:s18] =	ssyncadd.s32 $0xFFFFFF80  }
0x1ac: {  	v18 =	vld [tilespmem:$0x1300];
	_ =	sdelay $0x4  }
0x1ad: {  	v19 =	vshrl.u32 v18, $0x3  }
0x1ae: {  	v19 =	vmul.u32 $0x18, v19  }
0x1af: {  	v18 =	vand.u32 $0x7, v18  }
0x1b0: {  	v58 =	vshrl.u32 v0, $0x3;
	v18 =	vor.u32 v18, v19;
	v19 =	vand.u32 $0x7, v0  }
0x1b1: {  	v20 =	vmul.u32 $0x8, v58;
	v59 =	vperm.xlane v18, v19;
	_ =	sdelay $0x1  }
0x1b2: {  	v21 =	vadd.s32 v20, v59  }
0x1b3: {  	v60 =	vor.u32 $0x8, v0  }
0x1b4: {  	v18 =	vperm.xlane v18, v60;
	_ =	sdelay $0x1  }
0x1b5: {  	vm15 =	vmmov $0xffff;
	v18 =	vadd.s32 v20, v18  }
0x1b6: {  	[tilespmem:s22], [sflag:$0x1] =	stream.indirect_vreg.gather [hbm4b:s1+s4], $0x80, v21, vm15, $0xb8;
	[tilespmem:$0x7580] =	vst v63  }
0x1b7: {  	vm1 =	vmmov $0xff;
	s7 =	simm.s32 $0x1D00  }
0x1b8: {  	[tilespmem:s7], [sflag:$0x1] =	stream.indirect_vreg.gather [hbm4b:s17+s4], $0x80, v21, vm1, $0xb8;
	[tilespmem:$0x7580] =	vst v63  }
0x1b9: {  	s8 =	simm.s32 $0x2100  }
0x1ba: {  	[tilespmem:s8], [sflag:$0x1] =	stream.indirect_vreg.gather [hbm4b:s1+s4], $0x80, v18, vm15, $0xb8;
	[tilespmem:$0x7580] =	vst v63  }
0x1bb: {  	s26 =	simm.s32 $0x2900  }
0x1bc: {  	[tilespmem:s26], [sflag:$0x1] =	stream.indirect_vreg.gather [hbm4b:s17+s4], $0x80, v18, vm1, $0xb8;
	[tilespmem:$0x7580] =	vst v63  }
0x1bd: {  	v18 =	vld [tilespmem:$0x1310];
	_ =	sdelay $0x4  }
0x1be: {  	v61 =	vshrl.u32 v18, $0x3  }
0x1bf: {  	v21 =	vmul.u32 $0x18, v61  }
0x1c0: {  	v18 =	vand.u32 $0x7, v18  }
0x1c1: {  	v18 =	vor.u32 v18, v21  }
0x1c2: {  	v21 =	vperm.xlane v18, v19;
	_ =	sdelay $0x1  }
0x1c3: {  	v21 =	vadd.s32 v20, v21;
	_ =	sdelay $0x1  }
0x1c4: {  	v18 =	vperm.xlane v18, v60;
	_ =	sdelay $0x1  }
0x1c5: {  	s6 =	simm.s32 $0x2D00;
	v18 =	vadd.s32 v20, v18  }
0x1c6: {  	[tilespmem:s6], [sflag:$0x1] =	stream.indirect_vreg.gather [hbm4b:s1+s4], $0x80, v21, vm15, $0xb8;
	[tilespmem:$0x7580] =	vst v63  }
0x1c7: {  	s7 =	simm.s32 $0x3500  }
0x1c8: {  	[tilespmem:s7], [sflag:$0x1] =	stream.indirect_vreg.gather [hbm4b:s17+s4], $0x80, v21, vm1, $0xb8;
	[tilespmem:$0x7580] =	vst v63  }
0x1c9: {  	s8 =	simm.s32 $0x3900  }
0x1ca: {  	[tilespmem:s8], [sflag:$0x1] =	stream.indirect_vreg.gather [hbm4b:s1+s4], $0x80, v18, vm15, $0xb8;
	[tilespmem:$0x7580] =	vst v63  }
0x1cb: {  	_ = 	snop  }
0x1cc: {  	[tilespmem:s2], [sflag:$0x1] =	stream.indirect_vreg.gather [hbm4b:s17+s4], $0x80, v18, vm1, $0xb8;
	[tilespmem:$0x7580] =	vst v63  }
0x1cd: {  	v18 =	vld [tilespmem:$0x1320];
	_ =	sdelay $0x4  }
0x1ce: {  	v62 =	vshrl.u32 v18, $0x3  }
0x1cf: {  	v21 =	vmul.u32 $0x18, v62  }
0x1d0: {  	v18 =	vand.u32 $0x7, v18  }
0x1d1: {  	v18 =	vor.u32 v18, v21  }
0x1d2: {  	v21 =	vperm.xlane v18, v19;
	_ =	sdelay $0x1  }
0x1d3: {  	v21 =	vadd.s32 v20, v21;
	_ =	sdelay $0x1  }
0x1d4: {  	v18 =	vperm.xlane v18, v60;
	_ =	sdelay $0x1  }
0x1d5: {  	v18 =	vadd.s32 v20, v18  }
0x1d6: {  	[tilespmem:s3], [sflag:$0x1] =	stream.indirect_vreg.gather [hbm4b:s1+s4], $0x80, v21, vm15, $0xb8;
	[tilespmem:$0x7580] =	vst v63  }
0x1d7: {  	_ = 	snop  }
0x1d8: {  	[tilespmem:s23], [sflag:$0x1] =	stream.indirect_vreg.gather [hbm4b:s17+s4], $0x80, v21, vm1, $0xb8;
	[tilespmem:$0x7580] =	vst v63  }
0x1d9: {  	_ = 	snop  }
0x1da: {  	[tilespmem:s24], [sflag:$0x1] =	stream.indirect_vreg.gather [hbm4b:s1+s4], $0x80, v18, vm15, $0xb8;
	[tilespmem:$0x7580] =	vst v63  }
0x1db: {  	_ = 	snop  }
0x1dc: {  	[tilespmem:s25], [sflag:$0x1] =	stream.indirect_vreg.gather [hbm4b:s17+s4], $0x80, v18, vm1, $0xb8;
	[tilespmem:$0x7580] =	vst v63  }
0x1dd: {  	v18 =	vld [tilespmem:$0x1330];
	_ =	sdelay $0x4  }
0x1de: {  	v63 =	vshrl.u32 v18, $0x3  }
0x1df: {  	v21 =	vmul.u32 $0x18, v63  }
0x1e0: {  	v18 =	vand.u32 $0x7, v18  }
0x1e1: {  	v18 =	vor.u32 v18, v21  }
0x1e2: {  	v19 =	vperm.xlane v18, v19;
	_ =	sdelay $0x1  }
0x1e3: {  	v19 =	vadd.s32 v20, v19;
	_ =	sdelay $0x1  }
0x1e4: {  	v18 =	vperm.xlane v18, v60;
	_ =	sdelay $0x1  }
0x1e5: {  	v18 =	vadd.s32 v20, v18  }
0x1e6: {  	[tilespmem:s28], [sflag:$0x1] =	stream.indirect_vreg.gather [hbm4b:s1+s4], $0x80, v19, vm15, $0xb8;
	[tilespmem:$0x7580] =	vst v63  }
0x1e7: {  	_ = 	snop  }
0x1e8: {  	[tilespmem:s29], [sflag:$0x1] =	stream.indirect_vreg.gather [hbm4b:s17+s4], $0x80, v19, vm1, $0xb8;
	[tilespmem:$0x7580] =	vst v63  }
0x1e9: {  	_ = 	snop  }
0x1ea: {  	[tilespmem:s30], [sflag:$0x1] =	stream.indirect_vreg.gather [hbm4b:s1+s4], $0x80, v18, vm15, $0xb8;
	[tilespmem:$0x7580] =	vst v63  }
0x1eb: {  	_ = 	snop  }
0x1ec: {  	[tilespmem:s31], [sflag:$0x1] =	stream.indirect_vreg.gather [hbm4b:s17+s4], $0x80, v18, vm1, $0xb8;
	[tilespmem:$0x7580] =	vst v63  }
0x1ed: {  	_ =	swait.ge [sflag:s0], $0x6000  }
0x1ee: {  	[sflag:s0] =	ssyncset.done $0x0  }
.Ltmp3:
0x1ef: {  	s26 =	rddreg [dreg:$0x9];
	[sflag:s0] =	ssyncadd.s32 $0xFFFFA000;
	(pc) =	sbr.rel .LBB2_3-.Ltmp3, $4  }
0x1f0: {  	[hbm4b:s26+s4] =	stream.linear.scatter [tilespmem:s22], [sflag:$0x2], $0x6000, $0x38;
	[tilespmem:$0x7580] =	vst v63  }
0x1f1: {  	_ =	swait.ge [sflag:s18], $0x6000  }
0x1f2: {  	[sflag:s18] =	ssyncset.done $0x0  }
0x1f3: {  	[sflag:s18] =	ssyncadd.s32 $0xFFFFA000  }
.LBB2_4:
0x1f4: {  	_ =	sfence.sel $0x180000  }
0x1f5: {  	[bflag:$0x0] =	sbarrier.arrive $0xFFFF  }
0x1f6: {  	_ =	strace $0x90000047  }
0x1f7: {  	[bflag:$0x2] =	sbarrier.arrive $0xFFFF  }
0x1f8: {  	s0 =	rddreg [dreg:$0x5]  }
0x1f9: {  	s0 =	sadd.s32 @!p0 $0x100000, s0  }
0x1fa: {  	[sflag:s0] =	ssyncadd.tile.s32 @!p0 $0x1;
	_ =	shalt  }
.Lfunc_end2:
_tile_overlayer_lowered:
.L_overlay_start_2:
0x1fb: {  	(tag) =	ssettag $0x2  }
0x1fc: {  	s0 =	rddreg [dreg:$0x0];
	s2 =	stileid.u32  }
0x1fd: {  	s1 =	rddreg [dreg:$0x1];
	p0 =	sne.s32 s2, $0x0  }
0x1fe: {  	s3 =	rddreg [dreg:$0x2];
	[bflag:$0x3] =	sbarrier.arrive $0xFFFF;
	s2 =	simm.s32 @!p0 $0x1C02  }
0x1ff: {  	[timem:s3], [sflag:s2] =	dma.local @!p0 [hbm:s0], s1  }
0x200: {  	s0 =	simm.s32 @!p0 $0x2  }
0x201: {  	_ =	swait.ge @!p0 [sflag:s0], s1  }
0x202: {  	s1 =	ssub.s32 @!p0 $0x0, s1;
	[sflag:s0] =	ssyncset.done @!p0 $0x0  }
0x203: {  	[sflag:s0] =	ssyncadd.s32 @!p0 s1  }
0x204: {  	[bflag:$0x3] =	sbarrier.arrive $0xFFFF  }
0x205: {  	_ =	shalt  }

</sc_bundles>
